<compile_context>
chip_gen: v7x
topology: tpu7x:2x2x1
jax: 0.10.2.dev20260603
libtpu: 0.0.44.dev20260713+nightly
codegen_flags: <defaults>
</compile_context>

<pallas_src>
import functools

import jax
import jax.numpy as jnp
from jax import lax
from jax.experimental import pallas as pl
from jax.experimental.pallas import tpu as pltpu
from jax.experimental.pallas import tpu_sc as plsc

N_RAYS = 4096
TOTAL = 131072
NUM_EMB = 120000
VOXEL = 0.02
MIN_BETA = VOXEL

_NC = 2
_NS = 16
_NW = _NC * _NS

_P1 = 2654435761
_P2 = 805459861


def _make_sc_gather(V, D, B, K=16):
  IB = B // 128
  per_w = IB // _NW
  n_out = per_w // K
  assert IB % _NW == 0 and per_w % K == 0
  mesh = plsc.VectorSubcoreMesh(core_axis_name="c", subcore_axis_name="s")

  @functools.partial(
      pl.kernel,
      mesh=mesh,
      out_type=jax.ShapeDtypeStruct((B, D), jnp.float32),
      compiler_params=pltpu.CompilerParams(use_tc_tiling_on_sc=False),
      scratch_types=[
          pltpu.VMEM((K, 128), jnp.int32),
          pltpu.VMEM((K * 128, D), jnp.float32),
          pltpu.SemaphoreType.DMA,
      ],
  )
  def gather_kernel(table_hbm, idx_hbm, out_hbm, idx_v, rows_v, sem):
    wid = lax.axis_index("s") * _NC + lax.axis_index("c")
    row0 = wid * per_w

    def body(g, carry):
      r = row0 + g * K
      pltpu.sync_copy(idx_hbm.at[pl.ds(r, K)], idx_v)
      copies = []
      for j in range(K):
        copies.append(
            pltpu.async_copy(
                table_hbm.at[idx_v.at[j]],
                rows_v.at[pl.ds(j * 128, 128)],
                sem,
            ))
      for c in copies:
        c.wait()
      pltpu.sync_copy(rows_v, out_hbm.at[pl.ds(r * 128, K * 128)])
      return carry

    lax.fori_loop(0, n_out, body, 0)

  return gather_kernel


_gather_rays = _make_sc_gather(N_RAYS, 8, TOTAL)
_gather_emb = _make_sc_gather(NUM_EMB, 8, TOTAL * 8)

_RB = 2048
_RBF = 512


def _hash_body(rays_ref, tn_ref, tf_ref, idx_ref, frac_ref):
  tm = 0.5 * (tn_ref[...] + tf_ref[...])
  x0i = []
  for d in range(3):
    xd = rays_ref[d] + tm * rays_ref[d + 3]
    xs = xd / jnp.float32(VOXEL)
    x0 = jnp.floor(xs)
    frac_ref[d] = xs - x0
    x0i.append(x0.astype(jnp.int32))
  c = 0
  for i in (0, 1):
    for j in (0, 1):
      for k in (0, 1):
        ux = (x0i[0] + i).astype(jnp.uint32)
        uy = (x0i[1] + j).astype(jnp.uint32) * jnp.uint32(_P1)
        uz = (x0i[2] + k).astype(jnp.uint32) * jnp.uint32(_P2)
        h = (ux ^ uy ^ uz) % jnp.uint32(NUM_EMB)
        idx_ref[c] = h.astype(jnp.int32)
        c += 1


def _field_body(emb_ref, frac_ref, tn_ref, tf_ref, beta_ref,
                rgb_ref, grads_ref, sdt_ref):
  fx = frac_ref[0]
  fy = frac_ref[1]
  fz = frac_ref[2]
  mx = 1.0 - fx
  my = 1.0 - fy
  mz = 1.0 - fz
  sdf = jnp.zeros_like(fx)
  r0 = jnp.zeros_like(fx)
  r1 = jnp.zeros_like(fx)
  r2 = jnp.zeros_like(fx)
  gx = jnp.zeros_like(fx)
  gy = jnp.zeros_like(fx)
  gz = jnp.zeros_like(fx)
  c = 0
  for i in (0, 1):
    for j in (0, 1):
      for k in (0, 1):
        tx = fx if i else mx
        ty = fy if j else my
        tz = fz if k else mz
        tyz = ty * tz
        w = tx * tyz
        sdf_c = emb_ref[c, 0]
        sdf = sdf + w * sdf_c
        r0 = r0 + w * emb_ref[c, 1]
        r1 = r1 + w * emb_ref[c, 2]
        r2 = r2 + w * emb_ref[c, 3]
        gx = gx + sdf_c * (tyz if i else -tyz)
        txz = tx * tz
        gy = gy + sdf_c * (txz if j else -txz)
        txy = tx * ty
        gz = gz + sdf_c * (txy if k else -txy)
        c += 1
  inv_cell = 1.0 / jnp.float32(VOXEL)
  grads_ref[0] = gx * inv_cell
  grads_ref[1] = gy * inv_cell
  grads_ref[2] = gz * inv_cell
  beta_t = MIN_BETA + jnp.abs(beta_ref[0, 0])
  alpha = 1.0 / beta_t
  sig = alpha * (0.5 + 0.5 * jnp.sign(sdf) *
                 (jnp.exp(-jnp.abs(sdf) / beta_t) - 1.0))
  sdt_ref[...] = sig * (tf_ref[...] - tn_ref[...])
  rgb_ref[0] = r0
  rgb_ref[1] = r1
  rgb_ref[2] = r2


def _hash_stage(raysp, tnp, tfp):
  tp = TOTAL // 128
  br = 256
  grid = tp // br
  return pl.pallas_call(
      _hash_body,
      grid=(grid,),
      in_specs=[
          pl.BlockSpec((6, br, 128), lambda i: (0, i, 0)),
          pl.BlockSpec((br, 128), lambda i: (i, 0)),
          pl.BlockSpec((br, 128), lambda i: (i, 0)),
      ],
      out_specs=[
          pl.BlockSpec((8, br, 128), lambda i: (0, i, 0)),
          pl.BlockSpec((3, br, 128), lambda i: (0, i, 0)),
      ],
      out_shape=[
          jax.ShapeDtypeStruct((8, tp, 128), jnp.int32),
          jax.ShapeDtypeStruct((3, tp, 128), jnp.float32),
      ],
  )(raysp, tnp, tfp)


def _field_stage(embp, fracp, tnp, tfp, beta2d):
  tp = TOTAL // 128
  br = 256
  grid = tp // br
  return pl.pallas_call(
      _field_body,
      grid=(grid,),
      in_specs=[
          pl.BlockSpec((8, 4, br, 128), lambda i: (0, 0, i, 0)),
          pl.BlockSpec((3, br, 128), lambda i: (0, i, 0)),
          pl.BlockSpec((br, 128), lambda i: (i, 0)),
          pl.BlockSpec((br, 128), lambda i: (i, 0)),
          pl.BlockSpec((1, 1), lambda i: (0, 0)),
      ],
      out_specs=[
          pl.BlockSpec((3, br, 128), lambda i: (0, i, 0)),
          pl.BlockSpec((3, br, 128), lambda i: (0, i, 0)),
          pl.BlockSpec((br, 128), lambda i: (i, 0)),
      ],
      out_shape=[
          jax.ShapeDtypeStruct((3, tp, 128), jnp.float32),
          jax.ShapeDtypeStruct((3, tp, 128), jnp.float32),
          jax.ShapeDtypeStruct((tp, 128), jnp.float32),
      ],
  )(embp, fracp, tnp, tfp, beta2d)


@jax.jit
def _kernel_impl(rays_o, rays_d, rays_d_norm, ray_indices, t_nears, t_fars,
                 table, beta):
  rays_cat = jnp.concatenate(
      [rays_o, rays_d, jnp.zeros((N_RAYS, 2), jnp.float32)], axis=1)
  ridx2d = ray_indices.reshape(TOTAL // 128, 128)
  ray_rows = _gather_rays(rays_cat, ridx2d)

  tp = TOTAL // 128
  tnp = t_nears.reshape(tp, 128)
  tfp = t_fars.reshape(tp, 128)
  raysp = jnp.transpose(ray_rows[:, :6], (1, 0)).reshape(6, tp, 128)
  idxp, fracp = _hash_stage(raysp, tnp, tfp)

  table_pad = jnp.concatenate(
      [table, jnp.zeros((NUM_EMB, 3), jnp.float32)], axis=1)
  emb_rows = _gather_emb(table_pad, idxp.reshape(TOTAL * 8 // 128, 128))
  embp = jnp.transpose(emb_rows.reshape(8, TOTAL, 8)[:, :, :4],
                       (0, 2, 1)).reshape(8, 4, tp, 128)
  rgbp, gradp, sdtp = _field_stage(embp, fracp, tnp, tfp, beta.reshape(1, 1))
  rgb = jnp.transpose(rgbp.reshape(3, TOTAL), (1, 0))
  sdf_grads = jnp.transpose(gradp.reshape(3, TOTAL), (1, 0))

  gnorm = jnp.sqrt(jnp.sum(sdf_grads * sdf_grads, axis=1, keepdims=True))
  normals = sdf_grads / jnp.maximum(gnorm, 1e-12)

  sdt = sdtp.reshape(TOTAL)
  cum = jnp.cumsum(sdt)
  excl = cum - sdt
  seg_start = jnp.concatenate(
      [jnp.ones((1,), bool), ray_indices[1:] != ray_indices[:-1]])
  base = lax.cummax(jnp.where(seg_start, excl, -jnp.inf))
  trans = jnp.exp(-(excl - base))
  weights = (1.0 - jnp.exp(-sdt)) * trans

  t_mid = 0.5 * (t_nears + t_fars)
  w1 = weights[:, None]
  vals = jnp.concatenate([w1 * rgb, w1 * t_mid, w1 * normals, w1], axis=1)
  seg = jax.ops.segment_sum(vals, ray_indices, num_segments=N_RAYS,
                            indices_are_sorted=True)
  rendered_rgb = seg[:, 0:3]
  rendered_depth = seg[:, 3:4] / rays_d_norm
  rendered_normals = seg[:, 4:7]
  accumulated_weights = seg[:, 7:8]
  return (rendered_rgb, rendered_depth, rendered_normals,
          accumulated_weights, sdf_grads)


def kernel(rays_o, rays_d, rays_d_norm, ray_indices, t_nears, t_fars, table,
           beta):
  return _kernel_impl(rays_o, rays_d, rays_d_norm, ray_indices, t_nears,
                      t_fars, table, beta)

# --- scband reference (transcript-rebuilt; emitter-appended) ---
"""Pipeline reference for scband-plain-voxels-45457933861323 (READ-ONLY COPY).

The authoritative reference and input builder live on the scoring server;
editing this copy changes nothing except your own understanding.
"""

import jax, jax.numpy as jnp
import numpy as np

N_RAYS = 4096
TOTAL = 131072
NUM_EMB = 120000
VOXEL = 0.02
MIN_BETA = VOXEL

_OFFSETS = jnp.array([[i, j, k] for i in (0, 1) for j in (0, 1) for k in (0, 1)], dtype=jnp.int32)  # [8,3]
_PRIMES = jnp.array([1, 2654435761, 805459861], dtype=jnp.uint32)


def hash_grid_query(x, table, cell_size):
    # trilinear interpolation on a spatially-hashed sparse-dense voxel grid
    xs = x / cell_size
    x0 = jax.lax.stop_gradient(jnp.floor(xs))
    frac = xs - x0  # [N,3], differentiable w.r.t. x
    x0i = x0.astype(jnp.int32)
    corners = x0i[:, None, :] + _OFFSETS[None, :, :]  # [N,8,3]
    c = corners.astype(jnp.uint32) * _PRIMES[None, None, :]
    h = jnp.bitwise_xor(jnp.bitwise_xor(c[..., 0], c[..., 1]), c[..., 2]) % jnp.uint32(NUM_EMB)
    idx = h.astype(jnp.int32)  # [N,8]
    emb = jnp.take(table, idx, axis=0)  # gather: [N,8,5]
    w = jnp.prod(jnp.where(_OFFSETS[None, :, :] == 1, frac[:, None, :], 1.0 - frac[:, None, :]), axis=-1)  # [N,8]
    out = jnp.sum(w[..., None] * emb, axis=1)  # [N,5]
    return out


def sdf_to_sigma(sdf, beta_param):
    beta = MIN_BETA + jnp.abs(beta_param)
    alpha = 1.0 / beta
    return alpha * (0.5 + 0.5 * jnp.sign(sdf) * jnp.expm1(-jnp.abs(sdf) / beta))


def setup_inputs(seed: int = 0) -> dict:
    key = jax.random.key(seed)
    k1, k2, k3, k4, k5, k6 = jax.random.split(key, 6)
    rays_o = jax.random.normal(k1, (N_RAYS, 3), dtype=jnp.float32)
    rd = jax.random.normal(k2, (N_RAYS, 3), dtype=jnp.float32)
    rays_d = rd / jnp.maximum(jnp.linalg.norm(rd, axis=-1, keepdims=True), 1e-12)
    rays_d_norm = jnp.ones((N_RAYS, 1), dtype=jnp.float32)
    ray_indices = jnp.sort(jax.random.randint(k3, (TOTAL,), 0, N_RAYS)).astype(jnp.int32)
    t_nears = (jax.random.uniform(k4, (TOTAL, 1), dtype=jnp.float32) * 2.0 + 0.1)
    t_fars = t_nears + jax.random.uniform(k5, (TOTAL, 1), dtype=jnp.float32) * 0.05 + 1e-3
    table = jax.random.normal(k6, (NUM_EMB, 5), dtype=jnp.float32) * 0.1
    beta = jnp.array([2.0 * VOXEL], dtype=jnp.float32)
    return {"rays_o": rays_o, "rays_d": rays_d, "rays_d_norm": rays_d_norm,
            "ray_indices": ray_indices, "t_nears": t_nears, "t_fars": t_fars,
            "table": table, "beta": beta}


def reference(rays_o, rays_d, rays_d_norm, ray_indices, t_nears, t_fars, table, beta):
    t_mid = 0.5 * (t_nears + t_fars)  # [T,1]
    x = rays_o[ray_indices] + t_mid * rays_d[ray_indices]  # gather: [T,3]
    emb = hash_grid_query(x, table, VOXEL)  # [T,5]
    sdfs = emb[:, 0:1]
    rgbs = emb[:, 1:4]
    # sdf gradient w.r.t. sample position (autograd.grad equivalent)
    sdf_grads = jax.grad(lambda xx: jnp.sum(hash_grid_query(xx, table, VOXEL)[:, 0]))(x)  # [T,3]
    normals = sdf_grads / jnp.maximum(jnp.linalg.norm(sdf_grads, axis=-1, keepdims=True), 1e-12)
    sigmas = sdf_to_sigma(sdfs, beta)[:, 0]  # [T] (masks are all-true)
    dt = (t_fars - t_nears)[:, 0]
    sdt = sigmas * dt
    # nerfacc.render_weight_from_density: exclusive per-ray transmittance
    cum = jnp.cumsum(sdt)
    excl = cum - sdt
    counts = jnp.bincount(ray_indices, length=N_RAYS)
    starts = jnp.concatenate([jnp.zeros((1,), jnp.int32), jnp.cumsum(counts)[:-1].astype(jnp.int32)])
    starts = jnp.minimum(starts, TOTAL - 1)
    base = excl[starts][ray_indices]
    trans = jnp.exp(-(excl - base))
    weights = (1.0 - jnp.exp(-sdt)) * trans  # [T]
    # nerfacc.accumulate_along_rays -> segment_sum
    rendered_rgb = jax.ops.segment_sum(weights[:, None] * rgbs, ray_indices, num_segments=N_RAYS)
    rendered_depth = jax.ops.segment_sum(weights[:, None] * t_mid, ray_indices, num_segments=N_RAYS) / rays_d_norm
    rendered_normals = jax.ops.segment_sum(weights[:, None] * normals, ray_indices, num_segments=N_RAYS)
    accumulated_weights = jax.ops.segment_sum(weights, ray_indices, num_segments=N_RAYS)[:, None]
    return (rendered_rgb, rendered_depth, rendered_normals, accumulated_weights, sdf_grads)

if __name__ == "__main__":
    import jax
    _d = setup_inputs()
    print(jax.jit(kernel)(*tuple(_d.values())))

</pallas_src>

<mosaic_0001>
#map = affine_map<(d0, d1) -> (0, 0)>
module attributes {stable_mosaic.version = 14 : i64} {
  func.func @gather_kernel(%arg0: i32, %arg1: i32, %arg2: memref<4096x8xf32, #tpu.memory_space<hbm>>, %arg3: memref<1024x128xi32, #tpu.memory_space<hbm>>, %arg4: memref<131072x8xf32, #tpu.memory_space<hbm>>, %arg5: memref<16x128xi32, #tpu.memory_space<vmem>>, %arg6: memref<2048x8xf32, #tpu.memory_space<vmem>>, %arg7: memref<!tpu.dma_semaphore, #tpu.memory_space<semaphore_mem>>) attributes {dimension_semantics = [#tpu.dimension_semantics<core_parallel>, #tpu.dimension_semantics<subcore_parallel>], iteration_bounds = array<i64: 2, 16>, scalar_prefetch = 0 : i64, scratch_operands = 3 : i64, tpu.core_type = #tpu.core_type<sc_vector_subcore>, window_params = [{transform_indices = #map}, {transform_indices = #map}, {transform_indices = #map}]} {
    %mul3A = arith.constant 2 : i32
    %mul3A_0 = arith.muli %arg1, %mul3A : i32
    %add3A = arith.addi %mul3A_0, %arg0 : i32
    %mul3A_1 = arith.constant 32 : i32
    %mul3A_2 = arith.muli %add3A, %mul3A_1 : i32
    %scan3A = arith.constant 0 : i32
    %scan3A_3 = arith.constant 0 : i32
    %scan3A_4 = arith.constant 2 : i32
    %scan3A_5 = arith.addi %scan3A_3, %scan3A_4 : i32
    %scan3A_6 = arith.constant 1 : i32
    scf.for %scan3A_8 = %scan3A_3 to %scan3A_5 step %scan3A_6  : i32 {
      %mul3A_9 = arith.constant 16 : i32
      %mul3A_10 = arith.muli %scan3A_8, %mul3A_9 : i32
      %add3A_11 = arith.addi %mul3A_2, %mul3A_10 : i32
      "tpu.region"() ({
        %run_scoped3A = tpu.sem_alloc : memref<!tpu.dma_semaphore, #tpu.memory_space<semaphore_mem>>
        %dma_start3A_332 = arith.constant 0 : i32
        %dma_start3A_333 = tpu.memref_slice %arg3[%add3A_11, %dma_start3A_332] : memref<1024x128xi32, #tpu.memory_space<hbm>> -> memref<16x128xi32, #tpu.memory_space<hbm>>
        %dma_start3A_334 = arith.constant 0 : i32
        %dma_start3A_335 = tpu.memref_slice %arg3[%add3A_11, %dma_start3A_334] : memref<1024x128xi32, #tpu.memory_space<hbm>> -> memref<16x128xi32, #tpu.memory_space<hbm>>
        tpu.enqueue_dma source(%dma_start3A_335 : memref<16x128xi32, #tpu.memory_space<hbm>>) target(%arg5 : memref<16x128xi32, #tpu.memory_space<vmem>>) target_semaphore(%run_scoped3A : memref<!tpu.dma_semaphore, #tpu.memory_space<semaphore_mem>>)
        %dma_wait3A_336 = arith.constant 0 : i32
        %dma_wait3A_337 = tpu.memref_slice %arg3[%add3A_11, %dma_wait3A_336] : memref<1024x128xi32, #tpu.memory_space<hbm>> -> memref<16x128xi32, #tpu.memory_space<hbm>>
        %dma_wait3A_338 = arith.constant 0 : i32
        %dma_wait3A_339 = tpu.memref_slice %arg3[%add3A_11, %dma_wait3A_338] : memref<1024x128xi32, #tpu.memory_space<hbm>> -> memref<16x128xi32, #tpu.memory_space<hbm>>
        tpu.wait_dma2 semaphore(%run_scoped3A : memref<!tpu.dma_semaphore, #tpu.memory_space<semaphore_mem>>) src(%dma_wait3A_339 : memref<16x128xi32, #tpu.memory_space<hbm>>) dst(%arg5 : memref<16x128xi32, #tpu.memory_space<vmem>>)
        tpu.yield
      }) : () -> ()
      %dma_start3A = arith.constant 0 : i32
      %dma_start3A_12 = arith.constant 0 : i32
      %dma_start3A_13 = arith.constant 0 : i32
      %dma_start3A_14 = tpu.memref_slice %arg6[%dma_start3A_12, %dma_start3A_13] : memref<2048x8xf32, #tpu.memory_space<vmem>> -> memref<128x8xf32, #tpu.memory_space<vmem>>
      %dma_start3A_15 = arith.constant 0 : i32
      %dma_start3A_16 = tpu.memref_slice %arg5[%dma_start3A, %dma_start3A_15] : memref<16x128xi32, #tpu.memory_space<vmem>> -> memref<1x128xi32, #tpu.memory_space<vmem>>
      %dma_start3A_17 = tpu.memref_squeeze %dma_start3A_16 : memref<1x128xi32, #tpu.memory_space<vmem>> -> memref<128xi32, #tpu.memory_space<vmem>>
      %dma_start3A_18 = arith.constant 0 : i32
      %dma_start3A_19 = arith.constant 0 : i32
      %dma_start3A_20 = tpu.memref_slice %arg2[%dma_start3A_18, %dma_start3A_19] : memref<4096x8xf32, #tpu.memory_space<hbm>> -> memref<4096x8xf32, #tpu.memory_space<hbm>>
      tpu.enqueue_indirect_dma source(%dma_start3A_20 : memref<4096x8xf32, #tpu.memory_space<hbm>>) target(%dma_start3A_14 : memref<128x8xf32, #tpu.memory_space<vmem>>) offsets(%dma_start3A_17 : memref<128xi32, #tpu.memory_space<vmem>>) semaphore(%arg7 : memref<!tpu.dma_semaphore, #tpu.memory_space<semaphore_mem>>)
      %dma_start3A_21 = arith.constant 1 : i32
      %dma_start3A_22 = arith.constant 128 : i32
      %dma_start3A_23 = arith.constant 0 : i32
      %dma_start3A_24 = tpu.memref_slice %arg6[%dma_start3A_22, %dma_start3A_23] : memref<2048x8xf32, #tpu.memory_space<vmem>> -> memref<128x8xf32, #tpu.memory_space<vmem>>
      %dma_start3A_25 = arith.constant 0 : i32
      %dma_start3A_26 = tpu.memref_slice %arg5[%dma_start3A_21, %dma_start3A_25] : memref<16x128xi32, #tpu.memory_space<vmem>> -> memref<1x128xi32, #tpu.memory_space<vmem>>
      %dma_start3A_27 = tpu.memref_squeeze %dma_start3A_26 : memref<1x128xi32, #tpu.memory_space<vmem>> -> memref<128xi32, #tpu.memory_space<vmem>>
      %dma_start3A_28 = arith.constant 0 : i32
      %dma_start3A_29 = arith.constant 0 : i32
      %dma_start3A_30 = tpu.memref_slice %arg2[%dma_start3A_28, %dma_start3A_29] : memref<4096x8xf32, #tpu.memory_space<hbm>> -> memref<4096x8xf32, #tpu.memory_space<hbm>>
      tpu.enqueue_indirect_dma source(%dma_start3A_30 : memref<4096x8xf32, #tpu.memory_space<hbm>>) target(%dma_start3A_24 : memref<128x8xf32, #tpu.memory_space<vmem>>) offsets(%dma_start3A_27 : memref<128xi32, #tpu.memory_space<vmem>>) semaphore(%arg7 : memref<!tpu.dma_semaphore, #tpu.memory_space<semaphore_mem>>)
      %dma_start3A_31 = arith.constant 2 : i32
      %dma_start3A_32 = arith.constant 256 : i32
      %dma_start3A_33 = arith.constant 0 : i32
      %dma_start3A_34 = tpu.memref_slice %arg6[%dma_start3A_32, %dma_start3A_33] : memref<2048x8xf32, #tpu.memory_space<vmem>> -> memref<128x8xf32, #tpu.memory_space<vmem>>
      %dma_start3A_35 = arith.constant 0 : i32
      %dma_start3A_36 = tpu.memref_slice %arg5[%dma_start3A_31, %dma_start3A_35] : memref<16x128xi32, #tpu.memory_space<vmem>> -> memref<1x128xi32, #tpu.memory_space<vmem>>
      %dma_start3A_37 = tpu.memref_squeeze %dma_start3A_36 : memref<1x128xi32, #tpu.memory_space<vmem>> -> memref<128xi32, #tpu.memory_space<vmem>>
      %dma_start3A_38 = arith.constant 0 : i32
      %dma_start3A_39 = arith.constant 0 : i32
      %dma_start3A_40 = tpu.memref_slice %arg2[%dma_start3A_38, %dma_start3A_39] : memref<4096x8xf32, #tpu.memory_space<hbm>> -> memref<4096x8xf32, #tpu.memory_space<hbm>>
      tpu.enqueue_indirect_dma source(%dma_start3A_40 : memref<4096x8xf32, #tpu.memory_space<hbm>>) target(%dma_start3A_34 : memref<128x8xf32, #tpu.memory_space<vmem>>) offsets(%dma_start3A_37 : memref<128xi32, #tpu.memory_space<vmem>>) semaphore(%arg7 : memref<!tpu.dma_semaphore, #tpu.memory_space<semaphore_mem>>)
      %dma_start3A_41 = arith.constant 3 : i32
      %dma_start3A_42 = arith.constant 384 : i32
      %dma_start3A_43 = arith.constant 0 : i32
      %dma_start3A_44 = tpu.memref_slice %arg6[%dma_start3A_42, %dma_start3A_43] : memref<2048x8xf32, #tpu.memory_space<vmem>> -> memref<128x8xf32, #tpu.memory_space<vmem>>
      %dma_start3A_45 = arith.constant 0 : i32
      %dma_start3A_46 = tpu.memref_slice %arg5[%dma_start3A_41, %dma_start3A_45] : memref<16x128xi32, #tpu.memory_space<vmem>> -> memref<1x128xi32, #tpu.memory_space<vmem>>
      %dma_start3A_47 = tpu.memref_squeeze %dma_start3A_46 : memref<1x128xi32, #tpu.memory_space<vmem>> -> memref<128xi32, #tpu.memory_space<vmem>>
      %dma_start3A_48 = arith.constant 0 : i32
      %dma_start3A_49 = arith.constant 0 : i32
      %dma_start3A_50 = tpu.memref_slice %arg2[%dma_start3A_48, %dma_start3A_49] : memref<4096x8xf32, #tpu.memory_space<hbm>> -> memref<4096x8xf32, #tpu.memory_space<hbm>>
      tpu.enqueue_indirect_dma source(%dma_start3A_50 : memref<4096x8xf32, #tpu.memory_space<hbm>>) target(%dma_start3A_44 : memref<128x8xf32, #tpu.memory_space<vmem>>) offsets(%dma_start3A_47 : memref<128xi32, #tpu.memory_space<vmem>>) semaphore(%arg7 : memref<!tpu.dma_semaphore, #tpu.memory_space<semaphore_mem>>)
      %dma_start3A_51 = arith.constant 4 : i32
      %dma_start3A_52 = arith.constant 512 : i32
      %dma_start3A_53 = arith.constant 0 : i32
      %dma_start3A_54 = tpu.memref_slice %arg6[%dma_start3A_52, %dma_start3A_53] : memref<2048x8xf32, #tpu.memory_space<vmem>> -> memref<128x8xf32, #tpu.memory_space<vmem>>
      %dma_start3A_55 = arith.constant 0 : i32
      %dma_start3A_56 = tpu.memref_slice %arg5[%dma_start3A_51, %dma_start3A_55] : memref<16x128xi32, #tpu.memory_space<vmem>> -> memref<1x128xi32, #tpu.memory_space<vmem>>
      %dma_start3A_57 = tpu.memref_squeeze %dma_start3A_56 : memref<1x128xi32, #tpu.memory_space<vmem>> -> memref<128xi32, #tpu.memory_space<vmem>>
      %dma_start3A_58 = arith.constant 0 : i32
      %dma_start3A_59 = arith.constant 0 : i32
      %dma_start3A_60 = tpu.memref_slice %arg2[%dma_start3A_58, %dma_start3A_59] : memref<4096x8xf32, #tpu.memory_space<hbm>> -> memref<4096x8xf32, #tpu.memory_space<hbm>>
      tpu.enqueue_indirect_dma source(%dma_start3A_60 : memref<4096x8xf32, #tpu.memory_space<hbm>>) target(%dma_start3A_54 : memref<128x8xf32, #tpu.memory_space<vmem>>) offsets(%dma_start3A_57 : memref<128xi32, #tpu.memory_space<vmem>>) semaphore(%arg7 : memref<!tpu.dma_semaphore, #tpu.memory_space<semaphore_mem>>)
      %dma_start3A_61 = arith.constant 5 : i32
      %dma_start3A_62 = arith.constant 640 : i32
      %dma_start3A_63 = arith.constant 0 : i32
      %dma_start3A_64 = tpu.memref_slice %arg6[%dma_start3A_62, %dma_start3A_63] : memref<2048x8xf32, #tpu.memory_space<vmem>> -> memref<128x8xf32, #tpu.memory_space<vmem>>
      %dma_start3A_65 = arith.constant 0 : i32
      %dma_start3A_66 = tpu.memref_slice %arg5[%dma_start3A_61, %dma_start3A_65] : memref<16x128xi32, #tpu.memory_space<vmem>> -> memref<1x128xi32, #tpu.memory_space<vmem>>
      %dma_start3A_67 = tpu.memref_squeeze %dma_start3A_66 : memref<1x128xi32, #tpu.memory_space<vmem>> -> memref<128xi32, #tpu.memory_space<vmem>>
      %dma_start3A_68 = arith.constant 0 : i32
      %dma_start3A_69 = arith.constant 0 : i32
      %dma_start3A_70 = tpu.memref_slice %arg2[%dma_start3A_68, %dma_start3A_69] : memref<4096x8xf32, #tpu.memory_space<hbm>> -> memref<4096x8xf32, #tpu.memory_space<hbm>>
      tpu.enqueue_indirect_dma source(%dma_start3A_70 : memref<4096x8xf32, #tpu.memory_space<hbm>>) target(%dma_start3A_64 : memref<128x8xf32, #tpu.memory_space<vmem>>) offsets(%dma_start3A_67 : memref<128xi32, #tpu.memory_space<vmem>>) semaphore(%arg7 : memref<!tpu.dma_semaphore, #tpu.memory_space<semaphore_mem>>)
      %dma_start3A_71 = arith.constant 6 : i32
      %dma_start3A_72 = arith.constant 768 : i32
      %dma_start3A_73 = arith.constant 0 : i32
      %dma_start3A_74 = tpu.memref_slice %arg6[%dma_start3A_72, %dma_start3A_73] : memref<2048x8xf32, #tpu.memory_space<vmem>> -> memref<128x8xf32, #tpu.memory_space<vmem>>
      %dma_start3A_75 = arith.constant 0 : i32
      %dma_start3A_76 = tpu.memref_slice %arg5[%dma_start3A_71, %dma_start3A_75] : memref<16x128xi32, #tpu.memory_space<vmem>> -> memref<1x128xi32, #tpu.memory_space<vmem>>
      %dma_start3A_77 = tpu.memref_squeeze %dma_start3A_76 : memref<1x128xi32, #tpu.memory_space<vmem>> -> memref<128xi32, #tpu.memory_space<vmem>>
      %dma_start3A_78 = arith.constant 0 : i32
      %dma_start3A_79 = arith.constant 0 : i32
      %dma_start3A_80 = tpu.memref_slice %arg2[%dma_start3A_78, %dma_start3A_79] : memref<4096x8xf32, #tpu.memory_space<hbm>> -> memref<4096x8xf32, #tpu.memory_space<hbm>>
      tpu.enqueue_indirect_dma source(%dma_start3A_80 : memref<4096x8xf32, #tpu.memory_space<hbm>>) target(%dma_start3A_74 : memref<128x8xf32, #tpu.memory_space<vmem>>) offsets(%dma_start3A_77 : memref<128xi32, #tpu.memory_space<vmem>>) semaphore(%arg7 : memref<!tpu.dma_semaphore, #tpu.memory_space<semaphore_mem>>)
      %dma_start3A_81 = arith.constant 7 : i32
      %dma_start3A_82 = arith.constant 896 : i32
      %dma_start3A_83 = arith.constant 0 : i32
      %dma_start3A_84 = tpu.memref_slice %arg6[%dma_start3A_82, %dma_start3A_83] : memref<2048x8xf32, #tpu.memory_space<vmem>> -> memref<128x8xf32, #tpu.memory_space<vmem>>
      %dma_start3A_85 = arith.constant 0 : i32
      %dma_start3A_86 = tpu.memref_slice %arg5[%dma_start3A_81, %dma_start3A_85] : memref<16x128xi32, #tpu.memory_space<vmem>> -> memref<1x128xi32, #tpu.memory_space<vmem>>
      %dma_start3A_87 = tpu.memref_squeeze %dma_start3A_86 : memref<1x128xi32, #tpu.memory_space<vmem>> -> memref<128xi32, #tpu.memory_space<vmem>>
      %dma_start3A_88 = arith.constant 0 : i32
      %dma_start3A_89 = arith.constant 0 : i32
      %dma_start3A_90 = tpu.memref_slice %arg2[%dma_start3A_88, %dma_start3A_89] : memref<4096x8xf32, #tpu.memory_space<hbm>> -> memref<4096x8xf32, #tpu.memory_space<hbm>>
      tpu.enqueue_indirect_dma source(%dma_start3A_90 : memref<4096x8xf32, #tpu.memory_space<hbm>>) target(%dma_start3A_84 : memref<128x8xf32, #tpu.memory_space<vmem>>) offsets(%dma_start3A_87 : memref<128xi32, #tpu.memory_space<vmem>>) semaphore(%arg7 : memref<!tpu.dma_semaphore, #tpu.memory_space<semaphore_mem>>)
      %dma_start3A_91 = arith.constant 8 : i32
      %dma_start3A_92 = arith.constant 1024 : i32
      %dma_start3A_93 = arith.constant 0 : i32
      %dma_start3A_94 = tpu.memref_slice %arg6[%dma_start3A_92, %dma_start3A_93] : memref<2048x8xf32, #tpu.memory_space<vmem>> -> memref<128x8xf32, #tpu.memory_space<vmem>>
      %dma_start3A_95 = arith.constant 0 : i32
      %dma_start3A_96 = tpu.memref_slice %arg5[%dma_start3A_91, %dma_start3A_95] : memref<16x128xi32, #tpu.memory_space<vmem>> -> memref<1x128xi32, #tpu.memory_space<vmem>>
      %dma_start3A_97 = tpu.memref_squeeze %dma_start3A_96 : memref<1x128xi32, #tpu.memory_space<vmem>> -> memref<128xi32, #tpu.memory_space<vmem>>
      %dma_start3A_98 = arith.constant 0 : i32
      %dma_start3A_99 = arith.constant 0 : i32
      %dma_start3A_100 = tpu.memref_slice %arg2[%dma_start3A_98, %dma_start3A_99] : memref<4096x8xf32, #tpu.memory_space<hbm>> -> memref<4096x8xf32, #tpu.memory_space<hbm>>
      tpu.enqueue_indirect_dma source(%dma_start3A_100 : memref<4096x8xf32, #tpu.memory_space<hbm>>) target(%dma_start3A_94 : memref<128x8xf32, #tpu.memory_space<vmem>>) offsets(%dma_start3A_97 : memref<128xi32, #tpu.memory_space<vmem>>) semaphore(%arg7 : memref<!tpu.dma_semaphore, #tpu.memory_space<semaphore_mem>>)
      %dma_start3A_101 = arith.constant 9 : i32
      %dma_start3A_102 = arith.constant 1152 : i32
      %dma_start3A_103 = arith.constant 0 : i32
      %dma_start3A_104 = tpu.memref_slice %arg6[%dma_start3A_102, %dma_start3A_103] : memref<2048x8xf32, #tpu.memory_space<vmem>> -> memref<128x8xf32, #tpu.memory_space<vmem>>
      %dma_start3A_105 = arith.constant 0 : i32
      %dma_start3A_106 = tpu.memref_slice %arg5[%dma_start3A_101, %dma_start3A_105] : memref<16x128xi32, #tpu.memory_space<vmem>> -> memref<1x128xi32, #tpu.memory_space<vmem>>
      %dma_start3A_107 = tpu.memref_squeeze %dma_start3A_106 : memref<1x128xi32, #tpu.memory_space<vmem>> -> memref<128xi32, #tpu.memory_space<vmem>>
      %dma_start3A_108 = arith.constant 0 : i32
      %dma_start3A_109 = arith.constant 0 : i32
      %dma_start3A_110 = tpu.memref_slice %arg2[%dma_start3A_108, %dma_start3A_109] : memref<4096x8xf32, #tpu.memory_space<hbm>> -> memref<4096x8xf32, #tpu.memory_space<hbm>>
      tpu.enqueue_indirect_dma source(%dma_start3A_110 : memref<4096x8xf32, #tpu.memory_space<hbm>>) target(%dma_start3A_104 : memref<128x8xf32, #tpu.memory_space<vmem>>) offsets(%dma_start3A_107 : memref<128xi32, #tpu.memory_space<vmem>>) semaphore(%arg7 : memref<!tpu.dma_semaphore, #tpu.memory_space<semaphore_mem>>)
      %dma_start3A_111 = arith.constant 10 : i32
      %dma_start3A_112 = arith.constant 1280 : i32
      %dma_start3A_113 = arith.constant 0 : i32
      %dma_start3A_114 = tpu.memref_slice %arg6[%dma_start3A_112, %dma_start3A_113] : memref<2048x8xf32, #tpu.memory_space<vmem>> -> memref<128x8xf32, #tpu.memory_space<vmem>>
      %dma_start3A_115 = arith.constant 0 : i32
      %dma_start3A_116 = tpu.memref_slice %arg5[%dma_start3A_111, %dma_start3A_115] : memref<16x128xi32, #tpu.memory_space<vmem>> -> memref<1x128xi32, #tpu.memory_space<vmem>>
      %dma_start3A_117 = tpu.memref_squeeze %dma_start3A_116 : memref<1x128xi32, #tpu.memory_space<vmem>> -> memref<128xi32, #tpu.memory_space<vmem>>
      %dma_start3A_118 = arith.constant 0 : i32
      %dma_start3A_119 = arith.constant 0 : i32
      %dma_start3A_120 = tpu.memref_slice %arg2[%dma_start3A_118, %dma_start3A_119] : memref<4096x8xf32, #tpu.memory_space<hbm>> -> memref<4096x8xf32, #tpu.memory_space<hbm>>
      tpu.enqueue_indirect_dma source(%dma_start3A_120 : memref<4096x8xf32, #tpu.memory_space<hbm>>) target(%dma_start3A_114 : memref<128x8xf32, #tpu.memory_space<vmem>>) offsets(%dma_start3A_117 : memref<128xi32, #tpu.memory_space<vmem>>) semaphore(%arg7 : memref<!tpu.dma_semaphore, #tpu.memory_space<semaphore_mem>>)
      %dma_start3A_121 = arith.constant 11 : i32
      %dma_start3A_122 = arith.constant 1408 : i32
      %dma_start3A_123 = arith.constant 0 : i32
      %dma_start3A_124 = tpu.memref_slice %arg6[%dma_start3A_122, %dma_start3A_123] : memref<2048x8xf32, #tpu.memory_space<vmem>> -> memref<128x8xf32, #tpu.memory_space<vmem>>
      %dma_start3A_125 = arith.constant 0 : i32
      %dma_start3A_126 = tpu.memref_slice %arg5[%dma_start3A_121, %dma_start3A_125] : memref<16x128xi32, #tpu.memory_space<vmem>> -> memref<1x128xi32, #tpu.memory_space<vmem>>
      %dma_start3A_127 = tpu.memref_squeeze %dma_start3A_126 : memref<1x128xi32, #tpu.memory_space<vmem>> -> memref<128xi32, #tpu.memory_space<vmem>>
      %dma_start3A_128 = arith.constant 0 : i32
      %dma_start3A_129 = arith.constant 0 : i32
      %dma_start3A_130 = tpu.memref_slice %arg2[%dma_start3A_128, %dma_start3A_129] : memref<4096x8xf32, #tpu.memory_space<hbm>> -> memref<4096x8xf32, #tpu.memory_space<hbm>>
      tpu.enqueue_indirect_dma source(%dma_start3A_130 : memref<4096x8xf32, #tpu.memory_space<hbm>>) target(%dma_start3A_124 : memref<128x8xf32, #tpu.memory_space<vmem>>) offsets(%dma_start3A_127 : memref<128xi32, #tpu.memory_space<vmem>>) semaphore(%arg7 : memref<!tpu.dma_semaphore, #tpu.memory_space<semaphore_mem>>)
      %dma_start3A_131 = arith.constant 12 : i32
      %dma_start3A_132 = arith.constant 1536 : i32
      %dma_start3A_133 = arith.constant 0 : i32
      %dma_start3A_134 = tpu.memref_slice %arg6[%dma_start3A_132, %dma_start3A_133] : memref<2048x8xf32, #tpu.memory_space<vmem>> -> memref<128x8xf32, #tpu.memory_space<vmem>>
      %dma_start3A_135 = arith.constant 0 : i32
      %dma_start3A_136 = tpu.memref_slice %arg5[%dma_start3A_131, %dma_start3A_135] : memref<16x128xi32, #tpu.memory_space<vmem>> -> memref<1x128xi32, #tpu.memory_space<vmem>>
      %dma_start3A_137 = tpu.memref_squeeze %dma_start3A_136 : memref<1x128xi32, #tpu.memory_space<vmem>> -> memref<128xi32, #tpu.memory_space<vmem>>
      %dma_start3A_138 = arith.constant 0 : i32
      %dma_start3A_139 = arith.constant 0 : i32
      %dma_start3A_140 = tpu.memref_slice %arg2[%dma_start3A_138, %dma_start3A_139] : memref<4096x8xf32, #tpu.memory_space<hbm>> -> memref<4096x8xf32, #tpu.memory_space<hbm>>
      tpu.enqueue_indirect_dma source(%dma_start3A_140 : memref<4096x8xf32, #tpu.memory_space<hbm>>) target(%dma_start3A_134 : memref<128x8xf32, #tpu.memory_space<vmem>>) offsets(%dma_start3A_137 : memref<128xi32, #tpu.memory_space<vmem>>) semaphore(%arg7 : memref<!tpu.dma_semaphore, #tpu.memory_space<semaphore_mem>>)
      %dma_start3A_141 = arith.constant 13 : i32
      %dma_start3A_142 = arith.constant 1664 : i32
      %dma_start3A_143 = arith.constant 0 : i32
      %dma_start3A_144 = tpu.memref_slice %arg6[%dma_start3A_142, %dma_start3A_143] : memref<2048x8xf32, #tpu.memory_space<vmem>> -> memref<128x8xf32, #tpu.memory_space<vmem>>
      %dma_start3A_145 = arith.constant 0 : i32
      %dma_start3A_146 = tpu.memref_slice %arg5[%dma_start3A_141, %dma_start3A_145] : memref<16x128xi32, #tpu.memory_space<vmem>> -> memref<1x128xi32, #tpu.memory_space<vmem>>
      %dma_start3A_147 = tpu.memref_squeeze %dma_start3A_146 : memref<1x128xi32, #tpu.memory_space<vmem>> -> memref<128xi32, #tpu.memory_space<vmem>>
      %dma_start3A_148 = arith.constant 0 : i32
      %dma_start3A_149 = arith.constant 0 : i32
      %dma_start3A_150 = tpu.memref_slice %arg2[%dma_start3A_148, %dma_start3A_149] : memref<4096x8xf32, #tpu.memory_space<hbm>> -> memref<4096x8xf32, #tpu.memory_space<hbm>>
      tpu.enqueue_indirect_dma source(%dma_start3A_150 : memref<4096x8xf32, #tpu.memory_space<hbm>>) target(%dma_start3A_144 : memref<128x8xf32, #tpu.memory_space<vmem>>) offsets(%dma_start3A_147 : memref<128xi32, #tpu.memory_space<vmem>>) semaphore(%arg7 : memref<!tpu.dma_semaphore, #tpu.memory_space<semaphore_mem>>)
      %dma_start3A_151 = arith.constant 14 : i32
      %dma_start3A_152 = arith.constant 1792 : i32
      %dma_start3A_153 = arith.constant 0 : i32
      %dma_start3A_154 = tpu.memref_slice %arg6[%dma_start3A_152, %dma_start3A_153] : memref<2048x8xf32, #tpu.memory_space<vmem>> -> memref<128x8xf32, #tpu.memory_space<vmem>>
      %dma_start3A_155 = arith.constant 0 : i32
      %dma_start3A_156 = tpu.memref_slice %arg5[%dma_start3A_151, %dma_start3A_155] : memref<16x128xi32, #tpu.memory_space<vmem>> -> memref<1x128xi32, #tpu.memory_space<vmem>>
      %dma_start3A_157 = tpu.memref_squeeze %dma_start3A_156 : memref<1x128xi32, #tpu.memory_space<vmem>> -> memref<128xi32, #tpu.memory_space<vmem>>
      %dma_start3A_158 = arith.constant 0 : i32
      %dma_start3A_159 = arith.constant 0 : i32
      %dma_start3A_160 = tpu.memref_slice %arg2[%dma_start3A_158, %dma_start3A_159] : memref<4096x8xf32, #tpu.memory_space<hbm>> -> memref<4096x8xf32, #tpu.memory_space<hbm>>
      tpu.enqueue_indirect_dma source(%dma_start3A_160 : memref<4096x8xf32, #tpu.memory_space<hbm>>) target(%dma_start3A_154 : memref<128x8xf32, #tpu.memory_space<vmem>>) offsets(%dma_start3A_157 : memref<128xi32, #tpu.memory_space<vmem>>) semaphore(%arg7 : memref<!tpu.dma_semaphore, #tpu.memory_space<semaphore_mem>>)
      %dma_start3A_161 = arith.constant 15 : i32
      %dma_start3A_162 = arith.constant 1920 : i32
      %dma_start3A_163 = arith.constant 0 : i32
      %dma_start3A_164 = tpu.memref_slice %arg6[%dma_start3A_162, %dma_start3A_163] : memref<2048x8xf32, #tpu.memory_space<vmem>> -> memref<128x8xf32, #tpu.memory_space<vmem>>
      %dma_start3A_165 = arith.constant 0 : i32
      %dma_start3A_166 = tpu.memref_slice %arg5[%dma_start3A_161, %dma_start3A_165] : memref<16x128xi32, #tpu.memory_space<vmem>> -> memref<1x128xi32, #tpu.memory_space<vmem>>
      %dma_start3A_167 = tpu.memref_squeeze %dma_start3A_166 : memref<1x128xi32, #tpu.memory_space<vmem>> -> memref<128xi32, #tpu.memory_space<vmem>>
      %dma_start3A_168 = arith.constant 0 : i32
      %dma_start3A_169 = arith.constant 0 : i32
      %dma_start3A_170 = tpu.memref_slice %arg2[%dma_start3A_168, %dma_start3A_169] : memref<4096x8xf32, #tpu.memory_space<hbm>> -> memref<4096x8xf32, #tpu.memory_space<hbm>>
      tpu.enqueue_indirect_dma source(%dma_start3A_170 : memref<4096x8xf32, #tpu.memory_space<hbm>>) target(%dma_start3A_164 : memref<128x8xf32, #tpu.memory_space<vmem>>) offsets(%dma_start3A_167 : memref<128xi32, #tpu.memory_space<vmem>>) semaphore(%arg7 : memref<!tpu.dma_semaphore, #tpu.memory_space<semaphore_mem>>)
      %dma_wait3A = arith.constant 0 : i32
      %dma_wait3A_171 = arith.constant 0 : i32
      %dma_wait3A_172 = arith.constant 0 : i32
      %dma_wait3A_173 = tpu.memref_slice %arg6[%dma_wait3A_171, %dma_wait3A_172] : memref<2048x8xf32, #tpu.memory_space<vmem>> -> memref<128x8xf32, #tpu.memory_space<vmem>>
      %dma_wait3A_174 = arith.constant 0 : i32
      %dma_wait3A_175 = tpu.memref_slice %arg5[%dma_wait3A, %dma_wait3A_174] : memref<16x128xi32, #tpu.memory_space<vmem>> -> memref<1x128xi32, #tpu.memory_space<vmem>>
      %dma_wait3A_176 = tpu.memref_squeeze %dma_wait3A_175 : memref<1x128xi32, #tpu.memory_space<vmem>> -> memref<128xi32, #tpu.memory_space<vmem>>
      %dma_wait3A_177 = arith.constant 0 : i32
      %dma_wait3A_178 = arith.constant 0 : i32
      %dma_wait3A_179 = tpu.memref_slice %arg2[%dma_wait3A_177, %dma_wait3A_178] : memref<4096x8xf32, #tpu.memory_space<hbm>> -> memref<4096x8xf32, #tpu.memory_space<hbm>>
      tpu.wait_indirect_dma semaphore(%arg7 : memref<!tpu.dma_semaphore, #tpu.memory_space<semaphore_mem>>) src(%dma_wait3A_179 : memref<4096x8xf32, #tpu.memory_space<hbm>>) dst(%dma_wait3A_173 : memref<128x8xf32, #tpu.memory_space<vmem>>)
      %dma_wait3A_180 = arith.constant 1 : i32
      %dma_wait3A_181 = arith.constant 128 : i32
      %dma_wait3A_182 = arith.constant 0 : i32
      %dma_wait3A_183 = tpu.memref_slice %arg6[%dma_wait3A_181, %dma_wait3A_182] : memref<2048x8xf32, #tpu.memory_space<vmem>> -> memref<128x8xf32, #tpu.memory_space<vmem>>
      %dma_wait3A_184 = arith.constant 0 : i32
      %dma_wait3A_185 = tpu.memref_slice %arg5[%dma_wait3A_180, %dma_wait3A_184] : memref<16x128xi32, #tpu.memory_space<vmem>> -> memref<1x128xi32, #tpu.memory_space<vmem>>
      %dma_wait3A_186 = tpu.memref_squeeze %dma_wait3A_185 : memref<1x128xi32, #tpu.memory_space<vmem>> -> memref<128xi32, #tpu.memory_space<vmem>>
      %dma_wait3A_187 = arith.constant 0 : i32
      %dma_wait3A_188 = arith.constant 0 : i32
      %dma_wait3A_189 = tpu.memref_slice %arg2[%dma_wait3A_187, %dma_wait3A_188] : memref<4096x8xf32, #tpu.memory_space<hbm>> -> memref<4096x8xf32, #tpu.memory_space<hbm>>
      tpu.wait_indirect_dma semaphore(%arg7 : memref<!tpu.dma_semaphore, #tpu.memory_space<semaphore_mem>>) src(%dma_wait3A_189 : memref<4096x8xf32, #tpu.memory_space<hbm>>) dst(%dma_wait3A_183 : memref<128x8xf32, #tpu.memory_space<vmem>>)
      %dma_wait3A_190 = arith.constant 2 : i32
      %dma_wait3A_191 = arith.constant 256 : i32
      %dma_wait3A_192 = arith.constant 0 : i32
      %dma_wait3A_193 = tpu.memref_slice %arg6[%dma_wait3A_191, %dma_wait3A_192] : memref<2048x8xf32, #tpu.memory_space<vmem>> -> memref<128x8xf32, #tpu.memory_space<vmem>>
      %dma_wait3A_194 = arith.constant 0 : i32
      %dma_wait3A_195 = tpu.memref_slice %arg5[%dma_wait3A_190, %dma_wait3A_194] : memref<16x128xi32, #tpu.memory_space<vmem>> -> memref<1x128xi32, #tpu.memory_space<vmem>>
      %dma_wait3A_196 = tpu.memref_squeeze %dma_wait3A_195 : memref<1x128xi32, #tpu.memory_space<vmem>> -> memref<128xi32, #tpu.memory_space<vmem>>
      %dma_wait3A_197 = arith.constant 0 : i32
      %dma_wait3A_198 = arith.constant 0 : i32
      %dma_wait3A_199 = tpu.memref_slice %arg2[%dma_wait3A_197, %dma_wait3A_198] : memref<4096x8xf32, #tpu.memory_space<hbm>> -> memref<4096x8xf32, #tpu.memory_space<hbm>>
      tpu.wait_indirect_dma semaphore(%arg7 : memref<!tpu.dma_semaphore, #tpu.memory_space<semaphore_mem>>) src(%dma_wait3A_199 : memref<4096x8xf32, #tpu.memory_space<hbm>>) dst(%dma_wait3A_193 : memref<128x8xf32, #tpu.memory_space<vmem>>)
      %dma_wait3A_200 = arith.constant 3 : i32
      %dma_wait3A_201 = arith.constant 384 : i32
      %dma_wait3A_202 = arith.constant 0 : i32
      %dma_wait3A_203 = tpu.memref_slice %arg6[%dma_wait3A_201, %dma_wait3A_202] : memref<2048x8xf32, #tpu.memory_space<vmem>> -> memref<128x8xf32, #tpu.memory_space<vmem>>
      %dma_wait3A_204 = arith.constant 0 : i32
      %dma_wait3A_205 = tpu.memref_slice %arg5[%dma_wait3A_200, %dma_wait3A_204] : memref<16x128xi32, #tpu.memory_space<vmem>> -> memref<1x128xi32, #tpu.memory_space<vmem>>
      %dma_wait3A_206 = tpu.memref_squeeze %dma_wait3A_205 : memref<1x128xi32, #tpu.memory_space<vmem>> -> memref<128xi32, #tpu.memory_space<vmem>>
      %dma_wait3A_207 = arith.constant 0 : i32
      %dma_wait3A_208 = arith.constant 0 : i32
      %dma_wait3A_209 = tpu.memref_slice %arg2[%dma_wait3A_207, %dma_wait3A_208] : memref<4096x8xf32, #tpu.memory_space<hbm>> -> memref<4096x8xf32, #tpu.memory_space<hbm>>
      tpu.wait_indirect_dma semaphore(%arg7 : memref<!tpu.dma_semaphore, #tpu.memory_space<semaphore_mem>>) src(%dma_wait3A_209 : memref<4096x8xf32, #tpu.memory_space<hbm>>) dst(%dma_wait3A_203 : memref<128x8xf32, #tpu.memory_space<vmem>>)
      %dma_wait3A_210 = arith.constant 4 : i32
      %dma_wait3A_211 = arith.constant 512 : i32
      %dma_wait3A_212 = arith.constant 0 : i32
      %dma_wait3A_213 = tpu.memref_slice %arg6[%dma_wait3A_211, %dma_wait3A_212] : memref<2048x8xf32, #tpu.memory_space<vmem>> -> memref<128x8xf32, #tpu.memory_space<vmem>>
      %dma_wait3A_214 = arith.constant 0 : i32
      %dma_wait3A_215 = tpu.memref_slice %arg5[%dma_wait3A_210, %dma_wait3A_214] : memref<16x128xi32, #tpu.memory_space<vmem>> -> memref<1x128xi32, #tpu.memory_space<vmem>>
      %dma_wait3A_216 = tpu.memref_squeeze %dma_wait3A_215 : memref<1x128xi32, #tpu.memory_space<vmem>> -> memref<128xi32, #tpu.memory_space<vmem>>
      %dma_wait3A_217 = arith.constant 0 : i32
      %dma_wait3A_218 = arith.constant 0 : i32
      %dma_wait3A_219 = tpu.memref_slice %arg2[%dma_wait3A_217, %dma_wait3A_218] : memref<4096x8xf32, #tpu.memory_space<hbm>> -> memref<4096x8xf32, #tpu.memory_space<hbm>>
      tpu.wait_indirect_dma semaphore(%arg7 : memref<!tpu.dma_semaphore, #tpu.memory_space<semaphore_mem>>) src(%dma_wait3A_219 : memref<4096x8xf32, #tpu.memory_space<hbm>>) dst(%dma_wait3A_213 : memref<128x8xf32, #tpu.memory_space<vmem>>)
      %dma_wait3A_220 = arith.constant 5 : i32
      %dma_wait3A_221 = arith.constant 640 : i32
      %dma_wait3A_222 = arith.constant 0 : i32
      %dma_wait3A_223 = tpu.memref_slice %arg6[%dma_wait3A_221, %dma_wait3A_222] : memref<2048x8xf32, #tpu.memory_space<vmem>> -> memref<128x8xf32, #tpu.memory_space<vmem>>
      %dma_wait3A_224 = arith.constant 0 : i32
      %dma_wait3A_225 = tpu.memref_slice %arg5[%dma_wait3A_220, %dma_wait3A_224] : memref<16x128xi32, #tpu.memory_space<vmem>> -> memref<1x128xi32, #tpu.memory_space<vmem>>
      %dma_wait3A_226 = tpu.memref_squeeze %dma_wait3A_225 : memref<1x128xi32, #tpu.memory_space<vmem>> -> memref<128xi32, #tpu.memory_space<vmem>>
      %dma_wait3A_227 = arith.constant 0 : i32
      %dma_wait3A_228 = arith.constant 0 : i32
      %dma_wait3A_229 = tpu.memref_slice %arg2[%dma_wait3A_227, %dma_wait3A_228] : memref<4096x8xf32, #tpu.memory_space<hbm>> -> memref<4096x8xf32, #tpu.memory_space<hbm>>
      tpu.wait_indirect_dma semaphore(%arg7 : memref<!tpu.dma_semaphore, #tpu.memory_space<semaphore_mem>>) src(%dma_wait3A_229 : memref<4096x8xf32, #tpu.memory_space<hbm>>) dst(%dma_wait3A_223 : memref<128x8xf32, #tpu.memory_space<vmem>>)
      %dma_wait3A_230 = arith.constant 6 : i32
      %dma_wait3A_231 = arith.constant 768 : i32
      %dma_wait3A_232 = arith.constant 0 : i32
      %dma_wait3A_233 = tpu.memref_slice %arg6[%dma_wait3A_231, %dma_wait3A_232] : memref<2048x8xf32, #tpu.memory_space<vmem>> -> memref<128x8xf32, #tpu.memory_space<vmem>>
      %dma_wait3A_234 = arith.constant 0 : i32
      %dma_wait3A_235 = tpu.memref_slice %arg5[%dma_wait3A_230, %dma_wait3A_234] : memref<16x128xi32, #tpu.memory_space<vmem>> -> memref<1x128xi32, #tpu.memory_space<vmem>>
      %dma_wait3A_236 = tpu.memref_squeeze %dma_wait3A_235 : memref<1x128xi32, #tpu.memory_space<vmem>> -> memref<128xi32, #tpu.memory_space<vmem>>
      %dma_wait3A_237 = arith.constant 0 : i32
      %dma_wait3A_238 = arith.constant 0 : i32
      %dma_wait3A_239 = tpu.memref_slice %arg2[%dma_wait3A_237, %dma_wait3A_238] : memref<4096x8xf32, #tpu.memory_space<hbm>> -> memref<4096x8xf32, #tpu.memory_space<hbm>>
      tpu.wait_indirect_dma semaphore(%arg7 : memref<!tpu.dma_semaphore, #tpu.memory_space<semaphore_mem>>) src(%dma_wait3A_239 : memref<4096x8xf32, #tpu.memory_space<hbm>>) dst(%dma_wait3A_233 : memref<128x8xf32, #tpu.memory_space<vmem>>)
      %dma_wait3A_240 = arith.constant 7 : i32
      %dma_wait3A_241 = arith.constant 896 : i32
      %dma_wait3A_242 = arith.constant 0 : i32
      %dma_wait3A_243 = tpu.memref_slice %arg6[%dma_wait3A_241, %dma_wait3A_242] : memref<2048x8xf32, #tpu.memory_space<vmem>> -> memref<128x8xf32, #tpu.memory_space<vmem>>
      %dma_wait3A_244 = arith.constant 0 : i32
      %dma_wait3A_245 = tpu.memref_slice %arg5[%dma_wait3A_240, %dma_wait3A_244] : memref<16x128xi32, #tpu.memory_space<vmem>> -> memref<1x128xi32, #tpu.memory_space<vmem>>
      %dma_wait3A_246 = tpu.memref_squeeze %dma_wait3A_245 : memref<1x128xi32, #tpu.memory_space<vmem>> -> memref<128xi32, #tpu.memory_space<vmem>>
      %dma_wait3A_247 = arith.constant 0 : i32
      %dma_wait3A_248 = arith.constant 0 : i32
      %dma_wait3A_249 = tpu.memref_slice %arg2[%dma_wait3A_247, %dma_wait3A_248] : memref<4096x8xf32, #tpu.memory_space<hbm>> -> memref<4096x8xf32, #tpu.memory_space<hbm>>
      tpu.wait_indirect_dma semaphore(%arg7 : memref<!tpu.dma_semaphore, #tpu.memory_space<semaphore_mem>>) src(%dma_wait3A_249 : memref<4096x8xf32, #tpu.memory_space<hbm>>) dst(%dma_wait3A_243 : memref<128x8xf32, #tpu.memory_space<vmem>>)
      %dma_wait3A_250 = arith.constant 8 : i32
      %dma_wait3A_251 = arith.constant 1024 : i32
      %dma_wait3A_252 = arith.constant 0 : i32
      %dma_wait3A_253 = tpu.memref_slice %arg6[%dma_wait3A_251, %dma_wait3A_252] : memref<2048x8xf32, #tpu.memory_space<vmem>> -> memref<128x8xf32, #tpu.memory_space<vmem>>
      %dma_wait3A_254 = arith.constant 0 : i32
      %dma_wait3A_255 = tpu.memref_slice %arg5[%dma_wait3A_250, %dma_wait3A_254] : memref<16x128xi32, #tpu.memory_space<vmem>> -> memref<1x128xi32, #tpu.memory_space<vmem>>
      %dma_wait3A_256 = tpu.memref_squeeze %dma_wait3A_255 : memref<1x128xi32, #tpu.memory_space<vmem>> -> memref<128xi32, #tpu.memory_space<vmem>>
      %dma_wait3A_257 = arith.constant 0 : i32
      %dma_wait3A_258 = arith.constant 0 : i32
      %dma_wait3A_259 = tpu.memref_slice %arg2[%dma_wait3A_257, %dma_wait3A_258] : memref<4096x8xf32, #tpu.memory_space<hbm>> -> memref<4096x8xf32, #tpu.memory_space<hbm>>
      tpu.wait_indirect_dma semaphore(%arg7 : memref<!tpu.dma_semaphore, #tpu.memory_space<semaphore_mem>>) src(%dma_wait3A_259 : memref<4096x8xf32, #tpu.memory_space<hbm>>) dst(%dma_wait3A_253 : memref<128x8xf32, #tpu.memory_space<vmem>>)
      %dma_wait3A_260 = arith.constant 9 : i32
      %dma_wait3A_261 = arith.constant 1152 : i32
      %dma_wait3A_262 = arith.constant 0 : i32
      %dma_wait3A_263 = tpu.memref_slice %arg6[%dma_wait3A_261, %dma_wait3A_262] : memref<2048x8xf32, #tpu.memory_space<vmem>> -> memref<128x8xf32, #tpu.memory_space<vmem>>
      %dma_wait3A_264 = arith.constant 0 : i32
      %dma_wait3A_265 = tpu.memref_slice %arg5[%dma_wait3A_260, %dma_wait3A_264] : memref<16x128xi32, #tpu.memory_space<vmem>> -> memref<1x128xi32, #tpu.memory_space<vmem>>
      %dma_wait3A_266 = tpu.memref_squeeze %dma_wait3A_265 : memref<1x128xi32, #tpu.memory_space<vmem>> -> memref<128xi32, #tpu.memory_space<vmem>>
      %dma_wait3A_267 = arith.constant 0 : i32
      %dma_wait3A_268 = arith.constant 0 : i32
      %dma_wait3A_269 = tpu.memref_slice %arg2[%dma_wait3A_267, %dma_wait3A_268] : memref<4096x8xf32, #tpu.memory_space<hbm>> -> memref<4096x8xf32, #tpu.memory_space<hbm>>
      tpu.wait_indirect_dma semaphore(%arg7 : memref<!tpu.dma_semaphore, #tpu.memory_space<semaphore_mem>>) src(%dma_wait3A_269 : memref<4096x8xf32, #tpu.memory_space<hbm>>) dst(%dma_wait3A_263 : memref<128x8xf32, #tpu.memory_space<vmem>>)
      %dma_wait3A_270 = arith.constant 10 : i32
      %dma_wait3A_271 = arith.constant 1280 : i32
      %dma_wait3A_272 = arith.constant 0 : i32
      %dma_wait3A_273 = tpu.memref_slice %arg6[%dma_wait3A_271, %dma_wait3A_272] : memref<2048x8xf32, #tpu.memory_space<vmem>> -> memref<128x8xf32, #tpu.memory_space<vmem>>
      %dma_wait3A_274 = arith.constant 0 : i32
      %dma_wait3A_275 = tpu.memref_slice %arg5[%dma_wait3A_270, %dma_wait3A_274] : memref<16x128xi32, #tpu.memory_space<vmem>> -> memref<1x128xi32, #tpu.memory_space<vmem>>
      %dma_wait3A_276 = tpu.memref_squeeze %dma_wait3A_275 : memref<1x128xi32, #tpu.memory_space<vmem>> -> memref<128xi32, #tpu.memory_space<vmem>>
      %dma_wait3A_277 = arith.constant 0 : i32
      %dma_wait3A_278 = arith.constant 0 : i32
      %dma_wait3A_279 = tpu.memref_slice %arg2[%dma_wait3A_277, %dma_wait3A_278] : memref<4096x8xf32, #tpu.memory_space<hbm>> -> memref<4096x8xf32, #tpu.memory_space<hbm>>
      tpu.wait_indirect_dma semaphore(%arg7 : memref<!tpu.dma_semaphore, #tpu.memory_space<semaphore_mem>>) src(%dma_wait3A_279 : memref<4096x8xf32, #tpu.memory_space<hbm>>) dst(%dma_wait3A_273 : memref<128x8xf32, #tpu.memory_space<vmem>>)
      %dma_wait3A_280 = arith.constant 11 : i32
      %dma_wait3A_281 = arith.constant 1408 : i32
      %dma_wait3A_282 = arith.constant 0 : i32
      %dma_wait3A_283 = tpu.memref_slice %arg6[%dma_wait3A_281, %dma_wait3A_282] : memref<2048x8xf32, #tpu.memory_space<vmem>> -> memref<128x8xf32, #tpu.memory_space<vmem>>
      %dma_wait3A_284 = arith.constant 0 : i32
      %dma_wait3A_285 = tpu.memref_slice %arg5[%dma_wait3A_280, %dma_wait3A_284] : memref<16x128xi32, #tpu.memory_space<vmem>> -> memref<1x128xi32, #tpu.memory_space<vmem>>
      %dma_wait3A_286 = tpu.memref_squeeze %dma_wait3A_285 : memref<1x128xi32, #tpu.memory_space<vmem>> -> memref<128xi32, #tpu.memory_space<vmem>>
      %dma_wait3A_287 = arith.constant 0 : i32
      %dma_wait3A_288 = arith.constant 0 : i32
      %dma_wait3A_289 = tpu.memref_slice %arg2[%dma_wait3A_287, %dma_wait3A_288] : memref<4096x8xf32, #tpu.memory_space<hbm>> -> memref<4096x8xf32, #tpu.memory_space<hbm>>
      tpu.wait_indirect_dma semaphore(%arg7 : memref<!tpu.dma_semaphore, #tpu.memory_space<semaphore_mem>>) src(%dma_wait3A_289 : memref<4096x8xf32, #tpu.memory_space<hbm>>) dst(%dma_wait3A_283 : memref<128x8xf32, #tpu.memory_space<vmem>>)
      %dma_wait3A_290 = arith.constant 12 : i32
      %dma_wait3A_291 = arith.constant 1536 : i32
      %dma_wait3A_292 = arith.constant 0 : i32
      %dma_wait3A_293 = tpu.memref_slice %arg6[%dma_wait3A_291, %dma_wait3A_292] : memref<2048x8xf32, #tpu.memory_space<vmem>> -> memref<128x8xf32, #tpu.memory_space<vmem>>
      %dma_wait3A_294 = arith.constant 0 : i32
      %dma_wait3A_295 = tpu.memref_slice %arg5[%dma_wait3A_290, %dma_wait3A_294] : memref<16x128xi32, #tpu.memory_space<vmem>> -> memref<1x128xi32, #tpu.memory_space<vmem>>
      %dma_wait3A_296 = tpu.memref_squeeze %dma_wait3A_295 : memref<1x128xi32, #tpu.memory_space<vmem>> -> memref<128xi32, #tpu.memory_space<vmem>>
      %dma_wait3A_297 = arith.constant 0 : i32
      %dma_wait3A_298 = arith.constant 0 : i32
      %dma_wait3A_299 = tpu.memref_slice %arg2[%dma_wait3A_297, %dma_wait3A_298] : memref<4096x8xf32, #tpu.memory_space<hbm>> -> memref<4096x8xf32, #tpu.memory_space<hbm>>
      tpu.wait_indirect_dma semaphore(%arg7 : memref<!tpu.dma_semaphore, #tpu.memory_space<semaphore_mem>>) src(%dma_wait3A_299 : memref<4096x8xf32, #tpu.memory_space<hbm>>) dst(%dma_wait3A_293 : memref<128x8xf32, #tpu.memory_space<vmem>>)
      %dma_wait3A_300 = arith.constant 13 : i32
      %dma_wait3A_301 = arith.constant 1664 : i32
      %dma_wait3A_302 = arith.constant 0 : i32
      %dma_wait3A_303 = tpu.memref_slice %arg6[%dma_wait3A_301, %dma_wait3A_302] : memref<2048x8xf32, #tpu.memory_space<vmem>> -> memref<128x8xf32, #tpu.memory_space<vmem>>
      %dma_wait3A_304 = arith.constant 0 : i32
      %dma_wait3A_305 = tpu.memref_slice %arg5[%dma_wait3A_300, %dma_wait3A_304] : memref<16x128xi32, #tpu.memory_space<vmem>> -> memref<1x128xi32, #tpu.memory_space<vmem>>
      %dma_wait3A_306 = tpu.memref_squeeze %dma_wait3A_305 : memref<1x128xi32, #tpu.memory_space<vmem>> -> memref<128xi32, #tpu.memory_space<vmem>>
      %dma_wait3A_307 = arith.constant 0 : i32
      %dma_wait3A_308 = arith.constant 0 : i32
      %dma_wait3A_309 = tpu.memref_slice %arg2[%dma_wait3A_307, %dma_wait3A_308] : memref<4096x8xf32, #tpu.memory_space<hbm>> -> memref<4096x8xf32, #tpu.memory_space<hbm>>
      tpu.wait_indirect_dma semaphore(%arg7 : memref<!tpu.dma_semaphore, #tpu.memory_space<semaphore_mem>>) src(%dma_wait3A_309 : memref<4096x8xf32, #tpu.memory_space<hbm>>) dst(%dma_wait3A_303 : memref<128x8xf32, #tpu.memory_space<vmem>>)
      %dma_wait3A_310 = arith.constant 14 : i32
      %dma_wait3A_311 = arith.constant 1792 : i32
      %dma_wait3A_312 = arith.constant 0 : i32
      %dma_wait3A_313 = tpu.memref_slice %arg6[%dma_wait3A_311, %dma_wait3A_312] : memref<2048x8xf32, #tpu.memory_space<vmem>> -> memref<128x8xf32, #tpu.memory_space<vmem>>
      %dma_wait3A_314 = arith.constant 0 : i32
      %dma_wait3A_315 = tpu.memref_slice %arg5[%dma_wait3A_310, %dma_wait3A_314] : memref<16x128xi32, #tpu.memory_space<vmem>> -> memref<1x128xi32, #tpu.memory_space<vmem>>
      %dma_wait3A_316 = tpu.memref_squeeze %dma_wait3A_315 : memref<1x128xi32, #tpu.memory_space<vmem>> -> memref<128xi32, #tpu.memory_space<vmem>>
      %dma_wait3A_317 = arith.constant 0 : i32
      %dma_wait3A_318 = arith.constant 0 : i32
      %dma_wait3A_319 = tpu.memref_slice %arg2[%dma_wait3A_317, %dma_wait3A_318] : memref<4096x8xf32, #tpu.memory_space<hbm>> -> memref<4096x8xf32, #tpu.memory_space<hbm>>
      tpu.wait_indirect_dma semaphore(%arg7 : memref<!tpu.dma_semaphore, #tpu.memory_space<semaphore_mem>>) src(%dma_wait3A_319 : memref<4096x8xf32, #tpu.memory_space<hbm>>) dst(%dma_wait3A_313 : memref<128x8xf32, #tpu.memory_space<vmem>>)
      %dma_wait3A_320 = arith.constant 15 : i32
      %dma_wait3A_321 = arith.constant 1920 : i32
      %dma_wait3A_322 = arith.constant 0 : i32
      %dma_wait3A_323 = tpu.memref_slice %arg6[%dma_wait3A_321, %dma_wait3A_322] : memref<2048x8xf32, #tpu.memory_space<vmem>> -> memref<128x8xf32, #tpu.memory_space<vmem>>
      %dma_wait3A_324 = arith.constant 0 : i32
      %dma_wait3A_325 = tpu.memref_slice %arg5[%dma_wait3A_320, %dma_wait3A_324] : memref<16x128xi32, #tpu.memory_space<vmem>> -> memref<1x128xi32, #tpu.memory_space<vmem>>
      %dma_wait3A_326 = tpu.memref_squeeze %dma_wait3A_325 : memref<1x128xi32, #tpu.memory_space<vmem>> -> memref<128xi32, #tpu.memory_space<vmem>>
      %dma_wait3A_327 = arith.constant 0 : i32
      %dma_wait3A_328 = arith.constant 0 : i32
      %dma_wait3A_329 = tpu.memref_slice %arg2[%dma_wait3A_327, %dma_wait3A_328] : memref<4096x8xf32, #tpu.memory_space<hbm>> -> memref<4096x8xf32, #tpu.memory_space<hbm>>
      tpu.wait_indirect_dma semaphore(%arg7 : memref<!tpu.dma_semaphore, #tpu.memory_space<semaphore_mem>>) src(%dma_wait3A_329 : memref<4096x8xf32, #tpu.memory_space<hbm>>) dst(%dma_wait3A_323 : memref<128x8xf32, #tpu.memory_space<vmem>>)
      %mul3A_330 = arith.constant 128 : i32
      %mul3A_331 = arith.muli %add3A_11, %mul3A_330 : i32
      "tpu.region"() ({
        %run_scoped3A = tpu.sem_alloc : memref<!tpu.dma_semaphore, #tpu.memory_space<semaphore_mem>>
        %dma_start3A_332 = arith.constant 0 : i32
        %dma_start3A_333 = tpu.memref_slice %arg4[%mul3A_331, %dma_start3A_332] : memref<131072x8xf32, #tpu.memory_space<hbm>> -> memref<2048x8xf32, #tpu.memory_space<hbm>>
        %dma_start3A_334 = arith.constant 0 : i32
        %dma_start3A_335 = tpu.memref_slice %arg4[%mul3A_331, %dma_start3A_334] : memref<131072x8xf32, #tpu.memory_space<hbm>> -> memref<2048x8xf32, #tpu.memory_space<hbm>>
        tpu.enqueue_dma source(%arg6 : memref<2048x8xf32, #tpu.memory_space<vmem>>) target(%dma_start3A_335 : memref<2048x8xf32, #tpu.memory_space<hbm>>) target_semaphore(%run_scoped3A : memref<!tpu.dma_semaphore, #tpu.memory_space<semaphore_mem>>)
        %dma_wait3A_336 = arith.constant 0 : i32
        %dma_wait3A_337 = tpu.memref_slice %arg4[%mul3A_331, %dma_wait3A_336] : memref<131072x8xf32, #tpu.memory_space<hbm>> -> memref<2048x8xf32, #tpu.memory_space<hbm>>
        %dma_wait3A_338 = arith.constant 0 : i32
        %dma_wait3A_339 = tpu.memref_slice %arg4[%mul3A_331, %dma_wait3A_338] : memref<131072x8xf32, #tpu.memory_space<hbm>> -> memref<2048x8xf32, #tpu.memory_space<hbm>>
        tpu.wait_dma2 semaphore(%run_scoped3A : memref<!tpu.dma_semaphore, #tpu.memory_space<semaphore_mem>>) src(%arg6 : memref<2048x8xf32, #tpu.memory_space<vmem>>) dst(%dma_wait3A_339 : memref<2048x8xf32, #tpu.memory_space<hbm>>)
        tpu.yield
      }) : () -> ()
    }
    %scan3A_7 = arith.constant 2 : i32
    return
  }
}

#map = affine_map<(d0, d1) -> (0, 0)>
module attributes {stable_mosaic.version = 14 : i64} {
  func.func @gather_kernel(%arg0: i32, %arg1: i32, %arg2: memref<120000x8xf32, #tpu.memory_space<hbm>>, %arg3: memref<8192x128xi32, #tpu.memory_space<hbm>>, %arg4: memref<1048576x8xf32, #tpu.memory_space<hbm>>, %arg5: memref<16x128xi32, #tpu.memory_space<vmem>>, %arg6: memref<2048x8xf32, #tpu.memory_space<vmem>>, %arg7: memref<!tpu.dma_semaphore, #tpu.memory_space<semaphore_mem>>) attributes {dimension_semantics = [#tpu.dimension_semantics<core_parallel>, #tpu.dimension_semantics<subcore_parallel>], iteration_bounds = array<i64: 2, 16>, scalar_prefetch = 0 : i64, scratch_operands = 3 : i64, tpu.core_type = #tpu.core_type<sc_vector_subcore>, window_params = [{transform_indices = #map}, {transform_indices = #map}, {transform_indices = #map}]} {
    %mul3A = arith.constant 2 : i32
    %mul3A_0 = arith.muli %arg1, %mul3A : i32
    %add3A = arith.addi %mul3A_0, %arg0 : i32
    %mul3A_1 = arith.constant 256 : i32
    %mul3A_2 = arith.muli %add3A, %mul3A_1 : i32
    %scan3A = arith.constant 0 : i32
    %scan3A_3 = arith.constant 0 : i32
    %scan3A_4 = arith.constant 16 : i32
    %scan3A_5 = arith.addi %scan3A_3, %scan3A_4 : i32
    %scan3A_6 = arith.constant 1 : i32
    scf.for %scan3A_8 = %scan3A_3 to %scan3A_5 step %scan3A_6  : i32 {
      %mul3A_9 = arith.constant 16 : i32
      %mul3A_10 = arith.muli %scan3A_8, %mul3A_9 : i32
      %add3A_11 = arith.addi %mul3A_2, %mul3A_10 : i32
      "tpu.region"() ({
        %run_scoped3A = tpu.sem_alloc : memref<!tpu.dma_semaphore, #tpu.memory_space<semaphore_mem>>
        %dma_start3A_332 = arith.constant 0 : i32
        %dma_start3A_333 = tpu.memref_slice %arg3[%add3A_11, %dma_start3A_332] : memref<8192x128xi32, #tpu.memory_space<hbm>> -> memref<16x128xi32, #tpu.memory_space<hbm>>
        %dma_start3A_334 = arith.constant 0 : i32
        %dma_start3A_335 = tpu.memref_slice %arg3[%add3A_11, %dma_start3A_334] : memref<8192x128xi32, #tpu.memory_space<hbm>> -> memref<16x128xi32, #tpu.memory_space<hbm>>
        tpu.enqueue_dma source(%dma_start3A_335 : memref<16x128xi32, #tpu.memory_space<hbm>>) target(%arg5 : memref<16x128xi32, #tpu.memory_space<vmem>>) target_semaphore(%run_scoped3A : memref<!tpu.dma_semaphore, #tpu.memory_space<semaphore_mem>>)
        %dma_wait3A_336 = arith.constant 0 : i32
        %dma_wait3A_337 = tpu.memref_slice %arg3[%add3A_11, %dma_wait3A_336] : memref<8192x128xi32, #tpu.memory_space<hbm>> -> memref<16x128xi32, #tpu.memory_space<hbm>>
        %dma_wait3A_338 = arith.constant 0 : i32
        %dma_wait3A_339 = tpu.memref_slice %arg3[%add3A_11, %dma_wait3A_338] : memref<8192x128xi32, #tpu.memory_space<hbm>> -> memref<16x128xi32, #tpu.memory_space<hbm>>
        tpu.wait_dma2 semaphore(%run_scoped3A : memref<!tpu.dma_semaphore, #tpu.memory_space<semaphore_mem>>) src(%dma_wait3A_339 : memref<16x128xi32, #tpu.memory_space<hbm>>) dst(%arg5 : memref<16x128xi32, #tpu.memory_space<vmem>>)
        tpu.yield
      }) : () -> ()
      %dma_start3A = arith.constant 0 : i32
      %dma_start3A_12 = arith.constant 0 : i32
      %dma_start3A_13 = arith.constant 0 : i32
      %dma_start3A_14 = tpu.memref_slice %arg6[%dma_start3A_12, %dma_start3A_13] : memref<2048x8xf32, #tpu.memory_space<vmem>> -> memref<128x8xf32, #tpu.memory_space<vmem>>
      %dma_start3A_15 = arith.constant 0 : i32
      %dma_start3A_16 = tpu.memref_slice %arg5[%dma_start3A, %dma_start3A_15] : memref<16x128xi32, #tpu.memory_space<vmem>> -> memref<1x128xi32, #tpu.memory_space<vmem>>
      %dma_start3A_17 = tpu.memref_squeeze %dma_start3A_16 : memref<1x128xi32, #tpu.memory_space<vmem>> -> memref<128xi32, #tpu.memory_space<vmem>>
      %dma_start3A_18 = arith.constant 0 : i32
      %dma_start3A_19 = arith.constant 0 : i32
      %dma_start3A_20 = tpu.memref_slice %arg2[%dma_start3A_18, %dma_start3A_19] : memref<120000x8xf32, #tpu.memory_space<hbm>> -> memref<120000x8xf32, #tpu.memory_space<hbm>>
      tpu.enqueue_indirect_dma source(%dma_start3A_20 : memref<120000x8xf32, #tpu.memory_space<hbm>>) target(%dma_start3A_14 : memref<128x8xf32, #tpu.memory_space<vmem>>) offsets(%dma_start3A_17 : memref<128xi32, #tpu.memory_space<vmem>>) semaphore(%arg7 : memref<!tpu.dma_semaphore, #tpu.memory_space<semaphore_mem>>)
      %dma_start3A_21 = arith.constant 1 : i32
      %dma_start3A_22 = arith.constant 128 : i32
      %dma_start3A_23 = arith.constant 0 : i32
      %dma_start3A_24 = tpu.memref_slice %arg6[%dma_start3A_22, %dma_start3A_23] : memref<2048x8xf32, #tpu.memory_space<vmem>> -> memref<128x8xf32, #tpu.memory_space<vmem>>
      %dma_start3A_25 = arith.constant 0 : i32
      %dma_start3A_26 = tpu.memref_slice %arg5[%dma_start3A_21, %dma_start3A_25] : memref<16x128xi32, #tpu.memory_space<vmem>> -> memref<1x128xi32, #tpu.memory_space<vmem>>
      %dma_start3A_27 = tpu.memref_squeeze %dma_start3A_26 : memref<1x128xi32, #tpu.memory_space<vmem>> -> memref<128xi32, #tpu.memory_space<vmem>>
      %dma_start3A_28 = arith.constant 0 : i32
      %dma_start3A_29 = arith.constant 0 : i32
      %dma_start3A_30 = tpu.memref_slice %arg2[%dma_start3A_28, %dma_start3A_29] : memref<120000x8xf32, #tpu.memory_space<hbm>> -> memref<120000x8xf32, #tpu.memory_space<hbm>>
      tpu.enqueue_indirect_dma source(%dma_start3A_30 : memref<120000x8xf32, #tpu.memory_space<hbm>>) target(%dma_start3A_24 : memref<128x8xf32, #tpu.memory_space<vmem>>) offsets(%dma_start3A_27 : memref<128xi32, #tpu.memory_space<vmem>>) semaphore(%arg7 : memref<!tpu.dma_semaphore, #tpu.memory_space<semaphore_mem>>)
      %dma_start3A_31 = arith.constant 2 : i32
      %dma_start3A_32 = arith.constant 256 : i32
      %dma_start3A_33 = arith.constant 0 : i32
      %dma_start3A_34 = tpu.memref_slice %arg6[%dma_start3A_32, %dma_start3A_33] : memref<2048x8xf32, #tpu.memory_space<vmem>> -> memref<128x8xf32, #tpu.memory_space<vmem>>
      %dma_start3A_35 = arith.constant 0 : i32
      %dma_start3A_36 = tpu.memref_slice %arg5[%dma_start3A_31, %dma_start3A_35] : memref<16x128xi32, #tpu.memory_space<vmem>> -> memref<1x128xi32, #tpu.memory_space<vmem>>
      %dma_start3A_37 = tpu.memref_squeeze %dma_start3A_36 : memref<1x128xi32, #tpu.memory_space<vmem>> -> memref<128xi32, #tpu.memory_space<vmem>>
      %dma_start3A_38 = arith.constant 0 : i32
      %dma_start3A_39 = arith.constant 0 : i32
      %dma_start3A_40 = tpu.memref_slice %arg2[%dma_start3A_38, %dma_start3A_39] : memref<120000x8xf32, #tpu.memory_space<hbm>> -> memref<120000x8xf32, #tpu.memory_space<hbm>>
      tpu.enqueue_indirect_dma source(%dma_start3A_40 : memref<120000x8xf32, #tpu.memory_space<hbm>>) target(%dma_start3A_34 : memref<128x8xf32, #tpu.memory_space<vmem>>) offsets(%dma_start3A_37 : memref<128xi32, #tpu.memory_space<vmem>>) semaphore(%arg7 : memref<!tpu.dma_semaphore, #tpu.memory_space<semaphore_mem>>)
      %dma_start3A_41 = arith.constant 3 : i32
      %dma_start3A_42 = arith.constant 384 : i32
      %dma_start3A_43 = arith.constant 0 : i32
      %dma_start3A_44 = tpu.memref_slice %arg6[%dma_start3A_42, %dma_start3A_43] : memref<2048x8xf32, #tpu.memory_space<vmem>> -> memref<128x8xf32, #tpu.memory_space<vmem>>
      %dma_start3A_45 = arith.constant 0 : i32
      %dma_start3A_46 = tpu.memref_slice %arg5[%dma_start3A_41, %dma_start3A_45] : memref<16x128xi32, #tpu.memory_space<vmem>> -> memref<1x128xi32, #tpu.memory_space<vmem>>
      %dma_start3A_47 = tpu.memref_squeeze %dma_start3A_46 : memref<1x128xi32, #tpu.memory_space<vmem>> -> memref<128xi32, #tpu.memory_space<vmem>>
      %dma_start3A_48 = arith.constant 0 : i32
      %dma_start3A_49 = arith.constant 0 : i32
      %dma_start3A_50 = tpu.memref_slice %arg2[%dma_start3A_48, %dma_start3A_49] : memref<120000x8xf32, #tpu.memory_space<hbm>> -> memref<120000x8xf32, #tpu.memory_space<hbm>>
      tpu.enqueue_indirect_dma source(%dma_start3A_50 : memref<120000x8xf32, #tpu.memory_space<hbm>>) target(%dma_start3A_44 : memref<128x8xf32, #tpu.memory_space<vmem>>) offsets(%dma_start3A_47 : memref<128xi32, #tpu.memory_space<vmem>>) semaphore(%arg7 : memref<!tpu.dma_semaphore, #tpu.memory_space<semaphore_mem>>)
      %dma_start3A_51 = arith.constant 4 : i32
      %dma_start3A_52 = arith.constant 512 : i32
      %dma_start3A_53 = arith.constant 0 : i32
      %dma_start3A_54 = tpu.memref_slice %arg6[%dma_start3A_52, %dma_start3A_53] : memref<2048x8xf32, #tpu.memory_space<vmem>> -> memref<128x8xf32, #tpu.memory_space<vmem>>
      %dma_start3A_55 = arith.constant 0 : i32
      %dma_start3A_56 = tpu.memref_slice %arg5[%dma_start3A_51, %dma_start3A_55] : memref<16x128xi32, #tpu.memory_space<vmem>> -> memref<1x128xi32, #tpu.memory_space<vmem>>
      %dma_start3A_57 = tpu.memref_squeeze %dma_start3A_56 : memref<1x128xi32, #tpu.memory_space<vmem>> -> memref<128xi32, #tpu.memory_space<vmem>>
      %dma_start3A_58 = arith.constant 0 : i32
      %dma_start3A_59 = arith.constant 0 : i32
      %dma_start3A_60 = tpu.memref_slice %arg2[%dma_start3A_58, %dma_start3A_59] : memref<120000x8xf32, #tpu.memory_space<hbm>> -> memref<120000x8xf32, #tpu.memory_space<hbm>>
      tpu.enqueue_indirect_dma source(%dma_start3A_60 : memref<120000x8xf32, #tpu.memory_space<hbm>>) target(%dma_start3A_54 : memref<128x8xf32, #tpu.memory_space<vmem>>) offsets(%dma_start3A_57 : memref<128xi32, #tpu.memory_space<vmem>>) semaphore(%arg7 : memref<!tpu.dma_semaphore, #tpu.memory_space<semaphore_mem>>)
      %dma_start3A_61 = arith.constant 5 : i32
      %dma_start3A_62 = arith.constant 640 : i32
      %dma_start3A_63 = arith.constant 0 : i32
      %dma_start3A_64 = tpu.memref_slice %arg6[%dma_start3A_62, %dma_start3A_63] : memref<2048x8xf32, #tpu.memory_space<vmem>> -> memref<128x8xf32, #tpu.memory_space<vmem>>
      %dma_start3A_65 = arith.constant 0 : i32
      %dma_start3A_66 = tpu.memref_slice %arg5[%dma_start3A_61, %dma_start3A_65] : memref<16x128xi32, #tpu.memory_space<vmem>> -> memref<1x128xi32, #tpu.memory_space<vmem>>
      %dma_start3A_67 = tpu.memref_squeeze %dma_start3A_66 : memref<1x128xi32, #tpu.memory_space<vmem>> -> memref<128xi32, #tpu.memory_space<vmem>>
      %dma_start3A_68 = arith.constant 0 : i32
      %dma_start3A_69 = arith.constant 0 : i32
      %dma_start3A_70 = tpu.memref_slice %arg2[%dma_start3A_68, %dma_start3A_69] : memref<120000x8xf32, #tpu.memory_space<hbm>> -> memref<120000x8xf32, #tpu.memory_space<hbm>>
      tpu.enqueue_indirect_dma source(%dma_start3A_70 : memref<120000x8xf32, #tpu.memory_space<hbm>>) target(%dma_start3A_64 : memref<128x8xf32, #tpu.memory_space<vmem>>) offsets(%dma_start3A_67 : memref<128xi32, #tpu.memory_space<vmem>>) semaphore(%arg7 : memref<!tpu.dma_semaphore, #tpu.memory_space<semaphore_mem>>)
      %dma_start3A_71 = arith.constant 6 : i32
      %dma_start3A_72 = arith.constant 768 : i32
      %dma_start3A_73 = arith.constant 0 : i32
      %dma_start3A_74 = tpu.memref_slice %arg6[%dma_start3A_72, %dma_start3A_73] : memref<2048x8xf32, #tpu.memory_space<vmem>> -> memref<128x8xf32, #tpu.memory_space<vmem>>
      %dma_start3A_75 = arith.constant 0 : i32
      %dma_start3A_76 = tpu.memref_slice %arg5[%dma_start3A_71, %dma_start3A_75] : memref<16x128xi32, #tpu.memory_space<vmem>> -> memref<1x128xi32, #tpu.memory_space<vmem>>
      %dma_start3A_77 = tpu.memref_squeeze %dma_start3A_76 : memref<1x128xi32, #tpu.memory_space<vmem>> -> memref<128xi32, #tpu.memory_space<vmem>>
      %dma_start3A_78 = arith.constant 0 : i32
      %dma_start3A_79 = arith.constant 0 : i32
      %dma_start3A_80 = tpu.memref_slice %arg2[%dma_start3A_78, %dma_start3A_79] : memref<120000x8xf32, #tpu.memory_space<hbm>> -> memref<120000x8xf32, #tpu.memory_space<hbm>>
      tpu.enqueue_indirect_dma source(%dma_start3A_80 : memref<120000x8xf32, #tpu.memory_space<hbm>>) target(%dma_start3A_74 : memref<128x8xf32, #tpu.memory_space<vmem>>) offsets(%dma_start3A_77 : memref<128xi32, #tpu.memory_space<vmem>>) semaphore(%arg7 : memref<!tpu.dma_semaphore, #tpu.memory_space<semaphore_mem>>)
      %dma_start3A_81 = arith.constant 7 : i32
      %dma_start3A_82 = arith.constant 896 : i32
      %dma_start3A_83 = arith.constant 0 : i32
      %dma_start3A_84 = tpu.memref_slice %arg6[%dma_start3A_82, %dma_start3A_83] : memref<2048x8xf32, #tpu.memory_space<vmem>> -> memref<128x8xf32, #tpu.memory_space<vmem>>
      %dma_start3A_85 = arith.constant 0 : i32
      %dma_start3A_86 = tpu.memref_slice %arg5[%dma_start3A_81, %dma_start3A_85] : memref<16x128xi32, #tpu.memory_space<vmem>> -> memref<1x128xi32, #tpu.memory_space<vmem>>
      %dma_start3A_87 = tpu.memref_squeeze %dma_start3A_86 : memref<1x128xi32, #tpu.memory_space<vmem>> -> memref<128xi32, #tpu.memory_space<vmem>>
      %dma_start3A_88 = arith.constant 0 : i32
      %dma_start3A_89 = arith.constant 0 : i32
      %dma_start3A_90 = tpu.memref_slice %arg2[%dma_start3A_88, %dma_start3A_89] : memref<120000x8xf32, #tpu.memory_space<hbm>> -> memref<120000x8xf32, #tpu.memory_space<hbm>>
      tpu.enqueue_indirect_dma source(%dma_start3A_90 : memref<120000x8xf32, #tpu.memory_space<hbm>>) target(%dma_start3A_84 : memref<128x8xf32, #tpu.memory_space<vmem>>) offsets(%dma_start3A_87 : memref<128xi32, #tpu.memory_space<vmem>>) semaphore(%arg7 : memref<!tpu.dma_semaphore, #tpu.memory_space<semaphore_mem>>)
      %dma_start3A_91 = arith.constant 8 : i32
      %dma_start3A_92 = arith.constant 1024 : i32
      %dma_start3A_93 = arith.constant 0 : i32
      %dma_start3A_94 = tpu.memref_slice %arg6[%dma_start3A_92, %dma_start3A_93] : memref<2048x8xf32, #tpu.memory_space<vmem>> -> memref<128x8xf32, #tpu.memory_space<vmem>>
      %dma_start3A_95 = arith.constant 0 : i32
      %dma_start3A_96 = tpu.memref_slice %arg5[%dma_start3A_91, %dma_start3A_95] : memref<16x128xi32, #tpu.memory_space<vmem>> -> memref<1x128xi32, #tpu.memory_space<vmem>>
      %dma_start3A_97 = tpu.memref_squeeze %dma_start3A_96 : memref<1x128xi32, #tpu.memory_space<vmem>> -> memref<128xi32, #tpu.memory_space<vmem>>
      %dma_start3A_98 = arith.constant 0 : i32
      %dma_start3A_99 = arith.constant 0 : i32
      %dma_start3A_100 = tpu.memref_slice %arg2[%dma_start3A_98, %dma_start3A_99] : memref<120000x8xf32, #tpu.memory_space<hbm>> -> memref<120000x8xf32, #tpu.memory_space<hbm>>
      tpu.enqueue_indirect_dma source(%dma_start3A_100 : memref<120000x8xf32, #tpu.memory_space<hbm>>) target(%dma_start3A_94 : memref<128x8xf32, #tpu.memory_space<vmem>>) offsets(%dma_start3A_97 : memref<128xi32, #tpu.memory_space<vmem>>) semaphore(%arg7 : memref<!tpu.dma_semaphore, #tpu.memory_space<semaphore_mem>>)
      %dma_start3A_101 = arith.constant 9 : i32
      %dma_start3A_102 = arith.constant 1152 : i32
      %dma_start3A_103 = arith.constant 0 : i32
      %dma_start3A_104 = tpu.memref_slice %arg6[%dma_start3A_102, %dma_start3A_103] : memref<2048x8xf32, #tpu.memory_space<vmem>> -> memref<128x8xf32, #tpu.memory_space<vmem>>
      %dma_start3A_105 = arith.constant 0 : i32
      %dma_start3A_106 = tpu.memref_slice %arg5[%dma_start3A_101, %dma_start3A_105] : memref<16x128xi32, #tpu.memory_space<vmem>> -> memref<1x128xi32, #tpu.memory_space<vmem>>
      %dma_start3A_107 = tpu.memref_squeeze %dma_start3A_106 : memref<1x128xi32, #tpu.memory_space<vmem>> -> memref<128xi32, #tpu.memory_space<vmem>>
      %dma_start3A_108 = arith.constant 0 : i32
      %dma_start3A_109 = arith.constant 0 : i32
      %dma_start3A_110 = tpu.memref_slice %arg2[%dma_start3A_108, %dma_start3A_109] : memref<120000x8xf32, #tpu.memory_space<hbm>> -> memref<120000x8xf32, #tpu.memory_space<hbm>>
      tpu.enqueue_indirect_dma source(%dma_start3A_110 : memref<120000x8xf32, #tpu.memory_space<hbm>>) target(%dma_start3A_104 : memref<128x8xf32, #tpu.memory_space<vmem>>) offsets(%dma_start3A_107 : memref<128xi32, #tpu.memory_space<vmem>>) semaphore(%arg7 : memref<!tpu.dma_semaphore, #tpu.memory_space<semaphore_mem>>)
      %dma_start3A_111 = arith.constant 10 : i32
      %dma_start3A_112 = arith.constant 1280 : i32
      %dma_start3A_113 = arith.constant 0 : i32
      %dma_start3A_114 = tpu.memref_slice %arg6[%dma_start3A_112, %dma_start3A_113] : memref<2048x8xf32, #tpu.memory_space<vmem>> -> memref<128x8xf32, #tpu.memory_space<vmem>>
      %dma_start3A_115 = arith.constant 0 : i32
      %dma_start3A_116 = tpu.memref_slice %arg5[%dma_start3A_111, %dma_start3A_115] : memref<16x128xi32, #tpu.memory_space<vmem>> -> memref<1x128xi32, #tpu.memory_space<vmem>>
      %dma_start3A_117 = tpu.memref_squeeze %dma_start3A_116 : memref<1x128xi32, #tpu.memory_space<vmem>> -> memref<128xi32, #tpu.memory_space<vmem>>
      %dma_start3A_118 = arith.constant 0 : i32
      %dma_start3A_119 = arith.constant 0 : i32
      %dma_start3A_120 = tpu.memref_slice %arg2[%dma_start3A_118, %dma_start3A_119] : memref<120000x8xf32, #tpu.memory_space<hbm>> -> memref<120000x8xf32, #tpu.memory_space<hbm>>
      tpu.enqueue_indirect_dma source(%dma_start3A_120 : memref<120000x8xf32, #tpu.memory_space<hbm>>) target(%dma_start3A_114 : memref<128x8xf32, #tpu.memory_space<vmem>>) offsets(%dma_start3A_117 : memref<128xi32, #tpu.memory_space<vmem>>) semaphore(%arg7 : memref<!tpu.dma_semaphore, #tpu.memory_space<semaphore_mem>>)
      %dma_start3A_121 = arith.constant 11 : i32
      %dma_start3A_122 = arith.constant 1408 : i32
      %dma_start3A_123 = arith.constant 0 : i32
      %dma_start3A_124 = tpu.memref_slice %arg6[%dma_start3A_122, %dma_start3A_123] : memref<2048x8xf32, #tpu.memory_space<vmem>> -> memref<128x8xf32, #tpu.memory_space<vmem>>
      %dma_start3A_125 = arith.constant 0 : i32
      %dma_start3A_126 = tpu.memref_slice %arg5[%dma_start3A_121, %dma_start3A_125] : memref<16x128xi32, #tpu.memory_space<vmem>> -> memref<1x128xi32, #tpu.memory_space<vmem>>
      %dma_start3A_127 = tpu.memref_squeeze %dma_start3A_126 : memref<1x128xi32, #tpu.memory_space<vmem>> -> memref<128xi32, #tpu.memory_space<vmem>>
      %dma_start3A_128 = arith.constant 0 : i32
      %dma_start3A_129 = arith.constant 0 : i32
      %dma_start3A_130 = tpu.memref_slice %arg2[%dma_start3A_128, %dma_start3A_129] : memref<120000x8xf32, #tpu.memory_space<hbm>> -> memref<120000x8xf32, #tpu.memory_space<hbm>>
      tpu.enqueue_indirect_dma source(%dma_start3A_130 : memref<120000x8xf32, #tpu.memory_space<hbm>>) target(%dma_start3A_124 : memref<128x8xf32, #tpu.memory_space<vmem>>) offsets(%dma_start3A_127 : memref<128xi32, #tpu.memory_space<vmem>>) semaphore(%arg7 : memref<!tpu.dma_semaphore, #tpu.memory_space<semaphore_mem>>)
      %dma_start3A_131 = arith.constant 12 : i32
      %dma_start3A_132 = arith.constant 1536 : i32
      %dma_start3A_133 = arith.constant 0 : i32
      %dma_start3A_134 = tpu.memref_slice %arg6[%dma_start3A_132, %dma_start3A_133] : memref<2048x8xf32, #tpu.memory_space<vmem>> -> memref<128x8xf32, #tpu.memory_space<vmem>>
      %dma_start3A_135 = arith.constant 0 : i32
      %dma_start3A_136 = tpu.memref_slice %arg5[%dma_start3A_131, %dma_start3A_135] : memref<16x128xi32, #tpu.memory_space<vmem>> -> memref<1x128xi32, #tpu.memory_space<vmem>>
      %dma_start3A_137 = tpu.memref_squeeze %dma_start3A_136 : memref<1x128xi32, #tpu.memory_space<vmem>> -> memref<128xi32, #tpu.memory_space<vmem>>
      %dma_start3A_138 = arith.constant 0 : i32
      %dma_start3A_139 = arith.constant 0 : i32
      %dma_start3A_140 = tpu.memref_slice %arg2[%dma_start3A_138, %dma_start3A_139] : memref<120000x8xf32, #tpu.memory_space<hbm>> -> memref<120000x8xf32, #tpu.memory_space<hbm>>
      tpu.enqueue_indirect_dma source(%dma_start3A_140 : memref<120000x8xf32, #tpu.memory_space<hbm>>) target(%dma_start3A_134 : memref<128x8xf32, #tpu.memory_space<vmem>>) offsets(%dma_start3A_137 : memref<128xi32, #tpu.memory_space<vmem>>) semaphore(%arg7 : memref<!tpu.dma_semaphore, #tpu.memory_space<semaphore_mem>>)
      %dma_start3A_141 = arith.constant 13 : i32
      %dma_start3A_142 = arith.constant 1664 : i32
      %dma_start3A_143 = arith.constant 0 : i32
      %dma_start3A_144 = tpu.memref_slice %arg6[%dma_start3A_142, %dma_start3A_143] : memref<2048x8xf32, #tpu.memory_space<vmem>> -> memref<128x8xf32, #tpu.memory_space<vmem>>
      %dma_start3A_145 = arith.constant 0 : i32
      %dma_start3A_146 = tpu.memref_slice %arg5[%dma_start3A_141, %dma_start3A_145] : memref<16x128xi32, #tpu.memory_space<vmem>> -> memref<1x128xi32, #tpu.memory_space<vmem>>
      %dma_start3A_147 = tpu.memref_squeeze %dma_start3A_146 : memref<1x128xi32, #tpu.memory_space<vmem>> -> memref<128xi32, #tpu.memory_space<vmem>>
      %dma_start3A_148 = arith.constant 0 : i32
      %dma_start3A_149 = arith.constant 0 : i32
      %dma_start3A_150 = tpu.memref_slice %arg2[%dma_start3A_148, %dma_start3A_149] : memref<120000x8xf32, #tpu.memory_space<hbm>> -> memref<120000x8xf32, #tpu.memory_space<hbm>>
      tpu.enqueue_indirect_dma source(%dma_start3A_150 : memref<120000x8xf32, #tpu.memory_space<hbm>>) target(%dma_start3A_144 : memref<128x8xf32, #tpu.memory_space<vmem>>) offsets(%dma_start3A_147 : memref<128xi32, #tpu.memory_space<vmem>>) semaphore(%arg7 : memref<!tpu.dma_semaphore, #tpu.memory_space<semaphore_mem>>)
      %dma_start3A_151 = arith.constant 14 : i32
      %dma_start3A_152 = arith.constant 1792 : i32
      %dma_start3A_153 = arith.constant 0 : i32
      %dma_start3A_154 = tpu.memref_slice %arg6[%dma_start3A_152, %dma_start3A_153] : memref<2048x8xf32, #tpu.memory_space<vmem>> -> memref<128x8xf32, #tpu.memory_space<vmem>>
      %dma_start3A_155 = arith.constant 0 : i32
      %dma_start3A_156 = tpu.memref_slice %arg5[%dma_start3A_151, %dma_start3A_155] : memref<16x128xi32, #tpu.memory_space<vmem>> -> memref<1x128xi32, #tpu.memory_space<vmem>>
      %dma_start3A_157 = tpu.memref_squeeze %dma_start3A_156 : memref<1x128xi32, #tpu.memory_space<vmem>> -> memref<128xi32, #tpu.memory_space<vmem>>
      %dma_start3A_158 = arith.constant 0 : i32
      %dma_start3A_159 = arith.constant 0 : i32
      %dma_start3A_160 = tpu.memref_slice %arg2[%dma_start3A_158, %dma_start3A_159] : memref<120000x8xf32, #tpu.memory_space<hbm>> -> memref<120000x8xf32, #tpu.memory_space<hbm>>
      tpu.enqueue_indirect_dma source(%dma_start3A_160 : memref<120000x8xf32, #tpu.memory_space<hbm>>) target(%dma_start3A_154 : memref<128x8xf32, #tpu.memory_space<vmem>>) offsets(%dma_start3A_157 : memref<128xi32, #tpu.memory_space<vmem>>) semaphore(%arg7 : memref<!tpu.dma_semaphore, #tpu.memory_space<semaphore_mem>>)
      %dma_start3A_161 = arith.constant 15 : i32
      %dma_start3A_162 = arith.constant 1920 : i32
      %dma_start3A_163 = arith.constant 0 : i32
      %dma_start3A_164 = tpu.memref_slice %arg6[%dma_start3A_162, %dma_start3A_163] : memref<2048x8xf32, #tpu.memory_space<vmem>> -> memref<128x8xf32, #tpu.memory_space<vmem>>
      %dma_start3A_165 = arith.constant 0 : i32
      %dma_start3A_166 = tpu.memref_slice %arg5[%dma_start3A_161, %dma_start3A_165] : memref<16x128xi32, #tpu.memory_space<vmem>> -> memref<1x128xi32, #tpu.memory_space<vmem>>
      %dma_start3A_167 = tpu.memref_squeeze %dma_start3A_166 : memref<1x128xi32, #tpu.memory_space<vmem>> -> memref<128xi32, #tpu.memory_space<vmem>>
      %dma_start3A_168 = arith.constant 0 : i32
      %dma_start3A_169 = arith.constant 0 : i32
      %dma_start3A_170 = tpu.memref_slice %arg2[%dma_start3A_168, %dma_start3A_169] : memref<120000x8xf32, #tpu.memory_space<hbm>> -> memref<120000x8xf32, #tpu.memory_space<hbm>>
      tpu.enqueue_indirect_dma source(%dma_start3A_170 : memref<120000x8xf32, #tpu.memory_space<hbm>>) target(%dma_start3A_164 : memref<128x8xf32, #tpu.memory_space<vmem>>) offsets(%dma_start3A_167 : memref<128xi32, #tpu.memory_space<vmem>>) semaphore(%arg7 : memref<!tpu.dma_semaphore, #tpu.memory_space<semaphore_mem>>)
      %dma_wait3A = arith.constant 0 : i32
      %dma_wait3A_171 = arith.constant 0 : i32
      %dma_wait3A_172 = arith.constant 0 : i32
      %dma_wait3A_173 = tpu.memref_slice %arg6[%dma_wait3A_171, %dma_wait3A_172] : memref<2048x8xf32, #tpu.memory_space<vmem>> -> memref<128x8xf32, #tpu.memory_space<vmem>>
      %dma_wait3A_174 = arith.constant 0 : i32
      %dma_wait3A_175 = tpu.memref_slice %arg5[%dma_wait3A, %dma_wait3A_174] : memref<16x128xi32, #tpu.memory_space<vmem>> -> memref<1x128xi32, #tpu.memory_space<vmem>>
      %dma_wait3A_176 = tpu.memref_squeeze %dma_wait3A_175 : memref<1x128xi32, #tpu.memory_space<vmem>> -> memref<128xi32, #tpu.memory_space<vmem>>
      %dma_wait3A_177 = arith.constant 0 : i32
      %dma_wait3A_178 = arith.constant 0 : i32
      %dma_wait3A_179 = tpu.memref_slice %arg2[%dma_wait3A_177, %dma_wait3A_178] : memref<120000x8xf32, #tpu.memory_space<hbm>> -> memref<120000x8xf32, #tpu.memory_space<hbm>>
      tpu.wait_indirect_dma semaphore(%arg7 : memref<!tpu.dma_semaphore, #tpu.memory_space<semaphore_mem>>) src(%dma_wait3A_179 : memref<120000x8xf32, #tpu.memory_space<hbm>>) dst(%dma_wait3A_173 : memref<128x8xf32, #tpu.memory_space<vmem>>)
      %dma_wait3A_180 = arith.constant 1 : i32
      %dma_wait3A_181 = arith.constant 128 : i32
      %dma_wait3A_182 = arith.constant 0 : i32
      %dma_wait3A_183 = tpu.memref_slice %arg6[%dma_wait3A_181, %dma_wait3A_182] : memref<2048x8xf32, #tpu.memory_space<vmem>> -> memref<128x8xf32, #tpu.memory_space<vmem>>
      %dma_wait3A_184 = arith.constant 0 : i32
      %dma_wait3A_185 = tpu.memref_slice %arg5[%dma_wait3A_180, %dma_wait3A_184] : memref<16x128xi32, #tpu.memory_space<vmem>> -> memref<1x128xi32, #tpu.memory_space<vmem>>
      %dma_wait3A_186 = tpu.memref_squeeze %dma_wait3A_185 : memref<1x128xi32, #tpu.memory_space<vmem>> -> memref<128xi32, #tpu.memory_space<vmem>>
      %dma_wait3A_187 = arith.constant 0 : i32
      %dma_wait3A_188 = arith.constant 0 : i32
      %dma_wait3A_189 = tpu.memref_slice %arg2[%dma_wait3A_187, %dma_wait3A_188] : memref<120000x8xf32, #tpu.memory_space<hbm>> -> memref<120000x8xf32, #tpu.memory_space<hbm>>
      tpu.wait_indirect_dma semaphore(%arg7 : memref<!tpu.dma_semaphore, #tpu.memory_space<semaphore_mem>>) src(%dma_wait3A_189 : memref<120000x8xf32, #tpu.memory_space<hbm>>) dst(%dma_wait3A_183 : memref<128x8xf32, #tpu.memory_space<vmem>>)
      %dma_wait3A_190 = arith.constant 2 : i32
      %dma_wait3A_191 = arith.constant 256 : i32
      %dma_wait3A_192 = arith.constant 0 : i32
      %dma_wait3A_193 = tpu.memref_slice %arg6[%dma_wait3A_191, %dma_wait3A_192] : memref<2048x8xf32, #tpu.memory_space<vmem>> -> memref<128x8xf32, #tpu.memory_space<vmem>>
      %dma_wait3A_194 = arith.constant 0 : i32
      %dma_wait3A_195 = tpu.memref_slice %arg5[%dma_wait3A_190, %dma_wait3A_194] : memref<16x128xi32, #tpu.memory_space<vmem>> -> memref<1x128xi32, #tpu.memory_space<vmem>>
      %dma_wait3A_196 = tpu.memref_squeeze %dma_wait3A_195 : memref<1x128xi32, #tpu.memory_space<vmem>> -> memref<128xi32, #tpu.memory_space<vmem>>
      %dma_wait3A_197 = arith.constant 0 : i32
      %dma_wait3A_198 = arith.constant 0 : i32
      %dma_wait3A_199 = tpu.memref_slice %arg2[%dma_wait3A_197, %dma_wait3A_198] : memref<120000x8xf32, #tpu.memory_space<hbm>> -> memref<120000x8xf32, #tpu.memory_space<hbm>>
      tpu.wait_indirect_dma semaphore(%arg7 : memref<!tpu.dma_semaphore, #tpu.memory_space<semaphore_mem>>) src(%dma_wait3A_199 : memref<120000x8xf32, #tpu.memory_space<hbm>>) dst(%dma_wait3A_193 : memref<128x8xf32, #tpu.memory_space<vmem>>)
      %dma_wait3A_200 = arith.constant 3 : i32
      %dma_wait3A_201 = arith.constant 384 : i32
      %dma_wait3A_202 = arith.constant 0 : i32
      %dma_wait3A_203 = tpu.memref_slice %arg6[%dma_wait3A_201, %dma_wait3A_202] : memref<2048x8xf32, #tpu.memory_space<vmem>> -> memref<128x8xf32, #tpu.memory_space<vmem>>
      %dma_wait3A_204 = arith.constant 0 : i32
      %dma_wait3A_205 = tpu.memref_slice %arg5[%dma_wait3A_200, %dma_wait3A_204] : memref<16x128xi32, #tpu.memory_space<vmem>> -> memref<1x128xi32, #tpu.memory_space<vmem>>
      %dma_wait3A_206 = tpu.memref_squeeze %dma_wait3A_205 : memref<1x128xi32, #tpu.memory_space<vmem>> -> memref<128xi32, #tpu.memory_space<vmem>>
      %dma_wait3A_207 = arith.constant 0 : i32
      %dma_wait3A_208 = arith.constant 0 : i32
      %dma_wait3A_209 = tpu.memref_slice %arg2[%dma_wait3A_207, %dma_wait3A_208] : memref<120000x8xf32, #tpu.memory_space<hbm>> -> memref<120000x8xf32, #tpu.memory_space<hbm>>
      tpu.wait_indirect_dma semaphore(%arg7 : memref<!tpu.dma_semaphore, #tpu.memory_space<semaphore_mem>>) src(%dma_wait3A_209 : memref<120000x8xf32, #tpu.memory_space<hbm>>) dst(%dma_wait3A_203 : memref<128x8xf32, #tpu.memory_space<vmem>>)
      %dma_wait3A_210 = arith.constant 4 : i32
      %dma_wait3A_211 = arith.constant 512 : i32
      %dma_wait3A_212 = arith.constant 0 : i32
      %dma_wait3A_213 = tpu.memref_slice %arg6[%dma_wait3A_211, %dma_wait3A_212] : memref<2048x8xf32, #tpu.memory_space<vmem>> -> memref<128x8xf32, #tpu.memory_space<vmem>>
      %dma_wait3A_214 = arith.constant 0 : i32
      %dma_wait3A_215 = tpu.memref_slice %arg5[%dma_wait3A_210, %dma_wait3A_214] : memref<16x128xi32, #tpu.memory_space<vmem>> -> memref<1x128xi32, #tpu.memory_space<vmem>>
      %dma_wait3A_216 = tpu.memref_squeeze %dma_wait3A_215 : memref<1x128xi32, #tpu.memory_space<vmem>> -> memref<128xi32, #tpu.memory_space<vmem>>
      %dma_wait3A_217 = arith.constant 0 : i32
      %dma_wait3A_218 = arith.constant 0 : i32
      %dma_wait3A_219 = tpu.memref_slice %arg2[%dma_wait3A_217, %dma_wait3A_218] : memref<120000x8xf32, #tpu.memory_space<hbm>> -> memref<120000x8xf32, #tpu.memory_space<hbm>>
      tpu.wait_indirect_dma semaphore(%arg7 : memref<!tpu.dma_semaphore, #tpu.memory_space<semaphore_mem>>) src(%dma_wait3A_219 : memref<120000x8xf32, #tpu.memory_space<hbm>>) dst(%dma_wait3A_213 : memref<128x8xf32, #tpu.memory_space<vmem>>)
      %dma_wait3A_220 = arith.constant 5 : i32
      %dma_wait3A_221 = arith.constant 640 : i32
      %dma_wait3A_222 = arith.constant 0 : i32
      %dma_wait3A_223 = tpu.memref_slice %arg6[%dma_wait3A_221, %dma_wait3A_222] : memref<2048x8xf32, #tpu.memory_space<vmem>> -> memref<128x8xf32, #tpu.memory_space<vmem>>
      %dma_wait3A_224 = arith.constant 0 : i32
      %dma_wait3A_225 = tpu.memref_slice %arg5[%dma_wait3A_220, %dma_wait3A_224] : memref<16x128xi32, #tpu.memory_space<vmem>> -> memref<1x128xi32, #tpu.memory_space<vmem>>
      %dma_wait3A_226 = tpu.memref_squeeze %dma_wait3A_225 : memref<1x128xi32, #tpu.memory_space<vmem>> -> memref<128xi32, #tpu.memory_space<vmem>>
      %dma_wait3A_227 = arith.constant 0 : i32
      %dma_wait3A_228 = arith.constant 0 : i32
      %dma_wait3A_229 = tpu.memref_slice %arg2[%dma_wait3A_227, %dma_wait3A_228] : memref<120000x8xf32, #tpu.memory_space<hbm>> -> memref<120000x8xf32, #tpu.memory_space<hbm>>
      tpu.wait_indirect_dma semaphore(%arg7 : memref<!tpu.dma_semaphore, #tpu.memory_space<semaphore_mem>>) src(%dma_wait3A_229 : memref<120000x8xf32, #tpu.memory_space<hbm>>) dst(%dma_wait3A_223 : memref<128x8xf32, #tpu.memory_space<vmem>>)
      %dma_wait3A_230 = arith.constant 6 : i32
      %dma_wait3A_231 = arith.constant 768 : i32
      %dma_wait3A_232 = arith.constant 0 : i32
      %dma_wait3A_233 = tpu.memref_slice %arg6[%dma_wait3A_231, %dma_wait3A_232] : memref<2048x8xf32, #tpu.memory_space<vmem>> -> memref<128x8xf32, #tpu.memory_space<vmem>>
      %dma_wait3A_234 = arith.constant 0 : i32
      %dma_wait3A_235 = tpu.memref_slice %arg5[%dma_wait3A_230, %dma_wait3A_234] : memref<16x128xi32, #tpu.memory_space<vmem>> -> memref<1x128xi32, #tpu.memory_space<vmem>>
      %dma_wait3A_236 = tpu.memref_squeeze %dma_wait3A_235 : memref<1x128xi32, #tpu.memory_space<vmem>> -> memref<128xi32, #tpu.memory_space<vmem>>
      %dma_wait3A_237 = arith.constant 0 : i32
      %dma_wait3A_238 = arith.constant 0 : i32
      %dma_wait3A_239 = tpu.memref_slice %arg2[%dma_wait3A_237, %dma_wait3A_238] : memref<120000x8xf32, #tpu.memory_space<hbm>> -> memref<120000x8xf32, #tpu.memory_space<hbm>>
      tpu.wait_indirect_dma semaphore(%arg7 : memref<!tpu.dma_semaphore, #tpu.memory_space<semaphore_mem>>) src(%dma_wait3A_239 : memref<120000x8xf32, #tpu.memory_space<hbm>>) dst(%dma_wait3A_233 : memref<128x8xf32, #tpu.memory_space<vmem>>)
      %dma_wait3A_240 = arith.constant 7 : i32
      %dma_wait3A_241 = arith.constant 896 : i32
      %dma_wait3A_242 = arith.constant 0 : i32
      %dma_wait3A_243 = tpu.memref_slice %arg6[%dma_wait3A_241, %dma_wait3A_242] : memref<2048x8xf32, #tpu.memory_space<vmem>> -> memref<128x8xf32, #tpu.memory_space<vmem>>
      %dma_wait3A_244 = arith.constant 0 : i32
      %dma_wait3A_245 = tpu.memref_slice %arg5[%dma_wait3A_240, %dma_wait3A_244] : memref<16x128xi32, #tpu.memory_space<vmem>> -> memref<1x128xi32, #tpu.memory_space<vmem>>
      %dma_wait3A_246 = tpu.memref_squeeze %dma_wait3A_245 : memref<1x128xi32, #tpu.memory_space<vmem>> -> memref<128xi32, #tpu.memory_space<vmem>>
      %dma_wait3A_247 = arith.constant 0 : i32
      %dma_wait3A_248 = arith.constant 0 : i32
      %dma_wait3A_249 = tpu.memref_slice %arg2[%dma_wait3A_247, %dma_wait3A_248] : memref<120000x8xf32, #tpu.memory_space<hbm>> -> memref<120000x8xf32, #tpu.memory_space<hbm>>
      tpu.wait_indirect_dma semaphore(%arg7 : memref<!tpu.dma_semaphore, #tpu.memory_space<semaphore_mem>>) src(%dma_wait3A_249 : memref<120000x8xf32, #tpu.memory_space<hbm>>) dst(%dma_wait3A_243 : memref<128x8xf32, #tpu.memory_space<vmem>>)
      %dma_wait3A_250 = arith.constant 8 : i32
      %dma_wait3A_251 = arith.constant 1024 : i32
      %dma_wait3A_252 = arith.constant 0 : i32
      %dma_wait3A_253 = tpu.memref_slice %arg6[%dma_wait3A_251, %dma_wait3A_252] : memref<2048x8xf32, #tpu.memory_space<vmem>> -> memref<128x8xf32, #tpu.memory_space<vmem>>
      %dma_wait3A_254 = arith.constant 0 : i32
      %dma_wait3A_255 = tpu.memref_slice %arg5[%dma_wait3A_250, %dma_wait3A_254] : memref<16x128xi32, #tpu.memory_space<vmem>> -> memref<1x128xi32, #tpu.memory_space<vmem>>
      %dma_wait3A_256 = tpu.memref_squeeze %dma_wait3A_255 : memref<1x128xi32, #tpu.memory_space<vmem>> -> memref<128xi32, #tpu.memory_space<vmem>>
      %dma_wait3A_257 = arith.constant 0 : i32
      %dma_wait3A_258 = arith.constant 0 : i32
      %dma_wait3A_259 = tpu.memref_slice %arg2[%dma_wait3A_257, %dma_wait3A_258] : memref<120000x8xf32, #tpu.memory_space<hbm>> -> memref<120000x8xf32, #tpu.memory_space<hbm>>
      tpu.wait_indirect_dma semaphore(%arg7 : memref<!tpu.dma_semaphore, #tpu.memory_space<semaphore_mem>>) src(%dma_wait3A_259 : memref<120000x8xf32, #tpu.memory_space<hbm>>) dst(%dma_wait3A_253 : memref<128x8xf32, #tpu.memory_space<vmem>>)
      %dma_wait3A_260 = arith.constant 9 : i32
      %dma_wait3A_261 = arith.constant 1152 : i32
      %dma_wait3A_262 = arith.constant 0 : i32
      %dma_wait3A_263 = tpu.memref_slice %arg6[%dma_wait3A_261, %dma_wait3A_262] : memref<2048x8xf32, #tpu.memory_space<vmem>> -> memref<128x8xf32, #tpu.memory_space<vmem>>
      %dma_wait3A_264 = arith.constant 0 : i32
      %dma_wait3A_265 = tpu.memref_slice %arg5[%dma_wait3A_260, %dma_wait3A_264] : memref<16x128xi32, #tpu.memory_space<vmem>> -> memref<1x128xi32, #tpu.memory_space<vmem>>
      %dma_wait3A_266 = tpu.memref_squeeze %dma_wait3A_265 : memref<1x128xi32, #tpu.memory_space<vmem>> -> memref<128xi32, #tpu.memory_space<vmem>>
      %dma_wait3A_267 = arith.constant 0 : i32
      %dma_wait3A_268 = arith.constant 0 : i32
      %dma_wait3A_269 = tpu.memref_slice %arg2[%dma_wait3A_267, %dma_wait3A_268] : memref<120000x8xf32, #tpu.memory_space<hbm>> -> memref<120000x8xf32, #tpu.memory_space<hbm>>
      tpu.wait_indirect_dma semaphore(%arg7 : memref<!tpu.dma_semaphore, #tpu.memory_space<semaphore_mem>>) src(%dma_wait3A_269 : memref<120000x8xf32, #tpu.memory_space<hbm>>) dst(%dma_wait3A_263 : memref<128x8xf32, #tpu.memory_space<vmem>>)
      %dma_wait3A_270 = arith.constant 10 : i32
      %dma_wait3A_271 = arith.constant 1280 : i32
      %dma_wait3A_272 = arith.constant 0 : i32
      %dma_wait3A_273 = tpu.memref_slice %arg6[%dma_wait3A_271, %dma_wait3A_272] : memref<2048x8xf32, #tpu.memory_space<vmem>> -> memref<128x8xf32, #tpu.memory_space<vmem>>
      %dma_wait3A_274 = arith.constant 0 : i32
      %dma_wait3A_275 = tpu.memref_slice %arg5[%dma_wait3A_270, %dma_wait3A_274] : memref<16x128xi32, #tpu.memory_space<vmem>> -> memref<1x128xi32, #tpu.memory_space<vmem>>
      %dma_wait3A_276 = tpu.memref_squeeze %dma_wait3A_275 : memref<1x128xi32, #tpu.memory_space<vmem>> -> memref<128xi32, #tpu.memory_space<vmem>>
      %dma_wait3A_277 = arith.constant 0 : i32
      %dma_wait3A_278 = arith.constant 0 : i32
      %dma_wait3A_279 = tpu.memref_slice %arg2[%dma_wait3A_277, %dma_wait3A_278] : memref<120000x8xf32, #tpu.memory_space<hbm>> -> memref<120000x8xf32, #tpu.memory_space<hbm>>
      tpu.wait_indirect_dma semaphore(%arg7 : memref<!tpu.dma_semaphore, #tpu.memory_space<semaphore_mem>>) src(%dma_wait3A_279 : memref<120000x8xf32, #tpu.memory_space<hbm>>) dst(%dma_wait3A_273 : memref<128x8xf32, #tpu.memory_space<vmem>>)
      %dma_wait3A_280 = arith.constant 11 : i32
      %dma_wait3A_281 = arith.constant 1408 : i32
      %dma_wait3A_282 = arith.constant 0 : i32
      %dma_wait3A_283 = tpu.memref_slice %arg6[%dma_wait3A_281, %dma_wait3A_282] : memref<2048x8xf32, #tpu.memory_space<vmem>> -> memref<128x8xf32, #tpu.memory_space<vmem>>
      %dma_wait3A_284 = arith.constant 0 : i32
      %dma_wait3A_285 = tpu.memref_slice %arg5[%dma_wait3A_280, %dma_wait3A_284] : memref<16x128xi32, #tpu.memory_space<vmem>> -> memref<1x128xi32, #tpu.memory_space<vmem>>
      %dma_wait3A_286 = tpu.memref_squeeze %dma_wait3A_285 : memref<1x128xi32, #tpu.memory_space<vmem>> -> memref<128xi32, #tpu.memory_space<vmem>>
      %dma_wait3A_287 = arith.constant 0 : i32
      %dma_wait3A_288 = arith.constant 0 : i32
      %dma_wait3A_289 = tpu.memref_slice %arg2[%dma_wait3A_287, %dma_wait3A_288] : memref<120000x8xf32, #tpu.memory_space<hbm>> -> memref<120000x8xf32, #tpu.memory_space<hbm>>
      tpu.wait_indirect_dma semaphore(%arg7 : memref<!tpu.dma_semaphore, #tpu.memory_space<semaphore_mem>>) src(%dma_wait3A_289 : memref<120000x8xf32, #tpu.memory_space<hbm>>) dst(%dma_wait3A_283 : memref<128x8xf32, #tpu.memory_space<vmem>>)
      %dma_wait3A_290 = arith.constant 12 : i32
      %dma_wait3A_291 = arith.constant 1536 : i32
      %dma_wait3A_292 = arith.constant 0 : i32
      %dma_wait3A_293 = tpu.memref_slice %arg6[%dma_wait3A_291, %dma_wait3A_292] : memref<2048x8xf32, #tpu.memory_space<vmem>> -> memref<128x8xf32, #tpu.memory_space<vmem>>
      %dma_wait3A_294 = arith.constant 0 : i32
      %dma_wait3A_295 = tpu.memref_slice %arg5[%dma_wait3A_290, %dma_wait3A_294] : memref<16x128xi32, #tpu.memory_space<vmem>> -> memref<1x128xi32, #tpu.memory_space<vmem>>
      %dma_wait3A_296 = tpu.memref_squeeze %dma_wait3A_295 : memref<1x128xi32, #tpu.memory_space<vmem>> -> memref<128xi32, #tpu.memory_space<vmem>>
      %dma_wait3A_297 = arith.constant 0 : i32
      %dma_wait3A_298 = arith.constant 0 : i32
      %dma_wait3A_299 = tpu.memref_slice %arg2[%dma_wait3A_297, %dma_wait3A_298] : memref<120000x8xf32, #tpu.memory_space<hbm>> -> memref<120000x8xf32, #tpu.memory_space<hbm>>
      tpu.wait_indirect_dma semaphore(%arg7 : memref<!tpu.dma_semaphore, #tpu.memory_space<semaphore_mem>>) src(%dma_wait3A_299 : memref<120000x8xf32, #tpu.memory_space<hbm>>) dst(%dma_wait3A_293 : memref<128x8xf32, #tpu.memory_space<vmem>>)
      %dma_wait3A_300 = arith.constant 13 : i32
      %dma_wait3A_301 = arith.constant 1664 : i32
      %dma_wait3A_302 = arith.constant 0 : i32
      %dma_wait3A_303 = tpu.memref_slice %arg6[%dma_wait3A_301, %dma_wait3A_302] : memref<2048x8xf32, #tpu.memory_space<vmem>> -> memref<128x8xf32, #tpu.memory_space<vmem>>
      %dma_wait3A_304 = arith.constant 0 : i32
      %dma_wait3A_305 = tpu.memref_slice %arg5[%dma_wait3A_300, %dma_wait3A_304] : memref<16x128xi32, #tpu.memory_space<vmem>> -> memref<1x128xi32, #tpu.memory_space<vmem>>
      %dma_wait3A_306 = tpu.memref_squeeze %dma_wait3A_305 : memref<1x128xi32, #tpu.memory_space<vmem>> -> memref<128xi32, #tpu.memory_space<vmem>>
      %dma_wait3A_307 = arith.constant 0 : i32
      %dma_wait3A_308 = arith.constant 0 : i32
      %dma_wait3A_309 = tpu.memref_slice %arg2[%dma_wait3A_307, %dma_wait3A_308] : memref<120000x8xf32, #tpu.memory_space<hbm>> -> memref<120000x8xf32, #tpu.memory_space<hbm>>
      tpu.wait_indirect_dma semaphore(%arg7 : memref<!tpu.dma_semaphore, #tpu.memory_space<semaphore_mem>>) src(%dma_wait3A_309 : memref<120000x8xf32, #tpu.memory_space<hbm>>) dst(%dma_wait3A_303 : memref<128x8xf32, #tpu.memory_space<vmem>>)
      %dma_wait3A_310 = arith.constant 14 : i32
      %dma_wait3A_311 = arith.constant 1792 : i32
      %dma_wait3A_312 = arith.constant 0 : i32
      %dma_wait3A_313 = tpu.memref_slice %arg6[%dma_wait3A_311, %dma_wait3A_312] : memref<2048x8xf32, #tpu.memory_space<vmem>> -> memref<128x8xf32, #tpu.memory_space<vmem>>
      %dma_wait3A_314 = arith.constant 0 : i32
      %dma_wait3A_315 = tpu.memref_slice %arg5[%dma_wait3A_310, %dma_wait3A_314] : memref<16x128xi32, #tpu.memory_space<vmem>> -> memref<1x128xi32, #tpu.memory_space<vmem>>
      %dma_wait3A_316 = tpu.memref_squeeze %dma_wait3A_315 : memref<1x128xi32, #tpu.memory_space<vmem>> -> memref<128xi32, #tpu.memory_space<vmem>>
      %dma_wait3A_317 = arith.constant 0 : i32
      %dma_wait3A_318 = arith.constant 0 : i32
      %dma_wait3A_319 = tpu.memref_slice %arg2[%dma_wait3A_317, %dma_wait3A_318] : memref<120000x8xf32, #tpu.memory_space<hbm>> -> memref<120000x8xf32, #tpu.memory_space<hbm>>
      tpu.wait_indirect_dma semaphore(%arg7 : memref<!tpu.dma_semaphore, #tpu.memory_space<semaphore_mem>>) src(%dma_wait3A_319 : memref<120000x8xf32, #tpu.memory_space<hbm>>) dst(%dma_wait3A_313 : memref<128x8xf32, #tpu.memory_space<vmem>>)
      %dma_wait3A_320 = arith.constant 15 : i32
      %dma_wait3A_321 = arith.constant 1920 : i32
      %dma_wait3A_322 = arith.constant 0 : i32
      %dma_wait3A_323 = tpu.memref_slice %arg6[%dma_wait3A_321, %dma_wait3A_322] : memref<2048x8xf32, #tpu.memory_space<vmem>> -> memref<128x8xf32, #tpu.memory_space<vmem>>
      %dma_wait3A_324 = arith.constant 0 : i32
      %dma_wait3A_325 = tpu.memref_slice %arg5[%dma_wait3A_320, %dma_wait3A_324] : memref<16x128xi32, #tpu.memory_space<vmem>> -> memref<1x128xi32, #tpu.memory_space<vmem>>
      %dma_wait3A_326 = tpu.memref_squeeze %dma_wait3A_325 : memref<1x128xi32, #tpu.memory_space<vmem>> -> memref<128xi32, #tpu.memory_space<vmem>>
      %dma_wait3A_327 = arith.constant 0 : i32
      %dma_wait3A_328 = arith.constant 0 : i32
      %dma_wait3A_329 = tpu.memref_slice %arg2[%dma_wait3A_327, %dma_wait3A_328] : memref<120000x8xf32, #tpu.memory_space<hbm>> -> memref<120000x8xf32, #tpu.memory_space<hbm>>
      tpu.wait_indirect_dma semaphore(%arg7 : memref<!tpu.dma_semaphore, #tpu.memory_space<semaphore_mem>>) src(%dma_wait3A_329 : memref<120000x8xf32, #tpu.memory_space<hbm>>) dst(%dma_wait3A_323 : memref<128x8xf32, #tpu.memory_space<vmem>>)
      %mul3A_330 = arith.constant 128 : i32
      %mul3A_331 = arith.muli %add3A_11, %mul3A_330 : i32
      "tpu.region"() ({
        %run_scoped3A = tpu.sem_alloc : memref<!tpu.dma_semaphore, #tpu.memory_space<semaphore_mem>>
        %dma_start3A_332 = arith.constant 0 : i32
        %dma_start3A_333 = tpu.memref_slice %arg4[%mul3A_331, %dma_start3A_332] : memref<1048576x8xf32, #tpu.memory_space<hbm>> -> memref<2048x8xf32, #tpu.memory_space<hbm>>
        %dma_start3A_334 = arith.constant 0 : i32
        %dma_start3A_335 = tpu.memref_slice %arg4[%mul3A_331, %dma_start3A_334] : memref<1048576x8xf32, #tpu.memory_space<hbm>> -> memref<2048x8xf32, #tpu.memory_space<hbm>>
        tpu.enqueue_dma source(%arg6 : memref<2048x8xf32, #tpu.memory_space<vmem>>) target(%dma_start3A_335 : memref<2048x8xf32, #tpu.memory_space<hbm>>) target_semaphore(%run_scoped3A : memref<!tpu.dma_semaphore, #tpu.memory_space<semaphore_mem>>)
        %dma_wait3A_336 = arith.constant 0 : i32
        %dma_wait3A_337 = tpu.memref_slice %arg4[%mul3A_331, %dma_wait3A_336] : memref<1048576x8xf32, #tpu.memory_space<hbm>> -> memref<2048x8xf32, #tpu.memory_space<hbm>>
        %dma_wait3A_338 = arith.constant 0 : i32
        %dma_wait3A_339 = tpu.memref_slice %arg4[%mul3A_331, %dma_wait3A_338] : memref<1048576x8xf32, #tpu.memory_space<hbm>> -> memref<2048x8xf32, #tpu.memory_space<hbm>>
        tpu.wait_dma2 semaphore(%run_scoped3A : memref<!tpu.dma_semaphore, #tpu.memory_space<semaphore_mem>>) src(%arg6 : memref<2048x8xf32, #tpu.memory_space<vmem>>) dst(%dma_wait3A_339 : memref<2048x8xf32, #tpu.memory_space<hbm>>)
        tpu.yield
      }) : () -> ()
    }
    %scan3A_7 = arith.constant 16 : i32
    return
  }
}

module attributes {stable_mosaic.version = 14 : i64} {
  func.func @_hash_body(%arg0: i32, %arg1: memref<6x256x128xf32, #tpu.memory_space<vmem>>, %arg2: memref<256x128xf32, #tpu.memory_space<vmem>>, %arg3: memref<256x128xf32, #tpu.memory_space<vmem>>, %arg4: memref<8x256x128xi32, #tpu.memory_space<vmem>>, %arg5: memref<3x256x128xf32, #tpu.memory_space<vmem>>) attributes {dimension_semantics = [#tpu.dimension_semantics<arbitrary>], iteration_bounds = array<i64: 4>, scalar_prefetch = 0 : i64, scratch_operands = 0 : i64, tpu.core_type = #tpu.core_type<tc>, window_params = [{transform_indices = @transform_0, window_bounds = array<i64: 6, 256, 128>}, {transform_indices = @transform_1, window_bounds = array<i64: 256, 128>}, {transform_indices = @transform_2, window_bounds = array<i64: 256, 128>}, {transform_indices = @transform_3, window_bounds = array<i64: 8, 256, 128>}, {transform_indices = @transform_4, window_bounds = array<i64: 3, 256, 128>}]} {
    %get3A = arith.constant 0 : index
    %get3A_0 = arith.constant 0 : index
    %get3A_1 = vector.load %arg2[%get3A, %get3A_0] : memref<256x128xf32, #tpu.memory_space<vmem>>, vector<256x128xf32>
    %get3A_2 = arith.constant 0 : index
    %get3A_3 = arith.constant 0 : index
    %get3A_4 = vector.load %arg3[%get3A_2, %get3A_3] : memref<256x128xf32, #tpu.memory_space<vmem>>, vector<256x128xf32>
    %add3A = arith.addf %get3A_1, %get3A_4 : vector<256x128xf32>
    %mul3A = arith.constant 5.000000e-01 : f32
    %mul3A_5 = vector.broadcast %mul3A : f32 to vector<256x128xf32>
    %mul3A_6 = arith.mulf %mul3A_5, %add3A : vector<256x128xf32>
    %get3A_7 = arith.constant 0 : index
    %get3A_8 = arith.constant 0 : index
    %get3A_9 = arith.constant 0 : index
    %get3A_10 = vector.load %arg1[%get3A_7, %get3A_8, %get3A_9] : memref<6x256x128xf32, #tpu.memory_space<vmem>>, vector<1x256x128xf32>
    %get3A_11 = vector.shape_cast %get3A_10 : vector<1x256x128xf32> to vector<256x128xf32>
    %get3A_12 = arith.constant 3 : index
    %get3A_13 = arith.constant 0 : index
    %get3A_14 = arith.constant 0 : index
    %get3A_15 = vector.load %arg1[%get3A_12, %get3A_13, %get3A_14] : memref<6x256x128xf32, #tpu.memory_space<vmem>>, vector<1x256x128xf32>
    %get3A_16 = vector.shape_cast %get3A_15 : vector<1x256x128xf32> to vector<256x128xf32>
    %mul3A_17 = arith.mulf %mul3A_6, %get3A_16 : vector<256x128xf32>
    %add3A_18 = arith.addf %get3A_11, %mul3A_17 : vector<256x128xf32>
    %div3A = arith.constant 2.000000e-02 : f32
    %div3A_19 = vector.broadcast %div3A : f32 to vector<256x128xf32>
    %div3A_20 = arith.divf %add3A_18, %div3A_19 : vector<256x128xf32>
    %floor3A = math.floor %div3A_20 : vector<256x128xf32>
    %sub3A = arith.subf %div3A_20, %floor3A : vector<256x128xf32>
    %swap3A = arith.constant 0 : index
    %swap3A_21 = arith.constant 0 : index
    %swap3A_22 = arith.constant 0 : index
    %swap3A_23 = vector.load %arg5[%swap3A, %swap3A_21, %swap3A_22] : memref<3x256x128xf32, #tpu.memory_space<vmem>>, vector<1x256x128xf32>
    %swap3A_24 = vector.shape_cast %swap3A_23 : vector<1x256x128xf32> to vector<256x128xf32>
    %swap3A_25 = vector.shape_cast %sub3A : vector<256x128xf32> to vector<1x256x128xf32>
    tpu.vector_store %arg5[%swap3A, %swap3A_21, %swap3A_22], %swap3A_25 {strides = array<i32>} : memref<3x256x128xf32, #tpu.memory_space<vmem>>, vector<1x256x128xf32>,
    %convert_element_type3A = arith.fptosi %floor3A : vector<256x128xf32> to vector<256x128xi32>
    %get3A_26 = arith.constant 1 : index
    %get3A_27 = arith.constant 0 : index
    %get3A_28 = arith.constant 0 : index
    %get3A_29 = vector.load %arg1[%get3A_26, %get3A_27, %get3A_28] : memref<6x256x128xf32, #tpu.memory_space<vmem>>, vector<1x256x128xf32>
    %get3A_30 = vector.shape_cast %get3A_29 : vector<1x256x128xf32> to vector<256x128xf32>
    %get3A_31 = arith.constant 4 : index
    %get3A_32 = arith.constant 0 : index
    %get3A_33 = arith.constant 0 : index
    %get3A_34 = vector.load %arg1[%get3A_31, %get3A_32, %get3A_33] : memref<6x256x128xf32, #tpu.memory_space<vmem>>, vector<1x256x128xf32>
    %get3A_35 = vector.shape_cast %get3A_34 : vector<1x256x128xf32> to vector<256x128xf32>
    %mul3A_36 = arith.mulf %mul3A_6, %get3A_35 : vector<256x128xf32>
    %add3A_37 = arith.addf %get3A_30, %mul3A_36 : vector<256x128xf32>
    %div3A_38 = arith.constant 2.000000e-02 : f32
    %div3A_39 = vector.broadcast %div3A_38 : f32 to vector<256x128xf32>
    %div3A_40 = arith.divf %add3A_37, %div3A_39 : vector<256x128xf32>
    %floor3A_41 = math.floor %div3A_40 : vector<256x128xf32>
    %sub3A_42 = arith.subf %div3A_40, %floor3A_41 : vector<256x128xf32>
    %swap3A_43 = arith.constant 1 : index
    %swap3A_44 = arith.constant 0 : index
    %swap3A_45 = arith.constant 0 : index
    %swap3A_46 = vector.load %arg5[%swap3A_43, %swap3A_44, %swap3A_45] : memref<3x256x128xf32, #tpu.memory_space<vmem>>, vector<1x256x128xf32>
    %swap3A_47 = vector.shape_cast %swap3A_46 : vector<1x256x128xf32> to vector<256x128xf32>
    %swap3A_48 = vector.shape_cast %sub3A_42 : vector<256x128xf32> to vector<1x256x128xf32>
    tpu.vector_store %arg5[%swap3A_43, %swap3A_44, %swap3A_45], %swap3A_48 {strides = array<i32>} : memref<3x256x128xf32, #tpu.memory_space<vmem>>, vector<1x256x128xf32>,
    %convert_element_type3A_49 = arith.fptosi %floor3A_41 : vector<256x128xf32> to vector<256x128xi32>
    %get3A_50 = arith.constant 2 : index
    %get3A_51 = arith.constant 0 : index
    %get3A_52 = arith.constant 0 : index
    %get3A_53 = vector.load %arg1[%get3A_50, %get3A_51, %get3A_52] : memref<6x256x128xf32, #tpu.memory_space<vmem>>, vector<1x256x128xf32>
    %get3A_54 = vector.shape_cast %get3A_53 : vector<1x256x128xf32> to vector<256x128xf32>
    %get3A_55 = arith.constant 5 : index
    %get3A_56 = arith.constant 0 : index
    %get3A_57 = arith.constant 0 : index
    %get3A_58 = vector.load %arg1[%get3A_55, %get3A_56, %get3A_57] : memref<6x256x128xf32, #tpu.memory_space<vmem>>, vector<1x256x128xf32>
    %get3A_59 = vector.shape_cast %get3A_58 : vector<1x256x128xf32> to vector<256x128xf32>
    %mul3A_60 = arith.mulf %mul3A_6, %get3A_59 : vector<256x128xf32>
    %add3A_61 = arith.addf %get3A_54, %mul3A_60 : vector<256x128xf32>
    %div3A_62 = arith.constant 2.000000e-02 : f32
    %div3A_63 = vector.broadcast %div3A_62 : f32 to vector<256x128xf32>
    %div3A_64 = arith.divf %add3A_61, %div3A_63 : vector<256x128xf32>
    %floor3A_65 = math.floor %div3A_64 : vector<256x128xf32>
    %sub3A_66 = arith.subf %div3A_64, %floor3A_65 : vector<256x128xf32>
    %swap3A_67 = arith.constant 2 : index
    %swap3A_68 = arith.constant 0 : index
    %swap3A_69 = arith.constant 0 : index
    %swap3A_70 = vector.load %arg5[%swap3A_67, %swap3A_68, %swap3A_69] : memref<3x256x128xf32, #tpu.memory_space<vmem>>, vector<1x256x128xf32>
    %swap3A_71 = vector.shape_cast %swap3A_70 : vector<1x256x128xf32> to vector<256x128xf32>
    %swap3A_72 = vector.shape_cast %sub3A_66 : vector<256x128xf32> to vector<1x256x128xf32>
    tpu.vector_store %arg5[%swap3A_67, %swap3A_68, %swap3A_69], %swap3A_72 {strides = array<i32>} : memref<3x256x128xf32, #tpu.memory_space<vmem>>, vector<1x256x128xf32>,
    %convert_element_type3A_73 = arith.fptosi %floor3A_65 : vector<256x128xf32> to vector<256x128xi32>
    %add3A_74 = arith.constant 0 : i32
    %add3A_75 = vector.broadcast %add3A_74 : i32 to vector<256x128xi32>
    %add3A_76 = arith.addi %convert_element_type3A, %add3A_75 : vector<256x128xi32>
    %add3A_77 = arith.constant 0 : i32
    %add3A_78 = vector.broadcast %add3A_77 : i32 to vector<256x128xi32>
    %add3A_79 = arith.addi %convert_element_type3A_49, %add3A_78 : vector<256x128xi32>
    %mul3A_80 = arith.constant -1640531535 : i32
    %mul3A_81 = vector.broadcast %mul3A_80 : i32 to vector<256x128xi32>
    %mul3A_82 = arith.muli %add3A_79, %mul3A_81 : vector<256x128xi32>
    %add3A_83 = arith.constant 0 : i32
    %add3A_84 = vector.broadcast %add3A_83 : i32 to vector<256x128xi32>
    %add3A_85 = arith.addi %convert_element_type3A_73, %add3A_84 : vector<256x128xi32>
    %mul3A_86 = arith.constant 805459861 : i32
    %mul3A_87 = vector.broadcast %mul3A_86 : i32 to vector<256x128xi32>
    %mul3A_88 = arith.muli %add3A_85, %mul3A_87 : vector<256x128xi32>
    %xor3A = arith.xori %add3A_76, %mul3A_82 : vector<256x128xi32>
    %xor3A_89 = arith.xori %xor3A, %mul3A_88 : vector<256x128xi32>
    %jit3A = arith.constant 120000 : i32
    %eq3A = arith.constant 0 : i32
    %eq3A_90 = arith.cmpi eq, %jit3A, %eq3A : i32
    %jit3A_91 = arith.constant 1 : i32
    %select_n3A = arith.select %eq3A_90, %jit3A_91, %jit3A : i32
    %rem3A = vector.broadcast %select_n3A : i32 to vector<256x128xi32>
    %rem3A_92 = arith.remui %xor3A_89, %rem3A : vector<256x128xi32>
    %ne3A = arith.constant 0 : i32
    %ne3A_93 = vector.broadcast %ne3A : i32 to vector<256x128xi32>
    %ne3A_94 = arith.cmpi ne, %rem3A_92, %ne3A_93 : vector<256x128xi32>
    %lt3A = arith.constant 0 : i32
    %lt3A_95 = vector.broadcast %lt3A : i32 to vector<256x128xi32>
    %lt3A_96 = arith.cmpi ult, %rem3A_92, %lt3A_95 : vector<256x128xi32>
    %lt3A_97 = arith.constant 0 : i32
    %lt3A_98 = arith.cmpi ult, %select_n3A, %lt3A_97 : i32
    %ne3A_99 = vector.broadcast %lt3A_98 : i1 to vector<256x128xi1>
    %ne3A_100 = vector.broadcast %ne3A_99 : vector<256x128xi1> to vector<256x128xi1>
    %ne3A_101 = arith.xori %lt3A_96, %ne3A_100 : vector<256x128xi1>
    %and3A = arith.andi %ne3A_101, %ne3A_94 : vector<256x128xi1>
    %add3A_102 = vector.broadcast %select_n3A : i32 to vector<256x128xi32>
    %add3A_103 = arith.addi %rem3A_92, %add3A_102 : vector<256x128xi32>
    %select_n3A_104 = arith.select %and3A, %add3A_103, %rem3A_92 : vector<256x128xi1>, vector<256x128xi32>
    %swap3A_105 = arith.constant 0 : index
    %swap3A_106 = arith.constant 0 : index
    %swap3A_107 = arith.constant 0 : index
    %swap3A_108 = vector.load %arg4[%swap3A_105, %swap3A_106, %swap3A_107] : memref<8x256x128xi32, #tpu.memory_space<vmem>>, vector<1x256x128xi32>
    %swap3A_109 = vector.shape_cast %swap3A_108 : vector<1x256x128xi32> to vector<256x128xi32>
    %swap3A_110 = vector.shape_cast %select_n3A_104 : vector<256x128xi32> to vector<1x256x128xi32>
    tpu.vector_store %arg4[%swap3A_105, %swap3A_106, %swap3A_107], %swap3A_110 {strides = array<i32>} : memref<8x256x128xi32, #tpu.memory_space<vmem>>, vector<1x256x128xi32>,
    %add3A_111 = arith.constant 0 : i32
    %add3A_112 = vector.broadcast %add3A_111 : i32 to vector<256x128xi32>
    %add3A_113 = arith.addi %convert_element_type3A, %add3A_112 : vector<256x128xi32>
    %add3A_114 = arith.constant 0 : i32
    %add3A_115 = vector.broadcast %add3A_114 : i32 to vector<256x128xi32>
    %add3A_116 = arith.addi %convert_element_type3A_49, %add3A_115 : vector<256x128xi32>
    %mul3A_117 = arith.constant -1640531535 : i32
    %mul3A_118 = vector.broadcast %mul3A_117 : i32 to vector<256x128xi32>
    %mul3A_119 = arith.muli %add3A_116, %mul3A_118 : vector<256x128xi32>
    %add3A_120 = arith.constant 1 : i32
    %add3A_121 = vector.broadcast %add3A_120 : i32 to vector<256x128xi32>
    %add3A_122 = arith.addi %convert_element_type3A_73, %add3A_121 : vector<256x128xi32>
    %mul3A_123 = arith.constant 805459861 : i32
    %mul3A_124 = vector.broadcast %mul3A_123 : i32 to vector<256x128xi32>
    %mul3A_125 = arith.muli %add3A_122, %mul3A_124 : vector<256x128xi32>
    %xor3A_126 = arith.xori %add3A_113, %mul3A_119 : vector<256x128xi32>
    %xor3A_127 = arith.xori %xor3A_126, %mul3A_125 : vector<256x128xi32>
    %jit3A_128 = arith.constant 120000 : i32
    %eq3A_129 = arith.constant 0 : i32
    %eq3A_130 = arith.cmpi eq, %jit3A_128, %eq3A_129 : i32
    %jit3A_131 = arith.constant 1 : i32
    %select_n3A_132 = arith.select %eq3A_130, %jit3A_131, %jit3A_128 : i32
    %rem3A_133 = vector.broadcast %select_n3A_132 : i32 to vector<256x128xi32>
    %rem3A_134 = arith.remui %xor3A_127, %rem3A_133 : vector<256x128xi32>
    %ne3A_135 = arith.constant 0 : i32
    %ne3A_136 = vector.broadcast %ne3A_135 : i32 to vector<256x128xi32>
    %ne3A_137 = arith.cmpi ne, %rem3A_134, %ne3A_136 : vector<256x128xi32>
    %lt3A_138 = arith.constant 0 : i32
    %lt3A_139 = vector.broadcast %lt3A_138 : i32 to vector<256x128xi32>
    %lt3A_140 = arith.cmpi ult, %rem3A_134, %lt3A_139 : vector<256x128xi32>
    %lt3A_141 = arith.constant 0 : i32
    %lt3A_142 = arith.cmpi ult, %select_n3A_132, %lt3A_141 : i32
    %ne3A_143 = vector.broadcast %lt3A_142 : i1 to vector<256x128xi1>
    %ne3A_144 = vector.broadcast %ne3A_143 : vector<256x128xi1> to vector<256x128xi1>
    %ne3A_145 = arith.xori %lt3A_140, %ne3A_144 : vector<256x128xi1>
    %and3A_146 = arith.andi %ne3A_145, %ne3A_137 : vector<256x128xi1>
    %add3A_147 = vector.broadcast %select_n3A_132 : i32 to vector<256x128xi32>
    %add3A_148 = arith.addi %rem3A_134, %add3A_147 : vector<256x128xi32>
    %select_n3A_149 = arith.select %and3A_146, %add3A_148, %rem3A_134 : vector<256x128xi1>, vector<256x128xi32>
    %swap3A_150 = arith.constant 1 : index
    %swap3A_151 = arith.constant 0 : index
    %swap3A_152 = arith.constant 0 : index
    %swap3A_153 = vector.load %arg4[%swap3A_150, %swap3A_151, %swap3A_152] : memref<8x256x128xi32, #tpu.memory_space<vmem>>, vector<1x256x128xi32>
    %swap3A_154 = vector.shape_cast %swap3A_153 : vector<1x256x128xi32> to vector<256x128xi32>
    %swap3A_155 = vector.shape_cast %select_n3A_149 : vector<256x128xi32> to vector<1x256x128xi32>
    tpu.vector_store %arg4[%swap3A_150, %swap3A_151, %swap3A_152], %swap3A_155 {strides = array<i32>} : memref<8x256x128xi32, #tpu.memory_space<vmem>>, vector<1x256x128xi32>,
    %add3A_156 = arith.constant 0 : i32
    %add3A_157 = vector.broadcast %add3A_156 : i32 to vector<256x128xi32>
    %add3A_158 = arith.addi %convert_element_type3A, %add3A_157 : vector<256x128xi32>
    %add3A_159 = arith.constant 1 : i32
    %add3A_160 = vector.broadcast %add3A_159 : i32 to vector<256x128xi32>
    %add3A_161 = arith.addi %convert_element_type3A_49, %add3A_160 : vector<256x128xi32>
    %mul3A_162 = arith.constant -1640531535 : i32
    %mul3A_163 = vector.broadcast %mul3A_162 : i32 to vector<256x128xi32>
    %mul3A_164 = arith.muli %add3A_161, %mul3A_163 : vector<256x128xi32>
    %add3A_165 = arith.constant 0 : i32
    %add3A_166 = vector.broadcast %add3A_165 : i32 to vector<256x128xi32>
    %add3A_167 = arith.addi %convert_element_type3A_73, %add3A_166 : vector<256x128xi32>
    %mul3A_168 = arith.constant 805459861 : i32
    %mul3A_169 = vector.broadcast %mul3A_168 : i32 to vector<256x128xi32>
    %mul3A_170 = arith.muli %add3A_167, %mul3A_169 : vector<256x128xi32>
    %xor3A_171 = arith.xori %add3A_158, %mul3A_164 : vector<256x128xi32>
    %xor3A_172 = arith.xori %xor3A_171, %mul3A_170 : vector<256x128xi32>
    %jit3A_173 = arith.constant 120000 : i32
    %eq3A_174 = arith.constant 0 : i32
    %eq3A_175 = arith.cmpi eq, %jit3A_173, %eq3A_174 : i32
    %jit3A_176 = arith.constant 1 : i32
    %select_n3A_177 = arith.select %eq3A_175, %jit3A_176, %jit3A_173 : i32
    %rem3A_178 = vector.broadcast %select_n3A_177 : i32 to vector<256x128xi32>
    %rem3A_179 = arith.remui %xor3A_172, %rem3A_178 : vector<256x128xi32>
    %ne3A_180 = arith.constant 0 : i32
    %ne3A_181 = vector.broadcast %ne3A_180 : i32 to vector<256x128xi32>
    %ne3A_182 = arith.cmpi ne, %rem3A_179, %ne3A_181 : vector<256x128xi32>
    %lt3A_183 = arith.constant 0 : i32
    %lt3A_184 = vector.broadcast %lt3A_183 : i32 to vector<256x128xi32>
    %lt3A_185 = arith.cmpi ult, %rem3A_179, %lt3A_184 : vector<256x128xi32>
    %lt3A_186 = arith.constant 0 : i32
    %lt3A_187 = arith.cmpi ult, %select_n3A_177, %lt3A_186 : i32
    %ne3A_188 = vector.broadcast %lt3A_187 : i1 to vector<256x128xi1>
    %ne3A_189 = vector.broadcast %ne3A_188 : vector<256x128xi1> to vector<256x128xi1>
    %ne3A_190 = arith.xori %lt3A_185, %ne3A_189 : vector<256x128xi1>
    %and3A_191 = arith.andi %ne3A_190, %ne3A_182 : vector<256x128xi1>
    %add3A_192 = vector.broadcast %select_n3A_177 : i32 to vector<256x128xi32>
    %add3A_193 = arith.addi %rem3A_179, %add3A_192 : vector<256x128xi32>
    %select_n3A_194 = arith.select %and3A_191, %add3A_193, %rem3A_179 : vector<256x128xi1>, vector<256x128xi32>
    %swap3A_195 = arith.constant 2 : index
    %swap3A_196 = arith.constant 0 : index
    %swap3A_197 = arith.constant 0 : index
    %swap3A_198 = vector.load %arg4[%swap3A_195, %swap3A_196, %swap3A_197] : memref<8x256x128xi32, #tpu.memory_space<vmem>>, vector<1x256x128xi32>
    %swap3A_199 = vector.shape_cast %swap3A_198 : vector<1x256x128xi32> to vector<256x128xi32>
    %swap3A_200 = vector.shape_cast %select_n3A_194 : vector<256x128xi32> to vector<1x256x128xi32>
    tpu.vector_store %arg4[%swap3A_195, %swap3A_196, %swap3A_197], %swap3A_200 {strides = array<i32>} : memref<8x256x128xi32, #tpu.memory_space<vmem>>, vector<1x256x128xi32>,
    %add3A_201 = arith.constant 0 : i32
    %add3A_202 = vector.broadcast %add3A_201 : i32 to vector<256x128xi32>
    %add3A_203 = arith.addi %convert_element_type3A, %add3A_202 : vector<256x128xi32>
    %add3A_204 = arith.constant 1 : i32
    %add3A_205 = vector.broadcast %add3A_204 : i32 to vector<256x128xi32>
    %add3A_206 = arith.addi %convert_element_type3A_49, %add3A_205 : vector<256x128xi32>
    %mul3A_207 = arith.constant -1640531535 : i32
    %mul3A_208 = vector.broadcast %mul3A_207 : i32 to vector<256x128xi32>
    %mul3A_209 = arith.muli %add3A_206, %mul3A_208 : vector<256x128xi32>
    %add3A_210 = arith.constant 1 : i32
    %add3A_211 = vector.broadcast %add3A_210 : i32 to vector<256x128xi32>
    %add3A_212 = arith.addi %convert_element_type3A_73, %add3A_211 : vector<256x128xi32>
    %mul3A_213 = arith.constant 805459861 : i32
    %mul3A_214 = vector.broadcast %mul3A_213 : i32 to vector<256x128xi32>
    %mul3A_215 = arith.muli %add3A_212, %mul3A_214 : vector<256x128xi32>
    %xor3A_216 = arith.xori %add3A_203, %mul3A_209 : vector<256x128xi32>
    %xor3A_217 = arith.xori %xor3A_216, %mul3A_215 : vector<256x128xi32>
    %jit3A_218 = arith.constant 120000 : i32
    %eq3A_219 = arith.constant 0 : i32
    %eq3A_220 = arith.cmpi eq, %jit3A_218, %eq3A_219 : i32
    %jit3A_221 = arith.constant 1 : i32
    %select_n3A_222 = arith.select %eq3A_220, %jit3A_221, %jit3A_218 : i32
    %rem3A_223 = vector.broadcast %select_n3A_222 : i32 to vector<256x128xi32>
    %rem3A_224 = arith.remui %xor3A_217, %rem3A_223 : vector<256x128xi32>
    %ne3A_225 = arith.constant 0 : i32
    %ne3A_226 = vector.broadcast %ne3A_225 : i32 to vector<256x128xi32>
    %ne3A_227 = arith.cmpi ne, %rem3A_224, %ne3A_226 : vector<256x128xi32>
    %lt3A_228 = arith.constant 0 : i32
    %lt3A_229 = vector.broadcast %lt3A_228 : i32 to vector<256x128xi32>
    %lt3A_230 = arith.cmpi ult, %rem3A_224, %lt3A_229 : vector<256x128xi32>
    %lt3A_231 = arith.constant 0 : i32
    %lt3A_232 = arith.cmpi ult, %select_n3A_222, %lt3A_231 : i32
    %ne3A_233 = vector.broadcast %lt3A_232 : i1 to vector<256x128xi1>
    %ne3A_234 = vector.broadcast %ne3A_233 : vector<256x128xi1> to vector<256x128xi1>
    %ne3A_235 = arith.xori %lt3A_230, %ne3A_234 : vector<256x128xi1>
    %and3A_236 = arith.andi %ne3A_235, %ne3A_227 : vector<256x128xi1>
    %add3A_237 = vector.broadcast %select_n3A_222 : i32 to vector<256x128xi32>
    %add3A_238 = arith.addi %rem3A_224, %add3A_237 : vector<256x128xi32>
    %select_n3A_239 = arith.select %and3A_236, %add3A_238, %rem3A_224 : vector<256x128xi1>, vector<256x128xi32>
    %swap3A_240 = arith.constant 3 : index
    %swap3A_241 = arith.constant 0 : index
    %swap3A_242 = arith.constant 0 : index
    %swap3A_243 = vector.load %arg4[%swap3A_240, %swap3A_241, %swap3A_242] : memref<8x256x128xi32, #tpu.memory_space<vmem>>, vector<1x256x128xi32>
    %swap3A_244 = vector.shape_cast %swap3A_243 : vector<1x256x128xi32> to vector<256x128xi32>
    %swap3A_245 = vector.shape_cast %select_n3A_239 : vector<256x128xi32> to vector<1x256x128xi32>
    tpu.vector_store %arg4[%swap3A_240, %swap3A_241, %swap3A_242], %swap3A_245 {strides = array<i32>} : memref<8x256x128xi32, #tpu.memory_space<vmem>>, vector<1x256x128xi32>,
    %add3A_246 = arith.constant 1 : i32
    %add3A_247 = vector.broadcast %add3A_246 : i32 to vector<256x128xi32>
    %add3A_248 = arith.addi %convert_element_type3A, %add3A_247 : vector<256x128xi32>
    %add3A_249 = arith.constant 0 : i32
    %add3A_250 = vector.broadcast %add3A_249 : i32 to vector<256x128xi32>
    %add3A_251 = arith.addi %convert_element_type3A_49, %add3A_250 : vector<256x128xi32>
    %mul3A_252 = arith.constant -1640531535 : i32
    %mul3A_253 = vector.broadcast %mul3A_252 : i32 to vector<256x128xi32>
    %mul3A_254 = arith.muli %add3A_251, %mul3A_253 : vector<256x128xi32>
    %add3A_255 = arith.constant 0 : i32
    %add3A_256 = vector.broadcast %add3A_255 : i32 to vector<256x128xi32>
    %add3A_257 = arith.addi %convert_element_type3A_73, %add3A_256 : vector<256x128xi32>
    %mul3A_258 = arith.constant 805459861 : i32
    %mul3A_259 = vector.broadcast %mul3A_258 : i32 to vector<256x128xi32>
    %mul3A_260 = arith.muli %add3A_257, %mul3A_259 : vector<256x128xi32>
    %xor3A_261 = arith.xori %add3A_248, %mul3A_254 : vector<256x128xi32>
    %xor3A_262 = arith.xori %xor3A_261, %mul3A_260 : vector<256x128xi32>
    %jit3A_263 = arith.constant 120000 : i32
    %eq3A_264 = arith.constant 0 : i32
    %eq3A_265 = arith.cmpi eq, %jit3A_263, %eq3A_264 : i32
    %jit3A_266 = arith.constant 1 : i32
    %select_n3A_267 = arith.select %eq3A_265, %jit3A_266, %jit3A_263 : i32
    %rem3A_268 = vector.broadcast %select_n3A_267 : i32 to vector<256x128xi32>
    %rem3A_269 = arith.remui %xor3A_262, %rem3A_268 : vector<256x128xi32>
    %ne3A_270 = arith.constant 0 : i32
    %ne3A_271 = vector.broadcast %ne3A_270 : i32 to vector<256x128xi32>
    %ne3A_272 = arith.cmpi ne, %rem3A_269, %ne3A_271 : vector<256x128xi32>
    %lt3A_273 = arith.constant 0 : i32
    %lt3A_274 = vector.broadcast %lt3A_273 : i32 to vector<256x128xi32>
    %lt3A_275 = arith.cmpi ult, %rem3A_269, %lt3A_274 : vector<256x128xi32>
    %lt3A_276 = arith.constant 0 : i32
    %lt3A_277 = arith.cmpi ult, %select_n3A_267, %lt3A_276 : i32
    %ne3A_278 = vector.broadcast %lt3A_277 : i1 to vector<256x128xi1>
    %ne3A_279 = vector.broadcast %ne3A_278 : vector<256x128xi1> to vector<256x128xi1>
    %ne3A_280 = arith.xori %lt3A_275, %ne3A_279 : vector<256x128xi1>
    %and3A_281 = arith.andi %ne3A_280, %ne3A_272 : vector<256x128xi1>
    %add3A_282 = vector.broadcast %select_n3A_267 : i32 to vector<256x128xi32>
    %add3A_283 = arith.addi %rem3A_269, %add3A_282 : vector<256x128xi32>
    %select_n3A_284 = arith.select %and3A_281, %add3A_283, %rem3A_269 : vector<256x128xi1>, vector<256x128xi32>
    %swap3A_285 = arith.constant 4 : index
    %swap3A_286 = arith.constant 0 : index
    %swap3A_287 = arith.constant 0 : index
    %swap3A_288 = vector.load %arg4[%swap3A_285, %swap3A_286, %swap3A_287] : memref<8x256x128xi32, #tpu.memory_space<vmem>>, vector<1x256x128xi32>
    %swap3A_289 = vector.shape_cast %swap3A_288 : vector<1x256x128xi32> to vector<256x128xi32>
    %swap3A_290 = vector.shape_cast %select_n3A_284 : vector<256x128xi32> to vector<1x256x128xi32>
    tpu.vector_store %arg4[%swap3A_285, %swap3A_286, %swap3A_287], %swap3A_290 {strides = array<i32>} : memref<8x256x128xi32, #tpu.memory_space<vmem>>, vector<1x256x128xi32>,
    %add3A_291 = arith.constant 1 : i32
    %add3A_292 = vector.broadcast %add3A_291 : i32 to vector<256x128xi32>
    %add3A_293 = arith.addi %convert_element_type3A, %add3A_292 : vector<256x128xi32>
    %add3A_294 = arith.constant 0 : i32
    %add3A_295 = vector.broadcast %add3A_294 : i32 to vector<256x128xi32>
    %add3A_296 = arith.addi %convert_element_type3A_49, %add3A_295 : vector<256x128xi32>
    %mul3A_297 = arith.constant -1640531535 : i32
    %mul3A_298 = vector.broadcast %mul3A_297 : i32 to vector<256x128xi32>
    %mul3A_299 = arith.muli %add3A_296, %mul3A_298 : vector<256x128xi32>
    %add3A_300 = arith.constant 1 : i32
    %add3A_301 = vector.broadcast %add3A_300 : i32 to vector<256x128xi32>
    %add3A_302 = arith.addi %convert_element_type3A_73, %add3A_301 : vector<256x128xi32>
    %mul3A_303 = arith.constant 805459861 : i32
    %mul3A_304 = vector.broadcast %mul3A_303 : i32 to vector<256x128xi32>
    %mul3A_305 = arith.muli %add3A_302, %mul3A_304 : vector<256x128xi32>
    %xor3A_306 = arith.xori %add3A_293, %mul3A_299 : vector<256x128xi32>
    %xor3A_307 = arith.xori %xor3A_306, %mul3A_305 : vector<256x128xi32>
    %jit3A_308 = arith.constant 120000 : i32
    %eq3A_309 = arith.constant 0 : i32
    %eq3A_310 = arith.cmpi eq, %jit3A_308, %eq3A_309 : i32
    %jit3A_311 = arith.constant 1 : i32
    %select_n3A_312 = arith.select %eq3A_310, %jit3A_311, %jit3A_308 : i32
    %rem3A_313 = vector.broadcast %select_n3A_312 : i32 to vector<256x128xi32>
    %rem3A_314 = arith.remui %xor3A_307, %rem3A_313 : vector<256x128xi32>
    %ne3A_315 = arith.constant 0 : i32
    %ne3A_316 = vector.broadcast %ne3A_315 : i32 to vector<256x128xi32>
    %ne3A_317 = arith.cmpi ne, %rem3A_314, %ne3A_316 : vector<256x128xi32>
    %lt3A_318 = arith.constant 0 : i32
    %lt3A_319 = vector.broadcast %lt3A_318 : i32 to vector<256x128xi32>
    %lt3A_320 = arith.cmpi ult, %rem3A_314, %lt3A_319 : vector<256x128xi32>
    %lt3A_321 = arith.constant 0 : i32
    %lt3A_322 = arith.cmpi ult, %select_n3A_312, %lt3A_321 : i32
    %ne3A_323 = vector.broadcast %lt3A_322 : i1 to vector<256x128xi1>
    %ne3A_324 = vector.broadcast %ne3A_323 : vector<256x128xi1> to vector<256x128xi1>
    %ne3A_325 = arith.xori %lt3A_320, %ne3A_324 : vector<256x128xi1>
    %and3A_326 = arith.andi %ne3A_325, %ne3A_317 : vector<256x128xi1>
    %add3A_327 = vector.broadcast %select_n3A_312 : i32 to vector<256x128xi32>
    %add3A_328 = arith.addi %rem3A_314, %add3A_327 : vector<256x128xi32>
    %select_n3A_329 = arith.select %and3A_326, %add3A_328, %rem3A_314 : vector<256x128xi1>, vector<256x128xi32>
    %swap3A_330 = arith.constant 5 : index
    %swap3A_331 = arith.constant 0 : index
    %swap3A_332 = arith.constant 0 : index
    %swap3A_333 = vector.load %arg4[%swap3A_330, %swap3A_331, %swap3A_332] : memref<8x256x128xi32, #tpu.memory_space<vmem>>, vector<1x256x128xi32>
    %swap3A_334 = vector.shape_cast %swap3A_333 : vector<1x256x128xi32> to vector<256x128xi32>
    %swap3A_335 = vector.shape_cast %select_n3A_329 : vector<256x128xi32> to vector<1x256x128xi32>
    tpu.vector_store %arg4[%swap3A_330, %swap3A_331, %swap3A_332], %swap3A_335 {strides = array<i32>} : memref<8x256x128xi32, #tpu.memory_space<vmem>>, vector<1x256x128xi32>,
    %add3A_336 = arith.constant 1 : i32
    %add3A_337 = vector.broadcast %add3A_336 : i32 to vector<256x128xi32>
    %add3A_338 = arith.addi %convert_element_type3A, %add3A_337 : vector<256x128xi32>
    %add3A_339 = arith.constant 1 : i32
    %add3A_340 = vector.broadcast %add3A_339 : i32 to vector<256x128xi32>
    %add3A_341 = arith.addi %convert_element_type3A_49, %add3A_340 : vector<256x128xi32>
    %mul3A_342 = arith.constant -1640531535 : i32
    %mul3A_343 = vector.broadcast %mul3A_342 : i32 to vector<256x128xi32>
    %mul3A_344 = arith.muli %add3A_341, %mul3A_343 : vector<256x128xi32>
    %add3A_345 = arith.constant 0 : i32
    %add3A_346 = vector.broadcast %add3A_345 : i32 to vector<256x128xi32>
    %add3A_347 = arith.addi %convert_element_type3A_73, %add3A_346 : vector<256x128xi32>
    %mul3A_348 = arith.constant 805459861 : i32
    %mul3A_349 = vector.broadcast %mul3A_348 : i32 to vector<256x128xi32>
    %mul3A_350 = arith.muli %add3A_347, %mul3A_349 : vector<256x128xi32>
    %xor3A_351 = arith.xori %add3A_338, %mul3A_344 : vector<256x128xi32>
    %xor3A_352 = arith.xori %xor3A_351, %mul3A_350 : vector<256x128xi32>
    %jit3A_353 = arith.constant 120000 : i32
    %eq3A_354 = arith.constant 0 : i32
    %eq3A_355 = arith.cmpi eq, %jit3A_353, %eq3A_354 : i32
    %jit3A_356 = arith.constant 1 : i32
    %select_n3A_357 = arith.select %eq3A_355, %jit3A_356, %jit3A_353 : i32
    %rem3A_358 = vector.broadcast %select_n3A_357 : i32 to vector<256x128xi32>
    %rem3A_359 = arith.remui %xor3A_352, %rem3A_358 : vector<256x128xi32>
    %ne3A_360 = arith.constant 0 : i32
    %ne3A_361 = vector.broadcast %ne3A_360 : i32 to vector<256x128xi32>
    %ne3A_362 = arith.cmpi ne, %rem3A_359, %ne3A_361 : vector<256x128xi32>
    %lt3A_363 = arith.constant 0 : i32
    %lt3A_364 = vector.broadcast %lt3A_363 : i32 to vector<256x128xi32>
    %lt3A_365 = arith.cmpi ult, %rem3A_359, %lt3A_364 : vector<256x128xi32>
    %lt3A_366 = arith.constant 0 : i32
    %lt3A_367 = arith.cmpi ult, %select_n3A_357, %lt3A_366 : i32
    %ne3A_368 = vector.broadcast %lt3A_367 : i1 to vector<256x128xi1>
    %ne3A_369 = vector.broadcast %ne3A_368 : vector<256x128xi1> to vector<256x128xi1>
    %ne3A_370 = arith.xori %lt3A_365, %ne3A_369 : vector<256x128xi1>
    %and3A_371 = arith.andi %ne3A_370, %ne3A_362 : vector<256x128xi1>
    %add3A_372 = vector.broadcast %select_n3A_357 : i32 to vector<256x128xi32>
    %add3A_373 = arith.addi %rem3A_359, %add3A_372 : vector<256x128xi32>
    %select_n3A_374 = arith.select %and3A_371, %add3A_373, %rem3A_359 : vector<256x128xi1>, vector<256x128xi32>
    %swap3A_375 = arith.constant 6 : index
    %swap3A_376 = arith.constant 0 : index
    %swap3A_377 = arith.constant 0 : index
    %swap3A_378 = vector.load %arg4[%swap3A_375, %swap3A_376, %swap3A_377] : memref<8x256x128xi32, #tpu.memory_space<vmem>>, vector<1x256x128xi32>
    %swap3A_379 = vector.shape_cast %swap3A_378 : vector<1x256x128xi32> to vector<256x128xi32>
    %swap3A_380 = vector.shape_cast %select_n3A_374 : vector<256x128xi32> to vector<1x256x128xi32>
    tpu.vector_store %arg4[%swap3A_375, %swap3A_376, %swap3A_377], %swap3A_380 {strides = array<i32>} : memref<8x256x128xi32, #tpu.memory_space<vmem>>, vector<1x256x128xi32>,
    %add3A_381 = arith.constant 1 : i32
    %add3A_382 = vector.broadcast %add3A_381 : i32 to vector<256x128xi32>
    %add3A_383 = arith.addi %convert_element_type3A, %add3A_382 : vector<256x128xi32>
    %add3A_384 = arith.constant 1 : i32
    %add3A_385 = vector.broadcast %add3A_384 : i32 to vector<256x128xi32>
    %add3A_386 = arith.addi %convert_element_type3A_49, %add3A_385 : vector<256x128xi32>
    %mul3A_387 = arith.constant -1640531535 : i32
    %mul3A_388 = vector.broadcast %mul3A_387 : i32 to vector<256x128xi32>
    %mul3A_389 = arith.muli %add3A_386, %mul3A_388 : vector<256x128xi32>
    %add3A_390 = arith.constant 1 : i32
    %add3A_391 = vector.broadcast %add3A_390 : i32 to vector<256x128xi32>
    %add3A_392 = arith.addi %convert_element_type3A_73, %add3A_391 : vector<256x128xi32>
    %mul3A_393 = arith.constant 805459861 : i32
    %mul3A_394 = vector.broadcast %mul3A_393 : i32 to vector<256x128xi32>
    %mul3A_395 = arith.muli %add3A_392, %mul3A_394 : vector<256x128xi32>
    %xor3A_396 = arith.xori %add3A_383, %mul3A_389 : vector<256x128xi32>
    %xor3A_397 = arith.xori %xor3A_396, %mul3A_395 : vector<256x128xi32>
    %jit3A_398 = arith.constant 120000 : i32
    %eq3A_399 = arith.constant 0 : i32
    %eq3A_400 = arith.cmpi eq, %jit3A_398, %eq3A_399 : i32
    %jit3A_401 = arith.constant 1 : i32
    %select_n3A_402 = arith.select %eq3A_400, %jit3A_401, %jit3A_398 : i32
    %rem3A_403 = vector.broadcast %select_n3A_402 : i32 to vector<256x128xi32>
    %rem3A_404 = arith.remui %xor3A_397, %rem3A_403 : vector<256x128xi32>
    %ne3A_405 = arith.constant 0 : i32
    %ne3A_406 = vector.broadcast %ne3A_405 : i32 to vector<256x128xi32>
    %ne3A_407 = arith.cmpi ne, %rem3A_404, %ne3A_406 : vector<256x128xi32>
    %lt3A_408 = arith.constant 0 : i32
    %lt3A_409 = vector.broadcast %lt3A_408 : i32 to vector<256x128xi32>
    %lt3A_410 = arith.cmpi ult, %rem3A_404, %lt3A_409 : vector<256x128xi32>
    %lt3A_411 = arith.constant 0 : i32
    %lt3A_412 = arith.cmpi ult, %select_n3A_402, %lt3A_411 : i32
    %ne3A_413 = vector.broadcast %lt3A_412 : i1 to vector<256x128xi1>
    %ne3A_414 = vector.broadcast %ne3A_413 : vector<256x128xi1> to vector<256x128xi1>
    %ne3A_415 = arith.xori %lt3A_410, %ne3A_414 : vector<256x128xi1>
    %and3A_416 = arith.andi %ne3A_415, %ne3A_407 : vector<256x128xi1>
    %add3A_417 = vector.broadcast %select_n3A_402 : i32 to vector<256x128xi32>
    %add3A_418 = arith.addi %rem3A_404, %add3A_417 : vector<256x128xi32>
    %select_n3A_419 = arith.select %and3A_416, %add3A_418, %rem3A_404 : vector<256x128xi1>, vector<256x128xi32>
    %swap3A_420 = arith.constant 7 : index
    %swap3A_421 = arith.constant 0 : index
    %swap3A_422 = arith.constant 0 : index
    %swap3A_423 = vector.load %arg4[%swap3A_420, %swap3A_421, %swap3A_422] : memref<8x256x128xi32, #tpu.memory_space<vmem>>, vector<1x256x128xi32>
    %swap3A_424 = vector.shape_cast %swap3A_423 : vector<1x256x128xi32> to vector<256x128xi32>
    %swap3A_425 = vector.shape_cast %select_n3A_419 : vector<256x128xi32> to vector<1x256x128xi32>
    tpu.vector_store %arg4[%swap3A_420, %swap3A_421, %swap3A_422], %swap3A_425 {strides = array<i32>} : memref<8x256x128xi32, #tpu.memory_space<vmem>>, vector<1x256x128xi32>,
    return
  }
  func.func @transform_0(%arg0: i32) -> (i32, i32, i32) {
    %c0_i32 = arith.constant 0 : i32
    %c0_i32_0 = arith.constant 0 : i32
    %c0_i32_1 = arith.constant 0 : i32
    return %c0_i32, %arg0, %c0_i32_0 : i32, i32, i32
  }
  func.func @transform_1(%arg0: i32) -> (i32, i32) {
    %c0_i32 = arith.constant 0 : i32
    %c0_i32_0 = arith.constant 0 : i32
    return %arg0, %c0_i32 : i32, i32
  }
  func.func @transform_2(%arg0: i32) -> (i32, i32) {
    %c0_i32 = arith.constant 0 : i32
    %c0_i32_0 = arith.constant 0 : i32
    return %arg0, %c0_i32 : i32, i32
  }
  func.func @transform_3(%arg0: i32) -> (i32, i32, i32) {
    %c0_i32 = arith.constant 0 : i32
    %c0_i32_0 = arith.constant 0 : i32
    %c0_i32_1 = arith.constant 0 : i32
    return %c0_i32, %arg0, %c0_i32_0 : i32, i32, i32
  }
  func.func @transform_4(%arg0: i32) -> (i32, i32, i32) {
    %c0_i32 = arith.constant 0 : i32
    %c0_i32_0 = arith.constant 0 : i32
    %c0_i32_1 = arith.constant 0 : i32
    return %c0_i32, %arg0, %c0_i32_0 : i32, i32, i32
  }
}

module attributes {stable_mosaic.version = 14 : i64} {
  func.func @_field_body(%arg0: i32, %arg1: memref<8x4x256x128xf32, #tpu.memory_space<vmem>>, %arg2: memref<3x256x128xf32, #tpu.memory_space<vmem>>, %arg3: memref<256x128xf32, #tpu.memory_space<vmem>>, %arg4: memref<256x128xf32, #tpu.memory_space<vmem>>, %arg5: memref<1x1xf32, #tpu.memory_space<vmem>>, %arg6: memref<3x256x128xf32, #tpu.memory_space<vmem>>, %arg7: memref<3x256x128xf32, #tpu.memory_space<vmem>>, %arg8: memref<256x128xf32, #tpu.memory_space<vmem>>) attributes {dimension_semantics = [#tpu.dimension_semantics<arbitrary>], iteration_bounds = array<i64: 4>, scalar_prefetch = 0 : i64, scratch_operands = 0 : i64, tpu.core_type = #tpu.core_type<tc>, window_params = [{transform_indices = @transform_0, window_bounds = array<i64: 8, 4, 256, 128>}, {transform_indices = @transform_1, window_bounds = array<i64: 3, 256, 128>}, {transform_indices = @transform_2, window_bounds = array<i64: 256, 128>}, {transform_indices = @transform_3, window_bounds = array<i64: 256, 128>}, {pipeline_mode = #tpu.pipeline_mode<synchronous>, transform_indices = @transform_4, window_bounds = array<i64: 1, 1>}, {transform_indices = @transform_5, window_bounds = array<i64: 3, 256, 128>}, {transform_indices = @transform_6, window_bounds = array<i64: 3, 256, 128>}, {transform_indices = @transform_7, window_bounds = array<i64: 256, 128>}]} {
    %get3A = arith.constant 0 : index
    %get3A_0 = arith.constant 0 : index
    %get3A_1 = arith.constant 0 : index
    %get3A_2 = vector.load %arg2[%get3A, %get3A_0, %get3A_1] : memref<3x256x128xf32, #tpu.memory_space<vmem>>, vector<1x256x128xf32>
    %get3A_3 = vector.shape_cast %get3A_2 : vector<1x256x128xf32> to vector<256x128xf32>
    %get3A_4 = arith.constant 1 : index
    %get3A_5 = arith.constant 0 : index
    %get3A_6 = arith.constant 0 : index
    %get3A_7 = vector.load %arg2[%get3A_4, %get3A_5, %get3A_6] : memref<3x256x128xf32, #tpu.memory_space<vmem>>, vector<1x256x128xf32>
    %get3A_8 = vector.shape_cast %get3A_7 : vector<1x256x128xf32> to vector<256x128xf32>
    %get3A_9 = arith.constant 2 : index
    %get3A_10 = arith.constant 0 : index
    %get3A_11 = arith.constant 0 : index
    %get3A_12 = vector.load %arg2[%get3A_9, %get3A_10, %get3A_11] : memref<3x256x128xf32, #tpu.memory_space<vmem>>, vector<1x256x128xf32>
    %get3A_13 = vector.shape_cast %get3A_12 : vector<1x256x128xf32> to vector<256x128xf32>
    %sub3A = arith.constant 1.000000e+00 : f32
    %sub3A_14 = vector.broadcast %sub3A : f32 to vector<256x128xf32>
    %sub3A_15 = arith.subf %sub3A_14, %get3A_3 : vector<256x128xf32>
    %sub3A_16 = arith.constant 1.000000e+00 : f32
    %sub3A_17 = vector.broadcast %sub3A_16 : f32 to vector<256x128xf32>
    %sub3A_18 = arith.subf %sub3A_17, %get3A_8 : vector<256x128xf32>
    %sub3A_19 = arith.constant 1.000000e+00 : f32
    %sub3A_20 = vector.broadcast %sub3A_19 : f32 to vector<256x128xf32>
    %sub3A_21 = arith.subf %sub3A_20, %get3A_13 : vector<256x128xf32>
    %broadcast_in_dim3A = arith.constant 0.000000e+00 : f32
    %broadcast_in_dim3A_22 = vector.broadcast %broadcast_in_dim3A : f32 to vector<256x128xf32>
    %broadcast_in_dim3A_23 = arith.constant 0.000000e+00 : f32
    %broadcast_in_dim3A_24 = vector.broadcast %broadcast_in_dim3A_23 : f32 to vector<256x128xf32>
    %broadcast_in_dim3A_25 = arith.constant 0.000000e+00 : f32
    %broadcast_in_dim3A_26 = vector.broadcast %broadcast_in_dim3A_25 : f32 to vector<256x128xf32>
    %broadcast_in_dim3A_27 = arith.constant 0.000000e+00 : f32
    %broadcast_in_dim3A_28 = vector.broadcast %broadcast_in_dim3A_27 : f32 to vector<256x128xf32>
    %broadcast_in_dim3A_29 = arith.constant 0.000000e+00 : f32
    %broadcast_in_dim3A_30 = vector.broadcast %broadcast_in_dim3A_29 : f32 to vector<256x128xf32>
    %broadcast_in_dim3A_31 = arith.constant 0.000000e+00 : f32
    %broadcast_in_dim3A_32 = vector.broadcast %broadcast_in_dim3A_31 : f32 to vector<256x128xf32>
    %broadcast_in_dim3A_33 = arith.constant 0.000000e+00 : f32
    %broadcast_in_dim3A_34 = vector.broadcast %broadcast_in_dim3A_33 : f32 to vector<256x128xf32>
    %mul3A = arith.mulf %sub3A_18, %sub3A_21 : vector<256x128xf32>
    %mul3A_35 = arith.mulf %sub3A_15, %mul3A : vector<256x128xf32>
    %get3A_36 = arith.constant 0 : index
    %get3A_37 = arith.constant 0 : index
    %get3A_38 = arith.constant 0 : index
    %get3A_39 = arith.constant 0 : index
    %get3A_40 = vector.load %arg1[%get3A_36, %get3A_37, %get3A_38, %get3A_39] : memref<8x4x256x128xf32, #tpu.memory_space<vmem>>, vector<1x1x256x128xf32>
    %get3A_41 = vector.shape_cast %get3A_40 : vector<1x1x256x128xf32> to vector<256x128xf32>
    %mul3A_42 = arith.mulf %mul3A_35, %get3A_41 : vector<256x128xf32>
    %add3A = arith.addf %broadcast_in_dim3A_22, %mul3A_42 : vector<256x128xf32>
    %get3A_43 = arith.constant 0 : index
    %get3A_44 = arith.constant 1 : index
    %get3A_45 = arith.constant 0 : index
    %get3A_46 = arith.constant 0 : index
    %get3A_47 = vector.load %arg1[%get3A_43, %get3A_44, %get3A_45, %get3A_46] : memref<8x4x256x128xf32, #tpu.memory_space<vmem>>, vector<1x1x256x128xf32>
    %get3A_48 = vector.shape_cast %get3A_47 : vector<1x1x256x128xf32> to vector<256x128xf32>
    %mul3A_49 = arith.mulf %mul3A_35, %get3A_48 : vector<256x128xf32>
    %add3A_50 = arith.addf %broadcast_in_dim3A_24, %mul3A_49 : vector<256x128xf32>
    %get3A_51 = arith.constant 0 : index
    %get3A_52 = arith.constant 2 : index
    %get3A_53 = arith.constant 0 : index
    %get3A_54 = arith.constant 0 : index
    %get3A_55 = vector.load %arg1[%get3A_51, %get3A_52, %get3A_53, %get3A_54] : memref<8x4x256x128xf32, #tpu.memory_space<vmem>>, vector<1x1x256x128xf32>
    %get3A_56 = vector.shape_cast %get3A_55 : vector<1x1x256x128xf32> to vector<256x128xf32>
    %mul3A_57 = arith.mulf %mul3A_35, %get3A_56 : vector<256x128xf32>
    %add3A_58 = arith.addf %broadcast_in_dim3A_26, %mul3A_57 : vector<256x128xf32>
    %get3A_59 = arith.constant 0 : index
    %get3A_60 = arith.constant 3 : index
    %get3A_61 = arith.constant 0 : index
    %get3A_62 = arith.constant 0 : index
    %get3A_63 = vector.load %arg1[%get3A_59, %get3A_60, %get3A_61, %get3A_62] : memref<8x4x256x128xf32, #tpu.memory_space<vmem>>, vector<1x1x256x128xf32>
    %get3A_64 = vector.shape_cast %get3A_63 : vector<1x1x256x128xf32> to vector<256x128xf32>
    %mul3A_65 = arith.mulf %mul3A_35, %get3A_64 : vector<256x128xf32>
    %add3A_66 = arith.addf %broadcast_in_dim3A_28, %mul3A_65 : vector<256x128xf32>
    %neg3A = arith.constant 0.000000e+00 : f32
    %neg3A_67 = vector.broadcast %neg3A : f32 to vector<256x128xf32>
    %neg3A_68 = arith.subf %neg3A_67, %mul3A : vector<256x128xf32>
    %mul3A_69 = arith.mulf %get3A_41, %neg3A_68 : vector<256x128xf32>
    %add3A_70 = arith.addf %broadcast_in_dim3A_30, %mul3A_69 : vector<256x128xf32>
    %mul3A_71 = arith.mulf %sub3A_15, %sub3A_21 : vector<256x128xf32>
    %neg3A_72 = arith.constant 0.000000e+00 : f32
    %neg3A_73 = vector.broadcast %neg3A_72 : f32 to vector<256x128xf32>
    %neg3A_74 = arith.subf %neg3A_73, %mul3A_71 : vector<256x128xf32>
    %mul3A_75 = arith.mulf %get3A_41, %neg3A_74 : vector<256x128xf32>
    %add3A_76 = arith.addf %broadcast_in_dim3A_32, %mul3A_75 : vector<256x128xf32>
    %mul3A_77 = arith.mulf %sub3A_15, %sub3A_18 : vector<256x128xf32>
    %neg3A_78 = arith.constant 0.000000e+00 : f32
    %neg3A_79 = vector.broadcast %neg3A_78 : f32 to vector<256x128xf32>
    %neg3A_80 = arith.subf %neg3A_79, %mul3A_77 : vector<256x128xf32>
    %mul3A_81 = arith.mulf %get3A_41, %neg3A_80 : vector<256x128xf32>
    %add3A_82 = arith.addf %broadcast_in_dim3A_34, %mul3A_81 : vector<256x128xf32>
    %mul3A_83 = arith.mulf %sub3A_18, %get3A_13 : vector<256x128xf32>
    %mul3A_84 = arith.mulf %sub3A_15, %mul3A_83 : vector<256x128xf32>
    %get3A_85 = arith.constant 1 : index
    %get3A_86 = arith.constant 0 : index
    %get3A_87 = arith.constant 0 : index
    %get3A_88 = arith.constant 0 : index
    %get3A_89 = vector.load %arg1[%get3A_85, %get3A_86, %get3A_87, %get3A_88] : memref<8x4x256x128xf32, #tpu.memory_space<vmem>>, vector<1x1x256x128xf32>
    %get3A_90 = vector.shape_cast %get3A_89 : vector<1x1x256x128xf32> to vector<256x128xf32>
    %mul3A_91 = arith.mulf %mul3A_84, %get3A_90 : vector<256x128xf32>
    %add3A_92 = arith.addf %add3A, %mul3A_91 : vector<256x128xf32>
    %get3A_93 = arith.constant 1 : index
    %get3A_94 = arith.constant 1 : index
    %get3A_95 = arith.constant 0 : index
    %get3A_96 = arith.constant 0 : index
    %get3A_97 = vector.load %arg1[%get3A_93, %get3A_94, %get3A_95, %get3A_96] : memref<8x4x256x128xf32, #tpu.memory_space<vmem>>, vector<1x1x256x128xf32>
    %get3A_98 = vector.shape_cast %get3A_97 : vector<1x1x256x128xf32> to vector<256x128xf32>
    %mul3A_99 = arith.mulf %mul3A_84, %get3A_98 : vector<256x128xf32>
    %add3A_100 = arith.addf %add3A_50, %mul3A_99 : vector<256x128xf32>
    %get3A_101 = arith.constant 1 : index
    %get3A_102 = arith.constant 2 : index
    %get3A_103 = arith.constant 0 : index
    %get3A_104 = arith.constant 0 : index
    %get3A_105 = vector.load %arg1[%get3A_101, %get3A_102, %get3A_103, %get3A_104] : memref<8x4x256x128xf32, #tpu.memory_space<vmem>>, vector<1x1x256x128xf32>
    %get3A_106 = vector.shape_cast %get3A_105 : vector<1x1x256x128xf32> to vector<256x128xf32>
    %mul3A_107 = arith.mulf %mul3A_84, %get3A_106 : vector<256x128xf32>
    %add3A_108 = arith.addf %add3A_58, %mul3A_107 : vector<256x128xf32>
    %get3A_109 = arith.constant 1 : index
    %get3A_110 = arith.constant 3 : index
    %get3A_111 = arith.constant 0 : index
    %get3A_112 = arith.constant 0 : index
    %get3A_113 = vector.load %arg1[%get3A_109, %get3A_110, %get3A_111, %get3A_112] : memref<8x4x256x128xf32, #tpu.memory_space<vmem>>, vector<1x1x256x128xf32>
    %get3A_114 = vector.shape_cast %get3A_113 : vector<1x1x256x128xf32> to vector<256x128xf32>
    %mul3A_115 = arith.mulf %mul3A_84, %get3A_114 : vector<256x128xf32>
    %add3A_116 = arith.addf %add3A_66, %mul3A_115 : vector<256x128xf32>
    %neg3A_117 = arith.constant 0.000000e+00 : f32
    %neg3A_118 = vector.broadcast %neg3A_117 : f32 to vector<256x128xf32>
    %neg3A_119 = arith.subf %neg3A_118, %mul3A_83 : vector<256x128xf32>
    %mul3A_120 = arith.mulf %get3A_90, %neg3A_119 : vector<256x128xf32>
    %add3A_121 = arith.addf %add3A_70, %mul3A_120 : vector<256x128xf32>
    %mul3A_122 = arith.mulf %sub3A_15, %get3A_13 : vector<256x128xf32>
    %neg3A_123 = arith.constant 0.000000e+00 : f32
    %neg3A_124 = vector.broadcast %neg3A_123 : f32 to vector<256x128xf32>
    %neg3A_125 = arith.subf %neg3A_124, %mul3A_122 : vector<256x128xf32>
    %mul3A_126 = arith.mulf %get3A_90, %neg3A_125 : vector<256x128xf32>
    %add3A_127 = arith.addf %add3A_76, %mul3A_126 : vector<256x128xf32>
    %mul3A_128 = arith.mulf %sub3A_15, %sub3A_18 : vector<256x128xf32>
    %mul3A_129 = arith.mulf %get3A_90, %mul3A_128 : vector<256x128xf32>
    %add3A_130 = arith.addf %add3A_82, %mul3A_129 : vector<256x128xf32>
    %mul3A_131 = arith.mulf %get3A_8, %sub3A_21 : vector<256x128xf32>
    %mul3A_132 = arith.mulf %sub3A_15, %mul3A_131 : vector<256x128xf32>
    %get3A_133 = arith.constant 2 : index
    %get3A_134 = arith.constant 0 : index
    %get3A_135 = arith.constant 0 : index
    %get3A_136 = arith.constant 0 : index
    %get3A_137 = vector.load %arg1[%get3A_133, %get3A_134, %get3A_135, %get3A_136] : memref<8x4x256x128xf32, #tpu.memory_space<vmem>>, vector<1x1x256x128xf32>
    %get3A_138 = vector.shape_cast %get3A_137 : vector<1x1x256x128xf32> to vector<256x128xf32>
    %mul3A_139 = arith.mulf %mul3A_132, %get3A_138 : vector<256x128xf32>
    %add3A_140 = arith.addf %add3A_92, %mul3A_139 : vector<256x128xf32>
    %get3A_141 = arith.constant 2 : index
    %get3A_142 = arith.constant 1 : index
    %get3A_143 = arith.constant 0 : index
    %get3A_144 = arith.constant 0 : index
    %get3A_145 = vector.load %arg1[%get3A_141, %get3A_142, %get3A_143, %get3A_144] : memref<8x4x256x128xf32, #tpu.memory_space<vmem>>, vector<1x1x256x128xf32>
    %get3A_146 = vector.shape_cast %get3A_145 : vector<1x1x256x128xf32> to vector<256x128xf32>
    %mul3A_147 = arith.mulf %mul3A_132, %get3A_146 : vector<256x128xf32>
    %add3A_148 = arith.addf %add3A_100, %mul3A_147 : vector<256x128xf32>
    %get3A_149 = arith.constant 2 : index
    %get3A_150 = arith.constant 2 : index
    %get3A_151 = arith.constant 0 : index
    %get3A_152 = arith.constant 0 : index
    %get3A_153 = vector.load %arg1[%get3A_149, %get3A_150, %get3A_151, %get3A_152] : memref<8x4x256x128xf32, #tpu.memory_space<vmem>>, vector<1x1x256x128xf32>
    %get3A_154 = vector.shape_cast %get3A_153 : vector<1x1x256x128xf32> to vector<256x128xf32>
    %mul3A_155 = arith.mulf %mul3A_132, %get3A_154 : vector<256x128xf32>
    %add3A_156 = arith.addf %add3A_108, %mul3A_155 : vector<256x128xf32>
    %get3A_157 = arith.constant 2 : index
    %get3A_158 = arith.constant 3 : index
    %get3A_159 = arith.constant 0 : index
    %get3A_160 = arith.constant 0 : index
    %get3A_161 = vector.load %arg1[%get3A_157, %get3A_158, %get3A_159, %get3A_160] : memref<8x4x256x128xf32, #tpu.memory_space<vmem>>, vector<1x1x256x128xf32>
    %get3A_162 = vector.shape_cast %get3A_161 : vector<1x1x256x128xf32> to vector<256x128xf32>
    %mul3A_163 = arith.mulf %mul3A_132, %get3A_162 : vector<256x128xf32>
    %add3A_164 = arith.addf %add3A_116, %mul3A_163 : vector<256x128xf32>
    %neg3A_165 = arith.constant 0.000000e+00 : f32
    %neg3A_166 = vector.broadcast %neg3A_165 : f32 to vector<256x128xf32>
    %neg3A_167 = arith.subf %neg3A_166, %mul3A_131 : vector<256x128xf32>
    %mul3A_168 = arith.mulf %get3A_138, %neg3A_167 : vector<256x128xf32>
    %add3A_169 = arith.addf %add3A_121, %mul3A_168 : vector<256x128xf32>
    %mul3A_170 = arith.mulf %sub3A_15, %sub3A_21 : vector<256x128xf32>
    %mul3A_171 = arith.mulf %get3A_138, %mul3A_170 : vector<256x128xf32>
    %add3A_172 = arith.addf %add3A_127, %mul3A_171 : vector<256x128xf32>
    %mul3A_173 = arith.mulf %sub3A_15, %get3A_8 : vector<256x128xf32>
    %neg3A_174 = arith.constant 0.000000e+00 : f32
    %neg3A_175 = vector.broadcast %neg3A_174 : f32 to vector<256x128xf32>
    %neg3A_176 = arith.subf %neg3A_175, %mul3A_173 : vector<256x128xf32>
    %mul3A_177 = arith.mulf %get3A_138, %neg3A_176 : vector<256x128xf32>
    %add3A_178 = arith.addf %add3A_130, %mul3A_177 : vector<256x128xf32>
    %mul3A_179 = arith.mulf %get3A_8, %get3A_13 : vector<256x128xf32>
    %mul3A_180 = arith.mulf %sub3A_15, %mul3A_179 : vector<256x128xf32>
    %get3A_181 = arith.constant 3 : index
    %get3A_182 = arith.constant 0 : index
    %get3A_183 = arith.constant 0 : index
    %get3A_184 = arith.constant 0 : index
    %get3A_185 = vector.load %arg1[%get3A_181, %get3A_182, %get3A_183, %get3A_184] : memref<8x4x256x128xf32, #tpu.memory_space<vmem>>, vector<1x1x256x128xf32>
    %get3A_186 = vector.shape_cast %get3A_185 : vector<1x1x256x128xf32> to vector<256x128xf32>
    %mul3A_187 = arith.mulf %mul3A_180, %get3A_186 : vector<256x128xf32>
    %add3A_188 = arith.addf %add3A_140, %mul3A_187 : vector<256x128xf32>
    %get3A_189 = arith.constant 3 : index
    %get3A_190 = arith.constant 1 : index
    %get3A_191 = arith.constant 0 : index
    %get3A_192 = arith.constant 0 : index
    %get3A_193 = vector.load %arg1[%get3A_189, %get3A_190, %get3A_191, %get3A_192] : memref<8x4x256x128xf32, #tpu.memory_space<vmem>>, vector<1x1x256x128xf32>
    %get3A_194 = vector.shape_cast %get3A_193 : vector<1x1x256x128xf32> to vector<256x128xf32>
    %mul3A_195 = arith.mulf %mul3A_180, %get3A_194 : vector<256x128xf32>
    %add3A_196 = arith.addf %add3A_148, %mul3A_195 : vector<256x128xf32>
    %get3A_197 = arith.constant 3 : index
    %get3A_198 = arith.constant 2 : index
    %get3A_199 = arith.constant 0 : index
    %get3A_200 = arith.constant 0 : index
    %get3A_201 = vector.load %arg1[%get3A_197, %get3A_198, %get3A_199, %get3A_200] : memref<8x4x256x128xf32, #tpu.memory_space<vmem>>, vector<1x1x256x128xf32>
    %get3A_202 = vector.shape_cast %get3A_201 : vector<1x1x256x128xf32> to vector<256x128xf32>
    %mul3A_203 = arith.mulf %mul3A_180, %get3A_202 : vector<256x128xf32>
    %add3A_204 = arith.addf %add3A_156, %mul3A_203 : vector<256x128xf32>
    %get3A_205 = arith.constant 3 : index
    %get3A_206 = arith.constant 3 : index
    %get3A_207 = arith.constant 0 : index
    %get3A_208 = arith.constant 0 : index
    %get3A_209 = vector.load %arg1[%get3A_205, %get3A_206, %get3A_207, %get3A_208] : memref<8x4x256x128xf32, #tpu.memory_space<vmem>>, vector<1x1x256x128xf32>
    %get3A_210 = vector.shape_cast %get3A_209 : vector<1x1x256x128xf32> to vector<256x128xf32>
    %mul3A_211 = arith.mulf %mul3A_180, %get3A_210 : vector<256x128xf32>
    %add3A_212 = arith.addf %add3A_164, %mul3A_211 : vector<256x128xf32>
    %neg3A_213 = arith.constant 0.000000e+00 : f32
    %neg3A_214 = vector.broadcast %neg3A_213 : f32 to vector<256x128xf32>
    %neg3A_215 = arith.subf %neg3A_214, %mul3A_179 : vector<256x128xf32>
    %mul3A_216 = arith.mulf %get3A_186, %neg3A_215 : vector<256x128xf32>
    %add3A_217 = arith.addf %add3A_169, %mul3A_216 : vector<256x128xf32>
    %mul3A_218 = arith.mulf %sub3A_15, %get3A_13 : vector<256x128xf32>
    %mul3A_219 = arith.mulf %get3A_186, %mul3A_218 : vector<256x128xf32>
    %add3A_220 = arith.addf %add3A_172, %mul3A_219 : vector<256x128xf32>
    %mul3A_221 = arith.mulf %sub3A_15, %get3A_8 : vector<256x128xf32>
    %mul3A_222 = arith.mulf %get3A_186, %mul3A_221 : vector<256x128xf32>
    %add3A_223 = arith.addf %add3A_178, %mul3A_222 : vector<256x128xf32>
    %mul3A_224 = arith.mulf %sub3A_18, %sub3A_21 : vector<256x128xf32>
    %mul3A_225 = arith.mulf %get3A_3, %mul3A_224 : vector<256x128xf32>
    %get3A_226 = arith.constant 4 : index
    %get3A_227 = arith.constant 0 : index
    %get3A_228 = arith.constant 0 : index
    %get3A_229 = arith.constant 0 : index
    %get3A_230 = vector.load %arg1[%get3A_226, %get3A_227, %get3A_228, %get3A_229] : memref<8x4x256x128xf32, #tpu.memory_space<vmem>>, vector<1x1x256x128xf32>
    %get3A_231 = vector.shape_cast %get3A_230 : vector<1x1x256x128xf32> to vector<256x128xf32>
    %mul3A_232 = arith.mulf %mul3A_225, %get3A_231 : vector<256x128xf32>
    %add3A_233 = arith.addf %add3A_188, %mul3A_232 : vector<256x128xf32>
    %get3A_234 = arith.constant 4 : index
    %get3A_235 = arith.constant 1 : index
    %get3A_236 = arith.constant 0 : index
    %get3A_237 = arith.constant 0 : index
    %get3A_238 = vector.load %arg1[%get3A_234, %get3A_235, %get3A_236, %get3A_237] : memref<8x4x256x128xf32, #tpu.memory_space<vmem>>, vector<1x1x256x128xf32>
    %get3A_239 = vector.shape_cast %get3A_238 : vector<1x1x256x128xf32> to vector<256x128xf32>
    %mul3A_240 = arith.mulf %mul3A_225, %get3A_239 : vector<256x128xf32>
    %add3A_241 = arith.addf %add3A_196, %mul3A_240 : vector<256x128xf32>
    %get3A_242 = arith.constant 4 : index
    %get3A_243 = arith.constant 2 : index
    %get3A_244 = arith.constant 0 : index
    %get3A_245 = arith.constant 0 : index
    %get3A_246 = vector.load %arg1[%get3A_242, %get3A_243, %get3A_244, %get3A_245] : memref<8x4x256x128xf32, #tpu.memory_space<vmem>>, vector<1x1x256x128xf32>
    %get3A_247 = vector.shape_cast %get3A_246 : vector<1x1x256x128xf32> to vector<256x128xf32>
    %mul3A_248 = arith.mulf %mul3A_225, %get3A_247 : vector<256x128xf32>
    %add3A_249 = arith.addf %add3A_204, %mul3A_248 : vector<256x128xf32>
    %get3A_250 = arith.constant 4 : index
    %get3A_251 = arith.constant 3 : index
    %get3A_252 = arith.constant 0 : index
    %get3A_253 = arith.constant 0 : index
    %get3A_254 = vector.load %arg1[%get3A_250, %get3A_251, %get3A_252, %get3A_253] : memref<8x4x256x128xf32, #tpu.memory_space<vmem>>, vector<1x1x256x128xf32>
    %get3A_255 = vector.shape_cast %get3A_254 : vector<1x1x256x128xf32> to vector<256x128xf32>
    %mul3A_256 = arith.mulf %mul3A_225, %get3A_255 : vector<256x128xf32>
    %add3A_257 = arith.addf %add3A_212, %mul3A_256 : vector<256x128xf32>
    %mul3A_258 = arith.mulf %get3A_231, %mul3A_224 : vector<256x128xf32>
    %add3A_259 = arith.addf %add3A_217, %mul3A_258 : vector<256x128xf32>
    %mul3A_260 = arith.mulf %get3A_3, %sub3A_21 : vector<256x128xf32>
    %neg3A_261 = arith.constant 0.000000e+00 : f32
    %neg3A_262 = vector.broadcast %neg3A_261 : f32 to vector<256x128xf32>
    %neg3A_263 = arith.subf %neg3A_262, %mul3A_260 : vector<256x128xf32>
    %mul3A_264 = arith.mulf %get3A_231, %neg3A_263 : vector<256x128xf32>
    %add3A_265 = arith.addf %add3A_220, %mul3A_264 : vector<256x128xf32>
    %mul3A_266 = arith.mulf %get3A_3, %sub3A_18 : vector<256x128xf32>
    %neg3A_267 = arith.constant 0.000000e+00 : f32
    %neg3A_268 = vector.broadcast %neg3A_267 : f32 to vector<256x128xf32>
    %neg3A_269 = arith.subf %neg3A_268, %mul3A_266 : vector<256x128xf32>
    %mul3A_270 = arith.mulf %get3A_231, %neg3A_269 : vector<256x128xf32>
    %add3A_271 = arith.addf %add3A_223, %mul3A_270 : vector<256x128xf32>
    %mul3A_272 = arith.mulf %sub3A_18, %get3A_13 : vector<256x128xf32>
    %mul3A_273 = arith.mulf %get3A_3, %mul3A_272 : vector<256x128xf32>
    %get3A_274 = arith.constant 5 : index
    %get3A_275 = arith.constant 0 : index
    %get3A_276 = arith.constant 0 : index
    %get3A_277 = arith.constant 0 : index
    %get3A_278 = vector.load %arg1[%get3A_274, %get3A_275, %get3A_276, %get3A_277] : memref<8x4x256x128xf32, #tpu.memory_space<vmem>>, vector<1x1x256x128xf32>
    %get3A_279 = vector.shape_cast %get3A_278 : vector<1x1x256x128xf32> to vector<256x128xf32>
    %mul3A_280 = arith.mulf %mul3A_273, %get3A_279 : vector<256x128xf32>
    %add3A_281 = arith.addf %add3A_233, %mul3A_280 : vector<256x128xf32>
    %get3A_282 = arith.constant 5 : index
    %get3A_283 = arith.constant 1 : index
    %get3A_284 = arith.constant 0 : index
    %get3A_285 = arith.constant 0 : index
    %get3A_286 = vector.load %arg1[%get3A_282, %get3A_283, %get3A_284, %get3A_285] : memref<8x4x256x128xf32, #tpu.memory_space<vmem>>, vector<1x1x256x128xf32>
    %get3A_287 = vector.shape_cast %get3A_286 : vector<1x1x256x128xf32> to vector<256x128xf32>
    %mul3A_288 = arith.mulf %mul3A_273, %get3A_287 : vector<256x128xf32>
    %add3A_289 = arith.addf %add3A_241, %mul3A_288 : vector<256x128xf32>
    %get3A_290 = arith.constant 5 : index
    %get3A_291 = arith.constant 2 : index
    %get3A_292 = arith.constant 0 : index
    %get3A_293 = arith.constant 0 : index
    %get3A_294 = vector.load %arg1[%get3A_290, %get3A_291, %get3A_292, %get3A_293] : memref<8x4x256x128xf32, #tpu.memory_space<vmem>>, vector<1x1x256x128xf32>
    %get3A_295 = vector.shape_cast %get3A_294 : vector<1x1x256x128xf32> to vector<256x128xf32>
    %mul3A_296 = arith.mulf %mul3A_273, %get3A_295 : vector<256x128xf32>
    %add3A_297 = arith.addf %add3A_249, %mul3A_296 : vector<256x128xf32>
    %get3A_298 = arith.constant 5 : index
    %get3A_299 = arith.constant 3 : index
    %get3A_300 = arith.constant 0 : index
    %get3A_301 = arith.constant 0 : index
    %get3A_302 = vector.load %arg1[%get3A_298, %get3A_299, %get3A_300, %get3A_301] : memref<8x4x256x128xf32, #tpu.memory_space<vmem>>, vector<1x1x256x128xf32>
    %get3A_303 = vector.shape_cast %get3A_302 : vector<1x1x256x128xf32> to vector<256x128xf32>
    %mul3A_304 = arith.mulf %mul3A_273, %get3A_303 : vector<256x128xf32>
    %add3A_305 = arith.addf %add3A_257, %mul3A_304 : vector<256x128xf32>
    %mul3A_306 = arith.mulf %get3A_279, %mul3A_272 : vector<256x128xf32>
    %add3A_307 = arith.addf %add3A_259, %mul3A_306 : vector<256x128xf32>
    %mul3A_308 = arith.mulf %get3A_3, %get3A_13 : vector<256x128xf32>
    %neg3A_309 = arith.constant 0.000000e+00 : f32
    %neg3A_310 = vector.broadcast %neg3A_309 : f32 to vector<256x128xf32>
    %neg3A_311 = arith.subf %neg3A_310, %mul3A_308 : vector<256x128xf32>
    %mul3A_312 = arith.mulf %get3A_279, %neg3A_311 : vector<256x128xf32>
    %add3A_313 = arith.addf %add3A_265, %mul3A_312 : vector<256x128xf32>
    %mul3A_314 = arith.mulf %get3A_3, %sub3A_18 : vector<256x128xf32>
    %mul3A_315 = arith.mulf %get3A_279, %mul3A_314 : vector<256x128xf32>
    %add3A_316 = arith.addf %add3A_271, %mul3A_315 : vector<256x128xf32>
    %mul3A_317 = arith.mulf %get3A_8, %sub3A_21 : vector<256x128xf32>
    %mul3A_318 = arith.mulf %get3A_3, %mul3A_317 : vector<256x128xf32>
    %get3A_319 = arith.constant 6 : index
    %get3A_320 = arith.constant 0 : index
    %get3A_321 = arith.constant 0 : index
    %get3A_322 = arith.constant 0 : index
    %get3A_323 = vector.load %arg1[%get3A_319, %get3A_320, %get3A_321, %get3A_322] : memref<8x4x256x128xf32, #tpu.memory_space<vmem>>, vector<1x1x256x128xf32>
    %get3A_324 = vector.shape_cast %get3A_323 : vector<1x1x256x128xf32> to vector<256x128xf32>
    %mul3A_325 = arith.mulf %mul3A_318, %get3A_324 : vector<256x128xf32>
    %add3A_326 = arith.addf %add3A_281, %mul3A_325 : vector<256x128xf32>
    %get3A_327 = arith.constant 6 : index
    %get3A_328 = arith.constant 1 : index
    %get3A_329 = arith.constant 0 : index
    %get3A_330 = arith.constant 0 : index
    %get3A_331 = vector.load %arg1[%get3A_327, %get3A_328, %get3A_329, %get3A_330] : memref<8x4x256x128xf32, #tpu.memory_space<vmem>>, vector<1x1x256x128xf32>
    %get3A_332 = vector.shape_cast %get3A_331 : vector<1x1x256x128xf32> to vector<256x128xf32>
    %mul3A_333 = arith.mulf %mul3A_318, %get3A_332 : vector<256x128xf32>
    %add3A_334 = arith.addf %add3A_289, %mul3A_333 : vector<256x128xf32>
    %get3A_335 = arith.constant 6 : index
    %get3A_336 = arith.constant 2 : index
    %get3A_337 = arith.constant 0 : index
    %get3A_338 = arith.constant 0 : index
    %get3A_339 = vector.load %arg1[%get3A_335, %get3A_336, %get3A_337, %get3A_338] : memref<8x4x256x128xf32, #tpu.memory_space<vmem>>, vector<1x1x256x128xf32>
    %get3A_340 = vector.shape_cast %get3A_339 : vector<1x1x256x128xf32> to vector<256x128xf32>
    %mul3A_341 = arith.mulf %mul3A_318, %get3A_340 : vector<256x128xf32>
    %add3A_342 = arith.addf %add3A_297, %mul3A_341 : vector<256x128xf32>
    %get3A_343 = arith.constant 6 : index
    %get3A_344 = arith.constant 3 : index
    %get3A_345 = arith.constant 0 : index
    %get3A_346 = arith.constant 0 : index
    %get3A_347 = vector.load %arg1[%get3A_343, %get3A_344, %get3A_345, %get3A_346] : memref<8x4x256x128xf32, #tpu.memory_space<vmem>>, vector<1x1x256x128xf32>
    %get3A_348 = vector.shape_cast %get3A_347 : vector<1x1x256x128xf32> to vector<256x128xf32>
    %mul3A_349 = arith.mulf %mul3A_318, %get3A_348 : vector<256x128xf32>
    %add3A_350 = arith.addf %add3A_305, %mul3A_349 : vector<256x128xf32>
    %mul3A_351 = arith.mulf %get3A_324, %mul3A_317 : vector<256x128xf32>
    %add3A_352 = arith.addf %add3A_307, %mul3A_351 : vector<256x128xf32>
    %mul3A_353 = arith.mulf %get3A_3, %sub3A_21 : vector<256x128xf32>
    %mul3A_354 = arith.mulf %get3A_324, %mul3A_353 : vector<256x128xf32>
    %add3A_355 = arith.addf %add3A_313, %mul3A_354 : vector<256x128xf32>
    %mul3A_356 = arith.mulf %get3A_3, %get3A_8 : vector<256x128xf32>
    %neg3A_357 = arith.constant 0.000000e+00 : f32
    %neg3A_358 = vector.broadcast %neg3A_357 : f32 to vector<256x128xf32>
    %neg3A_359 = arith.subf %neg3A_358, %mul3A_356 : vector<256x128xf32>
    %mul3A_360 = arith.mulf %get3A_324, %neg3A_359 : vector<256x128xf32>
    %add3A_361 = arith.addf %add3A_316, %mul3A_360 : vector<256x128xf32>
    %mul3A_362 = arith.mulf %get3A_8, %get3A_13 : vector<256x128xf32>
    %mul3A_363 = arith.mulf %get3A_3, %mul3A_362 : vector<256x128xf32>
    %get3A_364 = arith.constant 7 : index
    %get3A_365 = arith.constant 0 : index
    %get3A_366 = arith.constant 0 : index
    %get3A_367 = arith.constant 0 : index
    %get3A_368 = vector.load %arg1[%get3A_364, %get3A_365, %get3A_366, %get3A_367] : memref<8x4x256x128xf32, #tpu.memory_space<vmem>>, vector<1x1x256x128xf32>
    %get3A_369 = vector.shape_cast %get3A_368 : vector<1x1x256x128xf32> to vector<256x128xf32>
    %mul3A_370 = arith.mulf %mul3A_363, %get3A_369 : vector<256x128xf32>
    %add3A_371 = arith.addf %add3A_326, %mul3A_370 : vector<256x128xf32>
    %get3A_372 = arith.constant 7 : index
    %get3A_373 = arith.constant 1 : index
    %get3A_374 = arith.constant 0 : index
    %get3A_375 = arith.constant 0 : index
    %get3A_376 = vector.load %arg1[%get3A_372, %get3A_373, %get3A_374, %get3A_375] : memref<8x4x256x128xf32, #tpu.memory_space<vmem>>, vector<1x1x256x128xf32>
    %get3A_377 = vector.shape_cast %get3A_376 : vector<1x1x256x128xf32> to vector<256x128xf32>
    %mul3A_378 = arith.mulf %mul3A_363, %get3A_377 : vector<256x128xf32>
    %add3A_379 = arith.addf %add3A_334, %mul3A_378 : vector<256x128xf32>
    %get3A_380 = arith.constant 7 : index
    %get3A_381 = arith.constant 2 : index
    %get3A_382 = arith.constant 0 : index
    %get3A_383 = arith.constant 0 : index
    %get3A_384 = vector.load %arg1[%get3A_380, %get3A_381, %get3A_382, %get3A_383] : memref<8x4x256x128xf32, #tpu.memory_space<vmem>>, vector<1x1x256x128xf32>
    %get3A_385 = vector.shape_cast %get3A_384 : vector<1x1x256x128xf32> to vector<256x128xf32>
    %mul3A_386 = arith.mulf %mul3A_363, %get3A_385 : vector<256x128xf32>
    %add3A_387 = arith.addf %add3A_342, %mul3A_386 : vector<256x128xf32>
    %get3A_388 = arith.constant 7 : index
    %get3A_389 = arith.constant 3 : index
    %get3A_390 = arith.constant 0 : index
    %get3A_391 = arith.constant 0 : index
    %get3A_392 = vector.load %arg1[%get3A_388, %get3A_389, %get3A_390, %get3A_391] : memref<8x4x256x128xf32, #tpu.memory_space<vmem>>, vector<1x1x256x128xf32>
    %get3A_393 = vector.shape_cast %get3A_392 : vector<1x1x256x128xf32> to vector<256x128xf32>
    %mul3A_394 = arith.mulf %mul3A_363, %get3A_393 : vector<256x128xf32>
    %add3A_395 = arith.addf %add3A_350, %mul3A_394 : vector<256x128xf32>
    %mul3A_396 = arith.mulf %get3A_369, %mul3A_362 : vector<256x128xf32>
    %add3A_397 = arith.addf %add3A_352, %mul3A_396 : vector<256x128xf32>
    %mul3A_398 = arith.mulf %get3A_3, %get3A_13 : vector<256x128xf32>
    %mul3A_399 = arith.mulf %get3A_369, %mul3A_398 : vector<256x128xf32>
    %add3A_400 = arith.addf %add3A_355, %mul3A_399 : vector<256x128xf32>
    %mul3A_401 = arith.mulf %get3A_3, %get3A_8 : vector<256x128xf32>
    %mul3A_402 = arith.mulf %get3A_369, %mul3A_401 : vector<256x128xf32>
    %add3A_403 = arith.addf %add3A_361, %mul3A_402 : vector<256x128xf32>
    %div3A = arith.constant 1.000000e+00 : f32
    %div3A_404 = arith.constant 2.000000e-02 : f32
    %div3A_405 = arith.divf %div3A, %div3A_404 : f32
    %mul3A_406 = vector.broadcast %div3A_405 : f32 to vector<256x128xf32>
    %mul3A_407 = arith.mulf %add3A_397, %mul3A_406 : vector<256x128xf32>
    %swap3A = arith.constant 0 : index
    %swap3A_408 = arith.constant 0 : index
    %swap3A_409 = arith.constant 0 : index
    %swap3A_410 = vector.load %arg7[%swap3A, %swap3A_408, %swap3A_409] : memref<3x256x128xf32, #tpu.memory_space<vmem>>, vector<1x256x128xf32>
    %swap3A_411 = vector.shape_cast %swap3A_410 : vector<1x256x128xf32> to vector<256x128xf32>
    %swap3A_412 = vector.shape_cast %mul3A_407 : vector<256x128xf32> to vector<1x256x128xf32>
    tpu.vector_store %arg7[%swap3A, %swap3A_408, %swap3A_409], %swap3A_412 {strides = array<i32>} : memref<3x256x128xf32, #tpu.memory_space<vmem>>, vector<1x256x128xf32>,
    %mul3A_413 = vector.broadcast %div3A_405 : f32 to vector<256x128xf32>
    %mul3A_414 = arith.mulf %add3A_400, %mul3A_413 : vector<256x128xf32>
    %swap3A_415 = arith.constant 1 : index
    %swap3A_416 = arith.constant 0 : index
    %swap3A_417 = arith.constant 0 : index
    %swap3A_418 = vector.load %arg7[%swap3A_415, %swap3A_416, %swap3A_417] : memref<3x256x128xf32, #tpu.memory_space<vmem>>, vector<1x256x128xf32>
    %swap3A_419 = vector.shape_cast %swap3A_418 : vector<1x256x128xf32> to vector<256x128xf32>
    %swap3A_420 = vector.shape_cast %mul3A_414 : vector<256x128xf32> to vector<1x256x128xf32>
    tpu.vector_store %arg7[%swap3A_415, %swap3A_416, %swap3A_417], %swap3A_420 {strides = array<i32>} : memref<3x256x128xf32, #tpu.memory_space<vmem>>, vector<1x256x128xf32>,
    %mul3A_421 = vector.broadcast %div3A_405 : f32 to vector<256x128xf32>
    %mul3A_422 = arith.mulf %add3A_403, %mul3A_421 : vector<256x128xf32>
    %swap3A_423 = arith.constant 2 : index
    %swap3A_424 = arith.constant 0 : index
    %swap3A_425 = arith.constant 0 : index
    %swap3A_426 = vector.load %arg7[%swap3A_423, %swap3A_424, %swap3A_425] : memref<3x256x128xf32, #tpu.memory_space<vmem>>, vector<1x256x128xf32>
    %swap3A_427 = vector.shape_cast %swap3A_426 : vector<1x256x128xf32> to vector<256x128xf32>
    %swap3A_428 = vector.shape_cast %mul3A_422 : vector<256x128xf32> to vector<1x256x128xf32>
    tpu.vector_store %arg7[%swap3A_423, %swap3A_424, %swap3A_425], %swap3A_428 {strides = array<i32>} : memref<3x256x128xf32, #tpu.memory_space<vmem>>, vector<1x256x128xf32>,
    %get3A_429 = arith.constant 0 : index
    %get3A_430 = arith.constant 0 : index
    %get3A_431 = vector.load %arg5[%get3A_429, %get3A_430] : memref<1x1xf32, #tpu.memory_space<vmem>>, vector<1x1xf32>
    %get3A_432 = vector.extract %get3A_431[0, 0] : f32 from vector<1x1xf32>
    %abs3A = math.absf %get3A_432 : f32
    %add3A_433 = arith.constant 2.000000e-02 : f32
    %add3A_434 = arith.addf %add3A_433, %abs3A : f32
    %div3A_435 = arith.constant 1.000000e+00 : f32
    %div3A_436 = arith.divf %div3A_435, %add3A_434 : f32
    %sign3A = tpu.bitcast %add3A_371 : vector<256x128xf32> -> vector<256x128xi32>
    %sign3A_437 = arith.constant -2147483648 : i32
    %sign3A_438 = vector.broadcast %sign3A_437 : i32 to vector<256x128xi32>
    %sign3A_439 = arith.andi %sign3A, %sign3A_438 : vector<256x128xi32>
    %sign3A_440 = arith.constant 1065353216 : i32
    %sign3A_441 = vector.broadcast %sign3A_440 : i32 to vector<256x128xi32>
    %sign3A_442 = arith.ori %sign3A_441, %sign3A_439 : vector<256x128xi32>
    %sign3A_443 = tpu.bitcast %sign3A_442 : vector<256x128xi32> -> vector<256x128xf32>
    %sign3A_444 = math.absf %add3A_371 : vector<256x128xf32>
    %sign3A_445 = arith.constant 0.000000e+00 : f32
    %sign3A_446 = vector.broadcast %sign3A_445 : f32 to vector<256x128xf32>
    %sign3A_447 = arith.cmpf ogt, %sign3A_444, %sign3A_446 : vector<256x128xf32>
    %sign3A_448 = arith.select %sign3A_447, %sign3A_443, %add3A_371 : vector<256x128xi1>, vector<256x128xf32>
    %mul3A_449 = arith.constant 5.000000e-01 : f32
    %mul3A_450 = vector.broadcast %mul3A_449 : f32 to vector<256x128xf32>
    %mul3A_451 = arith.mulf %mul3A_450, %sign3A_448 : vector<256x128xf32>
    %abs3A_452 = math.absf %add3A_371 : vector<256x128xf32>
    %neg3A_453 = arith.constant 0.000000e+00 : f32
    %neg3A_454 = vector.broadcast %neg3A_453 : f32 to vector<256x128xf32>
    %neg3A_455 = arith.subf %neg3A_454, %abs3A_452 : vector<256x128xf32>
    %div3A_456 = vector.broadcast %add3A_434 : f32 to vector<256x128xf32>
    %div3A_457 = arith.divf %neg3A_455, %div3A_456 : vector<256x128xf32>
    %exp3A = math.exp %div3A_457 : vector<256x128xf32>
    %sub3A_458 = arith.constant 1.000000e+00 : f32
    %sub3A_459 = vector.broadcast %sub3A_458 : f32 to vector<256x128xf32>
    %sub3A_460 = arith.subf %exp3A, %sub3A_459 : vector<256x128xf32>
    %mul3A_461 = arith.mulf %mul3A_451, %sub3A_460 : vector<256x128xf32>
    %add3A_462 = arith.constant 5.000000e-01 : f32
    %add3A_463 = vector.broadcast %add3A_462 : f32 to vector<256x128xf32>
    %add3A_464 = arith.addf %add3A_463, %mul3A_461 : vector<256x128xf32>
    %mul3A_465 = vector.broadcast %div3A_436 : f32 to vector<256x128xf32>
    %mul3A_466 = arith.mulf %mul3A_465, %add3A_464 : vector<256x128xf32>
    %get3A_467 = arith.constant 0 : index
    %get3A_468 = arith.constant 0 : index
    %get3A_469 = vector.load %arg4[%get3A_467, %get3A_468] : memref<256x128xf32, #tpu.memory_space<vmem>>, vector<256x128xf32>
    %get3A_470 = arith.constant 0 : index
    %get3A_471 = arith.constant 0 : index
    %get3A_472 = vector.load %arg3[%get3A_470, %get3A_471] : memref<256x128xf32, #tpu.memory_space<vmem>>, vector<256x128xf32>
    %sub3A_473 = arith.subf %get3A_469, %get3A_472 : vector<256x128xf32>
    %mul3A_474 = arith.mulf %mul3A_466, %sub3A_473 : vector<256x128xf32>
    %swap3A_475 = arith.constant 0 : index
    %swap3A_476 = arith.constant 0 : index
    %swap3A_477 = vector.load %arg8[%swap3A_475, %swap3A_476] : memref<256x128xf32, #tpu.memory_space<vmem>>, vector<256x128xf32>
    tpu.vector_store %arg8[%swap3A_475, %swap3A_476], %mul3A_474 {strides = array<i32>} : memref<256x128xf32, #tpu.memory_space<vmem>>, vector<256x128xf32>,
    %swap3A_478 = arith.constant 0 : index
    %swap3A_479 = arith.constant 0 : index
    %swap3A_480 = arith.constant 0 : index
    %swap3A_481 = vector.load %arg6[%swap3A_478, %swap3A_479, %swap3A_480] : memref<3x256x128xf32, #tpu.memory_space<vmem>>, vector<1x256x128xf32>
    %swap3A_482 = vector.shape_cast %swap3A_481 : vector<1x256x128xf32> to vector<256x128xf32>
    %swap3A_483 = vector.shape_cast %add3A_379 : vector<256x128xf32> to vector<1x256x128xf32>
    tpu.vector_store %arg6[%swap3A_478, %swap3A_479, %swap3A_480], %swap3A_483 {strides = array<i32>} : memref<3x256x128xf32, #tpu.memory_space<vmem>>, vector<1x256x128xf32>,
    %swap3A_484 = arith.constant 1 : index
    %swap3A_485 = arith.constant 0 : index
    %swap3A_486 = arith.constant 0 : index
    %swap3A_487 = vector.load %arg6[%swap3A_484, %swap3A_485, %swap3A_486] : memref<3x256x128xf32, #tpu.memory_space<vmem>>, vector<1x256x128xf32>
    %swap3A_488 = vector.shape_cast %swap3A_487 : vector<1x256x128xf32> to vector<256x128xf32>
    %swap3A_489 = vector.shape_cast %add3A_387 : vector<256x128xf32> to vector<1x256x128xf32>
    tpu.vector_store %arg6[%swap3A_484, %swap3A_485, %swap3A_486], %swap3A_489 {strides = array<i32>} : memref<3x256x128xf32, #tpu.memory_space<vmem>>, vector<1x256x128xf32>,
    %swap3A_490 = arith.constant 2 : index
    %swap3A_491 = arith.constant 0 : index
    %swap3A_492 = arith.constant 0 : index
    %swap3A_493 = vector.load %arg6[%swap3A_490, %swap3A_491, %swap3A_492] : memref<3x256x128xf32, #tpu.memory_space<vmem>>, vector<1x256x128xf32>
    %swap3A_494 = vector.shape_cast %swap3A_493 : vector<1x256x128xf32> to vector<256x128xf32>
    %swap3A_495 = vector.shape_cast %add3A_395 : vector<256x128xf32> to vector<1x256x128xf32>
    tpu.vector_store %arg6[%swap3A_490, %swap3A_491, %swap3A_492], %swap3A_495 {strides = array<i32>} : memref<3x256x128xf32, #tpu.memory_space<vmem>>, vector<1x256x128xf32>,
    return
  }
  func.func @transform_0(%arg0: i32) -> (i32, i32, i32, i32) {
    %c0_i32 = arith.constant 0 : i32
    %c0_i32_0 = arith.constant 0 : i32
    %c0_i32_1 = arith.constant 0 : i32
    %c0_i32_2 = arith.constant 0 : i32
    return %c0_i32, %c0_i32_0, %arg0, %c0_i32_1 : i32, i32, i32, i32
  }
  func.func @transform_1(%arg0: i32) -> (i32, i32, i32) {
    %c0_i32 = arith.constant 0 : i32
    %c0_i32_0 = arith.constant 0 : i32
    %c0_i32_1 = arith.constant 0 : i32
    return %c0_i32, %arg0, %c0_i32_0 : i32, i32, i32
  }
  func.func @transform_2(%arg0: i32) -> (i32, i32) {
    %c0_i32 = arith.constant 0 : i32
    %c0_i32_0 = arith.constant 0 : i32
    return %arg0, %c0_i32 : i32, i32
  }
  func.func @transform_3(%arg0: i32) -> (i32, i32) {
    %c0_i32 = arith.constant 0 : i32
    %c0_i32_0 = arith.constant 0 : i32
    return %arg0, %c0_i32 : i32, i32
  }
  func.func @transform_4(%arg0: i32) -> (i32, i32) {
    %c0_i32 = arith.constant 0 : i32
    %c0_i32_0 = arith.constant 0 : i32
    %c0_i32_1 = arith.constant 0 : i32
    return %c0_i32, %c0_i32_0 : i32, i32
  }
  func.func @transform_5(%arg0: i32) -> (i32, i32, i32) {
    %c0_i32 = arith.constant 0 : i32
    %c0_i32_0 = arith.constant 0 : i32
    %c0_i32_1 = arith.constant 0 : i32
    return %c0_i32, %arg0, %c0_i32_0 : i32, i32, i32
  }
  func.func @transform_6(%arg0: i32) -> (i32, i32, i32) {
    %c0_i32 = arith.constant 0 : i32
    %c0_i32_0 = arith.constant 0 : i32
    %c0_i32_1 = arith.constant 0 : i32
    return %c0_i32, %arg0, %c0_i32_0 : i32, i32, i32
  }
  func.func @transform_7(%arg0: i32) -> (i32, i32) {
    %c0_i32 = arith.constant 0 : i32
    %c0_i32_0 = arith.constant 0 : i32
    return %arg0, %c0_i32 : i32, i32
  }
}

</mosaic_0001>

<sc_bundles>
// kernel: _kernel_impl.6.cloned.1.call-start
scs
__scs_entry_jumppad:
0x0: {  	(pc) =	sbr.rel $0x88, $3  }
0x1: {  	(tag) =	ssettag $0x0;
	lr =	simm.s32 $0x1  }
0x2: {  	[smem:$0x3F99] =	sst lr;
	_ =	strace $0xD0000000  }
0x3: {  	_ = 	snop  }
0x4: {  	_ = 	snop  }
0x5: {  	_ = 	snop  }
0x6: {  	_ = 	snop  }
0x7: {  	_ = 	snop  }
__scs_overlays_trampoline_lowered:
0x8: {  	[smem:$0x3FA8] =	sst s0  }
0x9: {  	[smem:$0x3FA9] =	sst s1  }
0xa: {  	[smem:$0x3FAA] =	sst s2  }
0xb: {  	[smem:$0x3FAB] =	sst s3  }
0xc: {  	[smem:$0x3FAC] =	sst s4  }
0xd: {  	[smem:$0x3FAD] =	sst s5  }
0xe: {  	[smem:$0x3FAE] =	sst s6  }
0xf: {  	[smem:$0x3FAF] =	sst s7  }
0x10: {  	[smem:$0x3FB0] =	sst s8  }
0x11: {  	[smem:$0x3FB1] =	sst s9;
	s0 =	simm.s32 @!p0 $0x0  }
0x12: {  	s1 =	sld [smem:$0x3F97];
	s0 =	simm.s32 @p0 $0x1  }
0x13: {  	[smem:$0x3FB2] =	sst s0;
	s0 =	simm.s32 @!p1 $0x0  }
0x14: {  	s2 =	sld [smem:$0x3F96];
	s0 =	simm.s32 @p1 $0x1  }
0x15: {  	[smem:$0x3FB3] =	sst s0;
	s0 =	simm.s32 @!p2 $0x0  }
0x16: {  	s3 =	sld [smem:$0x3FDB];
	s0 =	simm.s32 @p2 $0x1  }
0x17: {  	s4 =	simm.s32 $0x1BF5;
	[smem:$0x3FB5] =	sst s0  }
0x18: {  	s0 =	sld [smem:$0x3F98];
	_ =	swait.ge [sflag:s4], $0x0  }
0x19: {  	s7 =	sld [smem:$0x3F99]  }
0x1a: {  	s8 =	sadd.s32 $0xFFFFE003, lr  }
0x1b: {  	s9 =	sadd.s32 $0xFFFFFEF7, lr;
	s5 =	simm.s32 $0xFFFFFFFF;
	p2 =	slt.u32 s8, $0xFFFFF086  }
0x1c: {  	p1 =	slt.u32 s9, $0xF7A;
	s5 =	simm.s32 @!p2 $0x0  }
0x1d: {  	s5 =	simm.s32 @p1 $0x1;
	p0 =	seq.s32 s7, s2  }
0x1e: {  	s7 =	smul.u32 @!p0 $0xF7A, s2;
	p2 =	seq.s32 @!p0 s5, $0x0  }
0x1f: {  	s9 =	smul.u32 $0xF7A, s1;
	s8 =	simm.s32 @!p0 $0x1BF5;
	p2 =	por !p2, p0  }
0x20: {  	[sflag:s8] =	ssyncset.s32 @!p0 $0xFFFFF086;
	s6 =	sadd.s32 @!p0 s3, s7;
	s7 =	simm.s32 @!p0 $0x108  }
0x21: {  	s3 =	sadd.s32 s3, s9;
	s6 =	sadd.s32 @!p0 $0x88, s6;
	s7 =	simm.s32 @p2 $0x1082  }
0x22: {  	[simem:s7], [sflag:s8] =	dma.local @!p0 [hbm:s6], $0xF7A  }
0x23: {  	s9 =	sor.u32 $0xD0000000, s2;
	s6 =	simm.s32 $0x108;
	_ =	swait.ge @!p0 [sflag:s8], $0x0  }
0x24: {  	s3 =	sadd.s32 $0x88, s3;
	s6 =	simm.s32 @!p1 $0x1082;
	[sflag:s4] =	ssyncset.s32 $0xFFFFF086  }
0x25: {  	[simem:s6], [sflag:s4] =	dma.local [hbm:s3], $0xF7A  }
0x26: {  	[smem:$0x3F99] =	sst s1;
	(tag) =	ssettag s2;
	_ =	strace s9  }
0x27: {  	s1 =	sld [smem:$0x3FA9]  }
0x28: {  	s2 =	sld [smem:$0x3FAA]  }
0x29: {  	s4 =	sld [smem:$0x3FAC]  }
0x2a: {  	p0 =	seq.s32 s5, $0x0;
	s5 =	sld [smem:$0x3FAD]  }
0x2b: {  	s6 =	sld [smem:$0x3FAE]  }
0x2c: {  	s7 =	sld [smem:$0x3FAF]  }
0x2d: {  	s3 =	simm.s32 $0x108;
	s8 =	sld [smem:$0x3FB0]  }
0x2e: {  	s3 =	simm.s32 @!p0 $0x1082;
	s9 =	sld [smem:$0x3FB1]  }
0x2f: {  	lr =	sadd.s32 s0, s3;
	s0 =	sld [smem:$0x3FA8]  }
0x30: {  	s3 =	sld [smem:$0x3FAB]  }
0x31: {  	[smem:$0x3FB4] =	sst s10  }
0x32: {  	s10 =	sld [smem:$0x3FB2];
	_ =	sdelay $0x3  }
0x33: {  	p0 =	seq.s32 s10, $0x1;
	s10 =	sld [smem:$0x3FB4];
	_ =	sdelay $0x3  }
0x34: {  	[smem:$0x3FB4] =	sst s10  }
0x35: {  	s10 =	sld [smem:$0x3FB3];
	_ =	sdelay $0x3  }
0x36: {  	p1 =	seq.s32 s10, $0x1;
	s10 =	sld [smem:$0x3FB4];
	_ =	sdelay $0x3  }
0x37: {  	[smem:$0x3FB4] =	sst s10  }
0x38: {  	s10 =	sld [smem:$0x3FB5]  }
0x39: {  	_ = 	snop;
	(pc) =	sbr.ind lr, $3  }
0x3a: {  	_ = 	snop  }
0x3b: {  	_ = 	snop  }
0x3c: {  	p2 =	seq.s32 s10, $0x1;
	s10 =	sld [smem:$0x3FB4]  }
0x3d: {  	_ =	shalt  }
0x3e: {  	_ =	shalt  }
0x3f: {  	_ =	shalt  }
0x40: {  	_ =	shalt  }
0x41: {  	_ =	shalt  }
0x42: {  	_ =	shalt  }
0x43: {  	_ =	shalt  }
0x44: {  	_ =	shalt  }
0x45: {  	_ =	shalt  }
0x46: {  	_ =	shalt  }
0x47: {  	_ =	shalt  }
0x48: {  	_ =	shalt  }
0x49: {  	_ =	shalt  }
0x4a: {  	_ =	shalt  }
0x4b: {  	_ =	shalt  }
0x4c: {  	_ =	shalt  }
0x4d: {  	_ =	shalt  }
0x4e: {  	_ =	shalt  }
0x4f: {  	_ =	shalt  }
0x50: {  	_ =	shalt  }
0x51: {  	_ =	shalt  }
0x52: {  	_ =	shalt  }
0x53: {  	_ =	shalt  }
0x54: {  	_ =	shalt  }
0x55: {  	_ =	shalt  }
0x56: {  	_ =	shalt  }
0x57: {  	_ =	shalt  }
0x58: {  	_ =	shalt  }
0x59: {  	_ =	shalt  }
0x5a: {  	_ =	shalt  }
0x5b: {  	_ =	shalt  }
0x5c: {  	_ =	shalt  }
0x5d: {  	_ =	shalt  }
0x5e: {  	_ =	shalt  }
0x5f: {  	_ =	shalt  }
0x60: {  	_ =	shalt  }
0x61: {  	_ =	shalt  }
0x62: {  	_ =	shalt  }
0x63: {  	_ =	shalt  }
0x64: {  	_ =	shalt  }
0x65: {  	_ =	shalt  }
0x66: {  	_ =	shalt  }
0x67: {  	_ =	shalt  }
0x68: {  	_ =	shalt  }
0x69: {  	_ =	shalt  }
0x6a: {  	_ =	shalt  }
0x6b: {  	_ =	shalt  }
0x6c: {  	_ =	shalt  }
0x6d: {  	_ =	shalt  }
0x6e: {  	_ =	shalt  }
0x6f: {  	_ =	shalt  }
0x70: {  	_ =	shalt  }
0x71: {  	_ =	shalt  }
0x72: {  	_ =	shalt  }
0x73: {  	_ =	shalt  }
0x74: {  	_ =	shalt  }
0x75: {  	_ =	shalt  }
0x76: {  	_ =	shalt  }
0x77: {  	_ =	shalt  }
0x78: {  	_ =	shalt  }
0x79: {  	_ =	shalt  }
0x7a: {  	_ =	shalt  }
0x7b: {  	_ =	shalt  }
0x7c: {  	_ =	shalt  }
0x7d: {  	_ =	shalt  }
0x7e: {  	_ =	shalt  }
0x7f: {  	_ =	shalt  }
0x80: {  	_ =	shalt  }
0x81: {  	_ =	shalt  }
0x82: {  	_ =	shalt  }
0x83: {  	_ =	shalt  }
0x84: {  	_ =	shalt  }
0x85: {  	_ =	shalt  }
0x86: {  	_ =	shalt  }
0x87: {  	_ =	shalt  }
.Lfunc_end0:
.L_simem_size_0:
called_computation.1_lowered:
.L_overlay_start_0:
0x88: {  	s2 =	sld [smem:$0x3FD9]  }
0x89: {  	s3 =	sld [smem:$0x3FFE];
	_ =	sdelay $0x1  }
0x8a: {  	s1 =	srdreg.scid  }
0x8b: {  	s0 =	sand.u32 $0x1, s1  }
0x8c: {  	s14 =	sshll.u32 s0, $0xA;
	s2 =	sadd.s32 s3, s2  }
0x8d: {  	s2 =	sadd.s32 s2, s14  }
0x8e: {  	[smem:$0x3FC0] =	sst s2  }
0x8f: {  	_ = 	snop  }
0x90: {  	s2 =	sld [smem:$0x3FD0];
	_ =	sdelay $0x2  }
0x91: {  	s4 =	simm.s32 $0xA;
	s5 =	simm.s32 $0x10;
	s15 =	sld [smem:$0x3FC6]  }
0x92: {  	[smem:s5], [sflag:s4] =	dma.local [hbm:s2], $0x1  }
0x93: {  	_ =	swait.eq [sflag:s4], $0x1  }
0x94: {  	[sflag:s4] =	ssyncset.done $0x0  }
0x95: {  	[sflag:s4] =	ssyncadd.s32 $0xFFFFFFFF  }
0x96: {  	s16 =	sld [smem:$0x14];
	(tm) =	ssettm $0x1  }
0x97: {  	s17 =	sld [smem:$0x3FFB];
	_ =	sdelay $0x3  }
0x98: {  	_ =	strace s17  }
0x99: {  	s4 =	sld [smem:$0x3FFC];
	_ =	sdelay $0x3  }
0x9a: {  	_ =	strace s4  }
0x9b: {  	s4 =	sld [smem:$0x3FFD];
	_ =	sdelay $0x3  }
0x9c: {  	_ =	strace s4  }
0x9d: {  	_ =	strace $0x8FFFFFFF  }
0x9e: {  	s18 =	sld [smem:$0x3FDB];
	_ =	sdelay $0x1  }
0x9f: {  	s19 =	simm.s32 $_scs_section_size  }
0xa0: {  	s6 =	simm.s32 $_size__tile_overlayer_lowered;
	s7 =	simm.s32 $_tile_overlayer_lowered  }
0xa1: {  	s22 =	simm.s32 $0x1BFF;
	s21 =	sshll.u32 s7, $0x1;
	s4 =	sadd.s32 s19, s18  }
0xa2: {  	s8 =	simm.s32 $0x0;
	s20 =	sshll.u32 s6, $0x1;
	s6 =	sadd.s32 s21, s4  }
0xa3: {  	[timem:s8], [sflag:s22] =	dma.local [hbm:s6], s20  }
0xa4: {  	_ =	swait.ge [sflag:s22], s20  }
0xa5: {  	s5 =	ssub.s32 $0x0, s20;
	[sflag:s22] =	ssyncset.done $0x0  }
0xa6: {  	[sflag:s22] =	ssyncadd.s32 s5;
	_ =	sdelay $0x1  }
0xa7: {  	s23 =	simm.s32 $0x1B8B  }
0xa8: {  	_ =	swait.ge [sflag:s23], $0x1  }
0xa9: {  	[sflag:s23] =	ssyncset.done $0x0  }
0xaa: {  	s25 =	simm.s32 $0x1B8E;
	s24 =	sld [smem:$0x3FFE];
	[sflag:s23] =	ssyncadd.s32 $0xFFFFFFFF  }
0xab: {  	s26 =	simm.s32 $execute0_lowered;
	[smem:$0x3FD2] =	sst s25  }
0xac: {  	s6 =	sshll.u32 s26, $0x1;
	_ =	strace $0x80000046;
	[dreg:$0x1] =	wrdreg $0xFFFFFFFF  }
0xad: {  	s28 =	simm.s32 $_size_execute0_lowered;
	s4 =	sadd.s32 s4, s6;
	[dreg:$0x0] =	wrdreg $0x0  }
0xae: {  	s6 =	sshll.u32 s28, $0x1;
	[dreg:$0x2] =	wrdreg s4  }
0xaf: {  	[dreg:$0x3] =	wrdreg s6  }
0xb0: {  	[dreg:$0x4] =	wrdreg $0xC0  }
0xb1: {  	_ =	task [dreg:s8], $0x5FFFF  }
0xb2: {  	[dreg:$0x1] =	wrdreg $0xFFFFFFFF  }
0xb3: {  	[dreg:$0x0] =	wrdreg $0x60  }
0xb4: {  	[dreg:$0x2] =	wrdreg s16  }
0xb5: {  	[dreg:$0x3] =	wrdreg s15  }
0xb6: {  	[dreg:$0x4] =	wrdreg s24  }
0xb7: {  	[dreg:$0x5] =	wrdreg $0x9  }
0xb8: {  	_ =	task.clear_ibuf [dreg:s8], $0x6FFFF;
	_ =	strace $0x90000046  }
0xb9: {  	s29 =	simm.s32 $0x9;
	_ =	strace $0x80000048  }
0xba: {  	_ =	swait.ge [sflag:s29], $0x1  }
0xbb: {  	[sflag:s29] =	ssyncadd.s32 $0xFFFFFFFF  }
0xbc: {  	_ =	strace $0x90000048  }
0xbd: {  	_ =	sfence  }
0xbe: {  	s30 =	sld [smem:$0x0];
	_ =	sdelay $0x2  }
0xbf: {  	s31 =	sshll.u32 s1, $0xD;
	s1 =	sshrl.u32 s1, $0x2  }
0xc0: {  	s3 =	sand.u32 $0x4000, s31;
	s1 =	sadd.s32 s1, s30  }
0xc1: {  	s0 =	sor.u32 s3, s0;
	s1 =	sshll.u32 s1, $0x11  }
0xc2: {  	s0 =	sor.u32 s1, s0  }
0xc3: {  	s0 =	sadd.s32 $0x8F2B, s0  }
0xc4: {  	[sflag:s0] =	ssyncadd.remote.s32 $0x1  }
0xc5: {  	_ =	sfence.sel $0xFFFF  }
0xc6: {  	[dreg:$0x0] =	wrdreg $0xFFFFFFFF;
	(pc) =	sbr.abs _section_cstart, $3  }
0xc7: {  	[dreg:$0x1] =	wrdreg $0xFFFFFFFF  }
0xc8: {  	_ =	task.clear_ibuf [dreg:s8], $0x2FFFF;
	_ =	strace $0x9FFFFFFF  }
0xc9: {  	(tm) =	ssettm $0x7FFFFFFF  }
tec
execute0_lowered:
.L_overlay_start_1:
0x0: {  	(tag) =	ssettag $0x1  }
0x1: {  	s1 =	rddreg [dreg:$0x0];
	s0 =	srdreg.scid;
	s5 =	simm.s32 $0x0  }
0x2: {  	s4 =	stileid.u32;
	s8 =	simm.s32 $0x2;
	s9 =	simm.s32 $0x80  }
0x3: {  	s13 =	simm.s32 $0x1;
	s28 =	simm.s32 $0x300;
	s29 =	simm.s32 $0x2000  }
0x4: {  	s30 =	simm.s32 $0x380;
	s31 =	simm.s32 $0x2400;
	s7 =	simm.s32 $0x480  }
0x5: {  	s10 =	simm.s32 $0x3000;
	s11 =	simm.s32 $0x580;
	s12 =	simm.s32 $0x3400  }
0x6: {  	s16 =	simm.s32 $0x600;
	s18 =	simm.s32 $0x3800;
	s17 =	simm.s32 $0x680  }
0x7: {  	s19 =	simm.s32 $0x3C00;
	s20 =	simm.s32 $0x700;
	s21 =	simm.s32 $0x4000  }
0x8: {  	s22 =	simm.s32 $0x780;
	s23 =	simm.s32 $0x4400;
	s0 =	sand.u32 $0x1, s0  }
0x9: {  	[smem:$0x7FF] =	sst s5;
	s25 =	sshll.u32 s4, $0xD;
	s2 =	ssub.s32 $0x2, s0  }
0xa: {  	s4 =	simm.s32 $0x2800;
	s0 =	sshll.u32 s0, $0xC;
	s3 =	sshrl.u32 s2, $0x1  }
0xb: {  	_ =	strace $0x80000047;
	s6 =	sor.u32 s0, s25;
	s2 =	ssub.s32 s2, s3  }
0xc: {  	s0 =	simm.s32 $0x0;
	s3 =	simm.s32 $0x500;
	s26 =	smax.u32 s2, $0x1  }
0xd: {  	s2 =	simm.s32 $0x2C00;
	[dreg:$0x4] =	wrdreg s26;
	s26 =	simm.s32 $0x1C00  }
.LBB2_1:
0xe: {  	[dreg:$0x5] =	wrdreg s0  }
0xf: {  	p0 =	por $0x1, $0x1;
	s14 =	simm.s32 $0x0;
	s0 =	simm.s32 $0x400  }
.LBB2_2:
0x10: {  	s15 =	sor.u32 s6, s14  }
0x11: {  	s24 =	rddreg [dreg:$0x1];
	s14 =	sshrl.u32 s15, $0x3  }
0x12: {  	s14 =	sadd.s32 s24, s14  }
0x13: {  	[tilespmem:s5], [sflag:$0x2] =	stream.linear.gather [hbm4b:s14+s5], $0x800, $0x38;
	[tilespmem:$0x4800] =	vst v63  }
0x14: {  	_ =	swait.ge [sflag:s8], $0x800  }
0x15: {  	[sflag:s8] =	ssyncset.done $0x0  }
0x16: {  	s14 =	simm.s32 $0x800;
	[sflag:s8] =	ssyncadd.s32 $0xFFFFF800  }
0x17: {  	[tilespmem:s14], [sflag:$0x1] =	stream.indirect.gather [hbm4b:s1+s9], $0x8, s5, s9, $0xb8;
	[tilespmem:$0x4800] =	vst v63  }
0x18: {  	s25 =	simm.s32 $0xC00  }
0x19: {  	[tilespmem:s25], [sflag:$0x1] =	stream.indirect.gather [hbm4b:s1+s9], $0x8, s9, s9, $0xb8;
	[tilespmem:$0x4800] =	vst v63  }
0x1a: {  	s24 =	simm.s32 $0x100;
	s25 =	simm.s32 $0x1000  }
0x1b: {  	[tilespmem:s25], [sflag:$0x1] =	stream.indirect.gather [hbm4b:s1+s9], $0x8, s24, s9, $0xb8;
	[tilespmem:$0x4800] =	vst v63  }
0x1c: {  	s24 =	simm.s32 $0x180;
	s25 =	simm.s32 $0x1400  }
0x1d: {  	[tilespmem:s25], [sflag:$0x1] =	stream.indirect.gather [hbm4b:s1+s9], $0x8, s24, s9, $0xb8;
	[tilespmem:$0x4800] =	vst v63  }
0x1e: {  	s24 =	simm.s32 $0x200;
	s25 =	simm.s32 $0x1800  }
0x1f: {  	[tilespmem:s25], [sflag:$0x1] =	stream.indirect.gather [hbm4b:s1+s9], $0x8, s24, s9, $0xb8;
	[tilespmem:$0x4800] =	vst v63  }
0x20: {  	s25 =	simm.s32 $0x280  }
0x21: {  	[tilespmem:s26], [sflag:$0x1] =	stream.indirect.gather [hbm4b:s1+s9], $0x8, s25, s9, $0xb8;
	[tilespmem:$0x4800] =	vst v63  }
0x22: {  	_ = 	snop  }
0x23: {  	[tilespmem:s29], [sflag:$0x1] =	stream.indirect.gather [hbm4b:s1+s9], $0x8, s28, s9, $0xb8;
	[tilespmem:$0x4800] =	vst v63  }
0x24: {  	_ = 	snop  }
0x25: {  	[tilespmem:s31], [sflag:$0x1] =	stream.indirect.gather [hbm4b:s1+s9], $0x8, s30, s9, $0xb8;
	[tilespmem:$0x4800] =	vst v63  }
0x26: {  	_ = 	snop  }
0x27: {  	[tilespmem:s4], [sflag:$0x1] =	stream.indirect.gather [hbm4b:s1+s9], $0x8, s0, s9, $0xb8;
	[tilespmem:$0x4800] =	vst v63  }
0x28: {  	_ = 	snop  }
0x29: {  	[tilespmem:s2], [sflag:$0x1] =	stream.indirect.gather [hbm4b:s1+s9], $0x8, s7, s9, $0xb8;
	[tilespmem:$0x4800] =	vst v63  }
0x2a: {  	_ = 	snop  }
0x2b: {  	[tilespmem:s10], [sflag:$0x1] =	stream.indirect.gather [hbm4b:s1+s9], $0x8, s3, s9, $0xb8;
	[tilespmem:$0x4800] =	vst v63  }
0x2c: {  	_ = 	snop  }
0x2d: {  	[tilespmem:s12], [sflag:$0x1] =	stream.indirect.gather [hbm4b:s1+s9], $0x8, s11, s9, $0xb8;
	[tilespmem:$0x4800] =	vst v63  }
0x2e: {  	_ = 	snop  }
0x2f: {  	[tilespmem:s18], [sflag:$0x1] =	stream.indirect.gather [hbm4b:s1+s9], $0x8, s16, s9, $0xb8;
	[tilespmem:$0x4800] =	vst v63  }
0x30: {  	_ = 	snop  }
0x31: {  	[tilespmem:s19], [sflag:$0x1] =	stream.indirect.gather [hbm4b:s1+s9], $0x8, s17, s9, $0xb8;
	[tilespmem:$0x4800] =	vst v63  }
0x32: {  	_ = 	snop  }
0x33: {  	[tilespmem:s21], [sflag:$0x1] =	stream.indirect.gather [hbm4b:s1+s9], $0x8, s20, s9, $0xb8;
	[tilespmem:$0x4800] =	vst v63  }
0x34: {  	_ = 	snop  }
0x35: {  	[tilespmem:s23], [sflag:$0x1] =	stream.indirect.gather [hbm4b:s1+s9], $0x8, s22, s9, $0xb8;
	[tilespmem:$0x4800] =	vst v63  }
0x36: {  	_ =	swait.ge [sflag:s13], $0x400  }
0x37: {  	[sflag:s13] =	ssyncset.done $0x0  }
0x38: {  	[sflag:s13] =	ssyncadd.s32 $0xFFFFFC00  }
0x39: {  	_ =	swait.ge [sflag:s13], $0x400  }
0x3a: {  	[sflag:s13] =	ssyncset.done $0x0  }
0x3b: {  	[sflag:s13] =	ssyncadd.s32 $0xFFFFFC00  }
0x3c: {  	_ =	swait.ge [sflag:s13], $0x400  }
0x3d: {  	[sflag:s13] =	ssyncset.done $0x0  }
0x3e: {  	[sflag:s13] =	ssyncadd.s32 $0xFFFFFC00  }
0x3f: {  	_ =	swait.ge [sflag:s13], $0x400  }
0x40: {  	[sflag:s13] =	ssyncset.done $0x0  }
0x41: {  	[sflag:s13] =	ssyncadd.s32 $0xFFFFFC00  }
0x42: {  	_ =	swait.ge [sflag:s13], $0x400  }
0x43: {  	[sflag:s13] =	ssyncset.done $0x0  }
0x44: {  	[sflag:s13] =	ssyncadd.s32 $0xFFFFFC00  }
0x45: {  	_ =	swait.ge [sflag:s13], $0x400  }
0x46: {  	[sflag:s13] =	ssyncset.done $0x0  }
0x47: {  	[sflag:s13] =	ssyncadd.s32 $0xFFFFFC00  }
0x48: {  	_ =	swait.ge [sflag:s13], $0x400  }
0x49: {  	[sflag:s13] =	ssyncset.done $0x0  }
0x4a: {  	[sflag:s13] =	ssyncadd.s32 $0xFFFFFC00  }
0x4b: {  	_ =	swait.ge [sflag:s13], $0x400  }
0x4c: {  	[sflag:s13] =	ssyncset.done $0x0  }
0x4d: {  	[sflag:s13] =	ssyncadd.s32 $0xFFFFFC00  }
0x4e: {  	_ =	swait.ge [sflag:s13], $0x400  }
0x4f: {  	[sflag:s13] =	ssyncset.done $0x0  }
0x50: {  	[sflag:s13] =	ssyncadd.s32 $0xFFFFFC00  }
0x51: {  	_ =	swait.ge [sflag:s13], $0x400  }
0x52: {  	[sflag:s13] =	ssyncset.done $0x0  }
0x53: {  	[sflag:s13] =	ssyncadd.s32 $0xFFFFFC00  }
0x54: {  	_ =	swait.ge [sflag:s13], $0x400  }
0x55: {  	[sflag:s13] =	ssyncset.done $0x0  }
0x56: {  	[sflag:s13] =	ssyncadd.s32 $0xFFFFFC00  }
0x57: {  	_ =	swait.ge [sflag:s13], $0x400  }
0x58: {  	[sflag:s13] =	ssyncset.done $0x0  }
0x59: {  	[sflag:s13] =	ssyncadd.s32 $0xFFFFFC00  }
0x5a: {  	_ =	swait.ge [sflag:s13], $0x400  }
0x5b: {  	[sflag:s13] =	ssyncset.done $0x0  }
0x5c: {  	[sflag:s13] =	ssyncadd.s32 $0xFFFFFC00  }
0x5d: {  	_ =	swait.ge [sflag:s13], $0x400  }
0x5e: {  	[sflag:s13] =	ssyncset.done $0x0  }
0x5f: {  	[sflag:s13] =	ssyncadd.s32 $0xFFFFFC00  }
0x60: {  	_ =	swait.ge [sflag:s13], $0x400  }
0x61: {  	[sflag:s13] =	ssyncset.done $0x0  }
0x62: {  	[sflag:s13] =	ssyncadd.s32 $0xFFFFFC00  }
0x63: {  	_ =	swait.ge [sflag:s13], $0x400  }
0x64: {  	[sflag:s13] =	ssyncset.done $0x0  }
0x65: {  	[sflag:s13] =	ssyncadd.s32 $0xFFFFFC00  }
0x66: {  	p1 =	por p0, p0;
	s25 =	rddreg [dreg:$0x2]  }
.Ltmp0:
0x67: {  	s15 =	sadd.s32 s25, s15;
	(pc) =	sbr.rel @p1 .LBB2_2-.Ltmp0, $4  }
0x68: {  	[hbm4b:s15+s5] =	stream.linear.scatter [tilespmem:s14], [sflag:$0x2], $0x4000, $0x38;
	[tilespmem:$0x4800] =	vst v63  }
0x69: {  	_ =	swait.ge [sflag:s8], $0x4000  }
0x6a: {  	[sflag:s8] =	ssyncset.done $0x0  }
0x6b: {  	p0 =	por $0x0, $0x0;
	[sflag:s8] =	ssyncadd.s32 $0xFFFFC000  }
0x6c: {  	s0 =	rddreg [dreg:$0x5]  }
0x6d: {  	s14 =	rddreg [dreg:$0x4];
	s0 =	sadd.s32 $0x1, s0  }
0x6e: {  	p0 =	sne.s32 s0, s14  }
.Ltmp1:
0x6f: {  	_ = 	snop;
	(pc) =	sbr.rel @p0 .LBB2_1-.Ltmp1, $1  }
0x70: {  	_ =	sdelay $0x3  }
0x71: {  	_ =	sfence.sel $0x180000  }
0x72: {  	[bflag:$0x0] =	sbarrier.arrive $0xFFFF  }
0x73: {  	_ =	strace $0x90000047  }
0x74: {  	s0 =	stileid.u32;
	[bflag:$0x2] =	sbarrier.arrive $0xFFFF  }
0x75: {  	p0 =	sne.s32 s0, $0x0;
	s0 =	rddreg [dreg:$0x3]  }
0x76: {  	s0 =	sadd.s32 @!p0 $0x100000, s0  }
0x77: {  	[sflag:s0] =	ssyncadd.tile.s32 @!p0 $0x1;
	_ =	shalt  }
.Lfunc_end2:
_tile_overlayer_lowered:
.L_overlay_start_2:
0x78: {  	(tag) =	ssettag $0x2  }
0x79: {  	s0 =	rddreg [dreg:$0x0];
	s2 =	stileid.u32  }
0x7a: {  	s1 =	rddreg [dreg:$0x1];
	p0 =	sne.s32 s2, $0x0  }
0x7b: {  	s3 =	rddreg [dreg:$0x2];
	[bflag:$0x3] =	sbarrier.arrive $0xFFFF;
	s2 =	simm.s32 @!p0 $0x1C02  }
0x7c: {  	[timem:s3], [sflag:s2] =	dma.local @!p0 [hbm:s0], s1  }
0x7d: {  	s0 =	simm.s32 @!p0 $0x2  }
0x7e: {  	_ =	swait.ge @!p0 [sflag:s0], s1  }
0x7f: {  	s1 =	ssub.s32 @!p0 $0x0, s1;
	[sflag:s0] =	ssyncset.done @!p0 $0x0  }
0x80: {  	[sflag:s0] =	ssyncadd.s32 @!p0 s1  }
0x81: {  	[bflag:$0x3] =	sbarrier.arrive $0xFFFF  }
0x82: {  	_ =	shalt  }

// kernel: _kernel_impl.9.cloned.1.call-start
scs
__scs_entry_jumppad:
0x0: {  	(pc) =	sbr.rel $0x88, $3  }
0x1: {  	(tag) =	ssettag $0x0;
	lr =	simm.s32 $0x1  }
0x2: {  	[smem:$0x3F99] =	sst lr;
	_ =	strace $0xD0000000  }
0x3: {  	_ = 	snop  }
0x4: {  	_ = 	snop  }
0x5: {  	_ = 	snop  }
0x6: {  	_ = 	snop  }
0x7: {  	_ = 	snop  }
__scs_overlays_trampoline_lowered:
0x8: {  	[smem:$0x3FA8] =	sst s0  }
0x9: {  	[smem:$0x3FA9] =	sst s1  }
0xa: {  	[smem:$0x3FAA] =	sst s2  }
0xb: {  	[smem:$0x3FAB] =	sst s3  }
0xc: {  	[smem:$0x3FAC] =	sst s4  }
0xd: {  	[smem:$0x3FAD] =	sst s5  }
0xe: {  	[smem:$0x3FAE] =	sst s6  }
0xf: {  	[smem:$0x3FAF] =	sst s7  }
0x10: {  	[smem:$0x3FB0] =	sst s8  }
0x11: {  	[smem:$0x3FB1] =	sst s9;
	s0 =	simm.s32 @!p0 $0x0  }
0x12: {  	s1 =	sld [smem:$0x3F97];
	s0 =	simm.s32 @p0 $0x1  }
0x13: {  	[smem:$0x3FB2] =	sst s0;
	s0 =	simm.s32 @!p1 $0x0  }
0x14: {  	s2 =	sld [smem:$0x3F96];
	s0 =	simm.s32 @p1 $0x1  }
0x15: {  	[smem:$0x3FB3] =	sst s0;
	s0 =	simm.s32 @!p2 $0x0  }
0x16: {  	s3 =	sld [smem:$0x3FDB];
	s0 =	simm.s32 @p2 $0x1  }
0x17: {  	s4 =	simm.s32 $0x1BF5;
	[smem:$0x3FB5] =	sst s0  }
0x18: {  	s0 =	sld [smem:$0x3F98];
	_ =	swait.ge [sflag:s4], $0x0  }
0x19: {  	s7 =	sld [smem:$0x3F99]  }
0x1a: {  	s8 =	sadd.s32 $0xFFFFE003, lr  }
0x1b: {  	s9 =	sadd.s32 $0xFFFFFEF7, lr;
	s5 =	simm.s32 $0xFFFFFFFF;
	p2 =	slt.u32 s8, $0xFFFFF086  }
0x1c: {  	p1 =	slt.u32 s9, $0xF7A;
	s5 =	simm.s32 @!p2 $0x0  }
0x1d: {  	s5 =	simm.s32 @p1 $0x1;
	p0 =	seq.s32 s7, s2  }
0x1e: {  	s7 =	smul.u32 @!p0 $0xF7A, s2;
	p2 =	seq.s32 @!p0 s5, $0x0  }
0x1f: {  	s9 =	smul.u32 $0xF7A, s1;
	s8 =	simm.s32 @!p0 $0x1BF5;
	p2 =	por !p2, p0  }
0x20: {  	[sflag:s8] =	ssyncset.s32 @!p0 $0xFFFFF086;
	s6 =	sadd.s32 @!p0 s3, s7;
	s7 =	simm.s32 @!p0 $0x108  }
0x21: {  	s3 =	sadd.s32 s3, s9;
	s6 =	sadd.s32 @!p0 $0x88, s6;
	s7 =	simm.s32 @p2 $0x1082  }
0x22: {  	[simem:s7], [sflag:s8] =	dma.local @!p0 [hbm:s6], $0xF7A  }
0x23: {  	s9 =	sor.u32 $0xD0000000, s2;
	s6 =	simm.s32 $0x108;
	_ =	swait.ge @!p0 [sflag:s8], $0x0  }
0x24: {  	s3 =	sadd.s32 $0x88, s3;
	s6 =	simm.s32 @!p1 $0x1082;
	[sflag:s4] =	ssyncset.s32 $0xFFFFF086  }
0x25: {  	[simem:s6], [sflag:s4] =	dma.local [hbm:s3], $0xF7A  }
0x26: {  	[smem:$0x3F99] =	sst s1;
	(tag) =	ssettag s2;
	_ =	strace s9  }
0x27: {  	s1 =	sld [smem:$0x3FA9]  }
0x28: {  	s2 =	sld [smem:$0x3FAA]  }
0x29: {  	s4 =	sld [smem:$0x3FAC]  }
0x2a: {  	p0 =	seq.s32 s5, $0x0;
	s5 =	sld [smem:$0x3FAD]  }
0x2b: {  	s6 =	sld [smem:$0x3FAE]  }
0x2c: {  	s7 =	sld [smem:$0x3FAF]  }
0x2d: {  	s3 =	simm.s32 $0x108;
	s8 =	sld [smem:$0x3FB0]  }
0x2e: {  	s3 =	simm.s32 @!p0 $0x1082;
	s9 =	sld [smem:$0x3FB1]  }
0x2f: {  	lr =	sadd.s32 s0, s3;
	s0 =	sld [smem:$0x3FA8]  }
0x30: {  	s3 =	sld [smem:$0x3FAB]  }
0x31: {  	[smem:$0x3FB4] =	sst s10  }
0x32: {  	s10 =	sld [smem:$0x3FB2];
	_ =	sdelay $0x3  }
0x33: {  	p0 =	seq.s32 s10, $0x1;
	s10 =	sld [smem:$0x3FB4];
	_ =	sdelay $0x3  }
0x34: {  	[smem:$0x3FB4] =	sst s10  }
0x35: {  	s10 =	sld [smem:$0x3FB3];
	_ =	sdelay $0x3  }
0x36: {  	p1 =	seq.s32 s10, $0x1;
	s10 =	sld [smem:$0x3FB4];
	_ =	sdelay $0x3  }
0x37: {  	[smem:$0x3FB4] =	sst s10  }
0x38: {  	s10 =	sld [smem:$0x3FB5]  }
0x39: {  	_ = 	snop;
	(pc) =	sbr.ind lr, $3  }
0x3a: {  	_ = 	snop  }
0x3b: {  	_ = 	snop  }
0x3c: {  	p2 =	seq.s32 s10, $0x1;
	s10 =	sld [smem:$0x3FB4]  }
0x3d: {  	_ =	shalt  }
0x3e: {  	_ =	shalt  }
0x3f: {  	_ =	shalt  }
0x40: {  	_ =	shalt  }
0x41: {  	_ =	shalt  }
0x42: {  	_ =	shalt  }
0x43: {  	_ =	shalt  }
0x44: {  	_ =	shalt  }
0x45: {  	_ =	shalt  }
0x46: {  	_ =	shalt  }
0x47: {  	_ =	shalt  }
0x48: {  	_ =	shalt  }
0x49: {  	_ =	shalt  }
0x4a: {  	_ =	shalt  }
0x4b: {  	_ =	shalt  }
0x4c: {  	_ =	shalt  }
0x4d: {  	_ =	shalt  }
0x4e: {  	_ =	shalt  }
0x4f: {  	_ =	shalt  }
0x50: {  	_ =	shalt  }
0x51: {  	_ =	shalt  }
0x52: {  	_ =	shalt  }
0x53: {  	_ =	shalt  }
0x54: {  	_ =	shalt  }
0x55: {  	_ =	shalt  }
0x56: {  	_ =	shalt  }
0x57: {  	_ =	shalt  }
0x58: {  	_ =	shalt  }
0x59: {  	_ =	shalt  }
0x5a: {  	_ =	shalt  }
0x5b: {  	_ =	shalt  }
0x5c: {  	_ =	shalt  }
0x5d: {  	_ =	shalt  }
0x5e: {  	_ =	shalt  }
0x5f: {  	_ =	shalt  }
0x60: {  	_ =	shalt  }
0x61: {  	_ =	shalt  }
0x62: {  	_ =	shalt  }
0x63: {  	_ =	shalt  }
0x64: {  	_ =	shalt  }
0x65: {  	_ =	shalt  }
0x66: {  	_ =	shalt  }
0x67: {  	_ =	shalt  }
0x68: {  	_ =	shalt  }
0x69: {  	_ =	shalt  }
0x6a: {  	_ =	shalt  }
0x6b: {  	_ =	shalt  }
0x6c: {  	_ =	shalt  }
0x6d: {  	_ =	shalt  }
0x6e: {  	_ =	shalt  }
0x6f: {  	_ =	shalt  }
0x70: {  	_ =	shalt  }
0x71: {  	_ =	shalt  }
0x72: {  	_ =	shalt  }
0x73: {  	_ =	shalt  }
0x74: {  	_ =	shalt  }
0x75: {  	_ =	shalt  }
0x76: {  	_ =	shalt  }
0x77: {  	_ =	shalt  }
0x78: {  	_ =	shalt  }
0x79: {  	_ =	shalt  }
0x7a: {  	_ =	shalt  }
0x7b: {  	_ =	shalt  }
0x7c: {  	_ =	shalt  }
0x7d: {  	_ =	shalt  }
0x7e: {  	_ =	shalt  }
0x7f: {  	_ =	shalt  }
0x80: {  	_ =	shalt  }
0x81: {  	_ =	shalt  }
0x82: {  	_ =	shalt  }
0x83: {  	_ =	shalt  }
0x84: {  	_ =	shalt  }
0x85: {  	_ =	shalt  }
0x86: {  	_ =	shalt  }
0x87: {  	_ =	shalt  }
.Lfunc_end0:
.L_simem_size_0:
called_computation.2_lowered:
.L_overlay_start_0:
0x88: {  	s2 =	sld [smem:$0x3FD9]  }
0x89: {  	s3 =	sld [smem:$0x3FFE];
	_ =	sdelay $0x1  }
0x8a: {  	s1 =	srdreg.scid  }
0x8b: {  	s0 =	sand.u32 $0x1, s1  }
0x8c: {  	s16 =	sshll.u32 s0, $0xA;
	s2 =	sadd.s32 s3, s2  }
0x8d: {  	s2 =	sadd.s32 s2, s16  }
0x8e: {  	[smem:$0x3FC0] =	sst s2  }
0x8f: {  	_ = 	snop  }
0x90: {  	(tm) =	ssettm $0x1  }
0x91: {  	s17 =	sld [smem:$0x3FFB];
	_ =	sdelay $0x3  }
0x92: {  	_ =	strace s17  }
0x93: {  	s2 =	sld [smem:$0x3FFC];
	_ =	sdelay $0x3  }
0x94: {  	_ =	strace s2  }
0x95: {  	s2 =	sld [smem:$0x3FFD];
	_ =	sdelay $0x3  }
0x96: {  	_ =	strace s2  }
0x97: {  	_ =	strace $0x8FFFFFFF  }
0x98: {  	s18 =	sld [smem:$0x3FDB];
	_ =	sdelay $0x1  }
0x99: {  	s19 =	simm.s32 $_scs_section_size  }
0x9a: {  	s4 =	simm.s32 $_size__tile_overlayer_lowered;
	s5 =	simm.s32 $_tile_overlayer_lowered  }
0x9b: {  	s22 =	simm.s32 $0x1BFF;
	s21 =	sshll.u32 s5, $0x1;
	s2 =	sadd.s32 s19, s18  }
0x9c: {  	s6 =	simm.s32 $0x0;
	s20 =	sshll.u32 s4, $0x1;
	s4 =	sadd.s32 s21, s2  }
0x9d: {  	[timem:s6], [sflag:s22] =	dma.local [hbm:s4], s20  }
0x9e: {  	_ =	swait.ge [sflag:s22], s20  }
0x9f: {  	s3 =	ssub.s32 $0x0, s20;
	[sflag:s22] =	ssyncset.done $0x0  }
0xa0: {  	[sflag:s22] =	ssyncadd.s32 s3;
	_ =	sdelay $0x1  }
0xa1: {  	s23 =	simm.s32 $0x1B8B  }
0xa2: {  	_ =	swait.ge [sflag:s23], $0x1  }
0xa3: {  	[sflag:s23] =	ssyncset.done $0x0  }
0xa4: {  	s25 =	simm.s32 $0x1B8E;
	s24 =	sld [smem:$0x3FFE];
	[sflag:s23] =	ssyncadd.s32 $0xFFFFFFFF  }
0xa5: {  	s26 =	simm.s32 $execute0_lowered;
	[smem:$0x3FD2] =	sst s25  }
0xa6: {  	s4 =	sshll.u32 s26, $0x1;
	_ =	strace $0x80000049;
	[dreg:$0x1] =	wrdreg $0xFFFFFFFF  }
0xa7: {  	s28 =	simm.s32 $_size_execute0_lowered;
	s2 =	sadd.s32 s2, s4;
	[dreg:$0x0] =	wrdreg $0x0  }
0xa8: {  	s4 =	sshll.u32 s28, $0x1;
	[dreg:$0x2] =	wrdreg s2  }
0xa9: {  	[dreg:$0x3] =	wrdreg s4  }
0xaa: {  	[dreg:$0x4] =	wrdreg $0xC0  }
0xab: {  	_ =	task [dreg:s6], $0x5FFFF  }
0xac: {  	[dreg:$0x1] =	wrdreg $0xFFFFFFFF  }
0xad: {  	[dreg:$0x0] =	wrdreg $0x60  }
0xae: {  	[dreg:$0x2] =	wrdreg s24  }
0xaf: {  	[dreg:$0x3] =	wrdreg $0x9  }
0xb0: {  	_ =	task.clear_ibuf [dreg:s6], $0x4FFFF;
	_ =	strace $0x90000049  }
0xb1: {  	s29 =	simm.s32 $0x9;
	_ =	strace $0x8000004B  }
0xb2: {  	_ =	swait.ge [sflag:s29], $0x1  }
0xb3: {  	[sflag:s29] =	ssyncadd.s32 $0xFFFFFFFF  }
0xb4: {  	_ =	strace $0x9000004B  }
0xb5: {  	_ =	sfence  }
0xb6: {  	s30 =	sld [smem:$0x0];
	_ =	sdelay $0x2  }
0xb7: {  	s31 =	sshll.u32 s1, $0xD;
	s1 =	sshrl.u32 s1, $0x2  }
0xb8: {  	s3 =	sand.u32 $0x4000, s31;
	s1 =	sadd.s32 s1, s30  }
0xb9: {  	s0 =	sor.u32 s3, s0;
	s1 =	sshll.u32 s1, $0x11  }
0xba: {  	s0 =	sor.u32 s1, s0  }
0xbb: {  	s0 =	sadd.s32 $0x8F2B, s0  }
0xbc: {  	[sflag:s0] =	ssyncadd.remote.s32 $0x1  }
0xbd: {  	_ =	sfence.sel $0xFFFF  }
0xbe: {  	[dreg:$0x0] =	wrdreg $0xFFFFFFFF;
	(pc) =	sbr.abs _section_cstart, $3  }
0xbf: {  	[dreg:$0x1] =	wrdreg $0xFFFFFFFF  }
0xc0: {  	_ =	task.clear_ibuf [dreg:s6], $0x2FFFF;
	_ =	strace $0x9FFFFFFF  }
0xc1: {  	(tm) =	ssettm $0x7FFFFFFF  }
tec
execute0_lowered:
.L_overlay_start_1:
0x0: {  	(tag) =	ssettag $0x1  }
0x1: {  	s0 =	srdreg.scid;
	s2 =	stileid.u32  }
0x2: {  	s1 =	rddreg [dreg:$0x0];
	s18 =	simm.s32 $0xC00;
	s19 =	simm.s32 $0x100  }
0x3: {  	s20 =	simm.s32 $0x1000;
	s22 =	simm.s32 $0x180;
	s23 =	simm.s32 $0x1400  }
0x4: {  	s24 =	simm.s32 $0x200;
	s25 =	simm.s32 $0x1800;
	s6 =	simm.s32 $0x2  }
0x5: {  	s26 =	simm.s32 $0x280;
	s7 =	simm.s32 $0x80;
	s31 =	simm.s32 $0x1C00  }
0x6: {  	s8 =	simm.s32 $0x800;
	s3 =	sshll.u32 s2, $0x10;
	s2 =	simm.s32 $0x0  }
0x7: {  	s9 =	simm.s32 $0x300;
	s10 =	simm.s32 $0x2000;
	[smem:$0x7FF] =	sst s2  }
0x8: {  	s11 =	simm.s32 $0x380;
	_ =	strace $0x8000004A;
	[dreg:$0x3] =	wrdreg s18  }
0x9: {  	s12 =	simm.s32 $0x2400;
	s13 =	simm.s32 $0x400;
	[dreg:$0x4] =	wrdreg s19  }
0xa: {  	s14 =	simm.s32 $0x2800;
	s15 =	simm.s32 $0x480;
	[dreg:$0x5] =	wrdreg s20  }
0xb: {  	s16 =	simm.s32 $0x2C00;
	s17 =	simm.s32 $0x500;
	[dreg:$0x6] =	wrdreg s22  }
0xc: {  	s28 =	simm.s32 $0x780;
	s29 =	simm.s32 $0x4400;
	[dreg:$0x7] =	wrdreg s23  }
0xd: {  	s30 =	simm.s32 $0x1;
	s0 =	sand.u32 $0x1, s0;
	[dreg:$0x8] =	wrdreg s24  }
0xe: {  	s4 =	sshll.u32 s0, $0xF;
	s0 =	ssub.s32 $0x2, s0;
	[dreg:$0x9] =	wrdreg s25  }
0xf: {  	s4 =	sor.u32 s4, s3;
	s21 =	sshrl.u32 s0, $0x1;
	[dreg:$0xa] =	wrdreg s26  }
0x10: {  	[dreg:$0xb] =	wrdreg s31;
	s18 =	simm.s32 $0x3000;
	s19 =	simm.s32 $0x580  }
0x11: {  	s20 =	simm.s32 $0x3400;
	s22 =	simm.s32 $0x3800;
	s23 =	simm.s32 $0x680  }
0x12: {  	s24 =	simm.s32 $0x3C00;
	s25 =	simm.s32 $0x700;
	s3 =	sshrl.u32 s4, $0x3  }
0x13: {  	s0 =	ssub.s32 s0, s21;
	s5 =	sadd.s32 s3, s1;
	s3 =	sadd.s32 $0x20000, s1  }
0x14: {  	s1 =	sadd.s32 s4, s1;
	s0 =	smax.u32 s0, $0x1;
	[dreg:$0x2] =	wrdreg s5  }
0x15: {  	s26 =	simm.s32 $0x4000;
	[dreg:$0xc] =	wrdreg s0;
	s1 =	sadd.s32 $0x3D600, s1  }
0x16: {  	s21 =	simm.s32 $0x600;
	[dreg:$0xd] =	wrdreg s1;
	s1 =	simm.s32 $0x0  }
.LBB2_1:
0x17: {  	s0 =	rddreg [dreg:$0x2]  }
0x18: {  	[dreg:$0xe] =	wrdreg s1;
	s0 =	sadd.s32 $0x0, s0  }
0x19: {  	[tilespmem:s2], [sflag:$0x2] =	stream.linear.gather [hbm4b:s0+s2], $0x800, $0x38;
	[tilespmem:$0x4800] =	vst v63  }
0x1a: {  	_ =	swait.ge [sflag:s6], $0x800  }
0x1b: {  	s0 =	rddreg [dreg:$0x4]  }
0x1c: {  	[sflag:s6] =	ssyncset.done $0x0;
	s31 =	rddreg [dreg:$0x3]  }
0x1d: {  	s5 =	rddreg [dreg:$0x5];
	[sflag:s6] =	ssyncadd.s32 $0xFFFFF800  }
0x1e: {  	[tilespmem:s8], [sflag:$0x1] =	stream.indirect.gather [hbm4b:s3+s7], $0x8, s2, s7, $0xb8;
	[tilespmem:$0x4800] =	vst v63  }
0x1f: {  	s4 =	rddreg [dreg:$0x7]  }
0x20: {  	[tilespmem:s31], [sflag:$0x1] =	stream.indirect.gather [hbm4b:s3+s7], $0x8, s7, s7, $0xb8;
	[tilespmem:$0x4800] =	vst v63  }
0x21: {  	s31 =	rddreg [dreg:$0x6]  }
0x22: {  	[tilespmem:s5], [sflag:$0x1] =	stream.indirect.gather [hbm4b:s3+s7], $0x8, s0, s7, $0xb8;
	[tilespmem:$0x4800] =	vst v63  }
0x23: {  	s0 =	rddreg [dreg:$0x9]  }
0x24: {  	s5 =	rddreg [dreg:$0x8]  }
0x25: {  	[tilespmem:s4], [sflag:$0x1] =	stream.indirect.gather [hbm4b:s3+s7], $0x8, s31, s7, $0xb8;
	[tilespmem:$0x4800] =	vst v63  }
0x26: {  	s4 =	rddreg [dreg:$0xb]  }
0x27: {  	[tilespmem:s0], [sflag:$0x1] =	stream.indirect.gather [hbm4b:s3+s7], $0x8, s5, s7, $0xb8;
	[tilespmem:$0x4800] =	vst v63  }
0x28: {  	s31 =	rddreg [dreg:$0xa]  }
0x29: {  	[tilespmem:s4], [sflag:$0x1] =	stream.indirect.gather [hbm4b:s3+s7], $0x8, s31, s7, $0xb8;
	[tilespmem:$0x4800] =	vst v63  }
0x2a: {  	_ = 	snop  }
0x2b: {  	[tilespmem:s10], [sflag:$0x1] =	stream.indirect.gather [hbm4b:s3+s7], $0x8, s9, s7, $0xb8;
	[tilespmem:$0x4800] =	vst v63  }
0x2c: {  	_ = 	snop  }
0x2d: {  	[tilespmem:s12], [sflag:$0x1] =	stream.indirect.gather [hbm4b:s3+s7], $0x8, s11, s7, $0xb8;
	[tilespmem:$0x4800] =	vst v63  }
0x2e: {  	_ = 	snop  }
0x2f: {  	[tilespmem:s14], [sflag:$0x1] =	stream.indirect.gather [hbm4b:s3+s7], $0x8, s13, s7, $0xb8;
	[tilespmem:$0x4800] =	vst v63  }
0x30: {  	_ = 	snop  }
0x31: {  	[tilespmem:s16], [sflag:$0x1] =	stream.indirect.gather [hbm4b:s3+s7], $0x8, s15, s7, $0xb8;
	[tilespmem:$0x4800] =	vst v63  }
0x32: {  	_ = 	snop  }
0x33: {  	[tilespmem:s18], [sflag:$0x1] =	stream.indirect.gather [hbm4b:s3+s7], $0x8, s17, s7, $0xb8;
	[tilespmem:$0x4800] =	vst v63  }
0x34: {  	_ = 	snop  }
0x35: {  	[tilespmem:s20], [sflag:$0x1] =	stream.indirect.gather [hbm4b:s3+s7], $0x8, s19, s7, $0xb8;
	[tilespmem:$0x4800] =	vst v63  }
0x36: {  	_ = 	snop  }
0x37: {  	[tilespmem:s22], [sflag:$0x1] =	stream.indirect.gather [hbm4b:s3+s7], $0x8, s21, s7, $0xb8;
	[tilespmem:$0x4800] =	vst v63  }
0x38: {  	_ = 	snop  }
0x39: {  	[tilespmem:s24], [sflag:$0x1] =	stream.indirect.gather [hbm4b:s3+s7], $0x8, s23, s7, $0xb8;
	[tilespmem:$0x4800] =	vst v63  }
0x3a: {  	_ = 	snop  }
0x3b: {  	[tilespmem:s26], [sflag:$0x1] =	stream.indirect.gather [hbm4b:s3+s7], $0x8, s25, s7, $0xb8;
	[tilespmem:$0x4800] =	vst v63  }
0x3c: {  	_ = 	snop  }
0x3d: {  	[tilespmem:s29], [sflag:$0x1] =	stream.indirect.gather [hbm4b:s3+s7], $0x8, s28, s7, $0xb8;
	[tilespmem:$0x4800] =	vst v63  }
0x3e: {  	_ =	swait.ge [sflag:s30], $0x400  }
0x3f: {  	[sflag:s30] =	ssyncset.done $0x0  }
0x40: {  	[sflag:s30] =	ssyncadd.s32 $0xFFFFFC00  }
0x41: {  	_ =	swait.ge [sflag:s30], $0x400  }
0x42: {  	[sflag:s30] =	ssyncset.done $0x0  }
0x43: {  	[sflag:s30] =	ssyncadd.s32 $0xFFFFFC00  }
0x44: {  	_ =	swait.ge [sflag:s30], $0x400  }
0x45: {  	[sflag:s30] =	ssyncset.done $0x0  }
0x46: {  	[sflag:s30] =	ssyncadd.s32 $0xFFFFFC00  }
0x47: {  	_ =	swait.ge [sflag:s30], $0x400  }
0x48: {  	[sflag:s30] =	ssyncset.done $0x0  }
0x49: {  	[sflag:s30] =	ssyncadd.s32 $0xFFFFFC00  }
0x4a: {  	_ =	swait.ge [sflag:s30], $0x400  }
0x4b: {  	[sflag:s30] =	ssyncset.done $0x0  }
0x4c: {  	[sflag:s30] =	ssyncadd.s32 $0xFFFFFC00  }
0x4d: {  	_ =	swait.ge [sflag:s30], $0x400  }
0x4e: {  	[sflag:s30] =	ssyncset.done $0x0  }
0x4f: {  	[sflag:s30] =	ssyncadd.s32 $0xFFFFFC00  }
0x50: {  	_ =	swait.ge [sflag:s30], $0x400  }
0x51: {  	[sflag:s30] =	ssyncset.done $0x0  }
0x52: {  	[sflag:s30] =	ssyncadd.s32 $0xFFFFFC00  }
0x53: {  	_ =	swait.ge [sflag:s30], $0x400  }
0x54: {  	[sflag:s30] =	ssyncset.done $0x0  }
0x55: {  	[sflag:s30] =	ssyncadd.s32 $0xFFFFFC00  }
0x56: {  	_ =	swait.ge [sflag:s30], $0x400  }
0x57: {  	[sflag:s30] =	ssyncset.done $0x0  }
0x58: {  	[sflag:s30] =	ssyncadd.s32 $0xFFFFFC00  }
0x59: {  	_ =	swait.ge [sflag:s30], $0x400  }
0x5a: {  	[sflag:s30] =	ssyncset.done $0x0  }
0x5b: {  	[sflag:s30] =	ssyncadd.s32 $0xFFFFFC00  }
0x5c: {  	_ =	swait.ge [sflag:s30], $0x400  }
0x5d: {  	[sflag:s30] =	ssyncset.done $0x0  }
0x5e: {  	[sflag:s30] =	ssyncadd.s32 $0xFFFFFC00  }
0x5f: {  	_ =	swait.ge [sflag:s30], $0x400  }
0x60: {  	[sflag:s30] =	ssyncset.done $0x0  }
0x61: {  	[sflag:s30] =	ssyncadd.s32 $0xFFFFFC00  }
0x62: {  	_ =	swait.ge [sflag:s30], $0x400  }
0x63: {  	[sflag:s30] =	ssyncset.done $0x0  }
0x64: {  	[sflag:s30] =	ssyncadd.s32 $0xFFFFFC00  }
0x65: {  	_ =	swait.ge [sflag:s30], $0x400  }
0x66: {  	[sflag:s30] =	ssyncset.done $0x0  }
0x67: {  	[sflag:s30] =	ssyncadd.s32 $0xFFFFFC00  }
0x68: {  	_ =	swait.ge [sflag:s30], $0x400  }
0x69: {  	[sflag:s30] =	ssyncset.done $0x0  }
0x6a: {  	[sflag:s30] =	ssyncadd.s32 $0xFFFFFC00  }
0x6b: {  	_ =	swait.ge [sflag:s30], $0x400  }
0x6c: {  	[sflag:s30] =	ssyncset.done $0x0;
	s5 =	rddreg [dreg:$0xd]  }
0x6d: {  	s1 =	simm.s32 $0x100;
	[sflag:s30] =	ssyncadd.s32 $0xFFFFFC00;
	s0 =	sadd.s32 $0x800, s5  }
.LBB2_2:
0x6e: {  	[hbm4b:s5+s2] =	stream.linear.scatter [tilespmem:s8], [sflag:$0x2], $0x4000, $0x38;
	[tilespmem:$0x4800] =	vst v63  }
0x6f: {  	_ =	swait.ge [sflag:s6], $0x4000  }
0x70: {  	s4 =	smov.u32 s1;
	s31 =	rddreg [dreg:$0x2];
	[sflag:s6] =	ssyncset.done $0x0  }
0x71: {  	[sflag:s6] =	ssyncadd.s32 $0xFFFFC000;
	s4 =	sadd.s32 s4, s31  }
0x72: {  	[tilespmem:s2], [sflag:$0x2] =	stream.linear.gather [hbm4b:s4+s2], $0x800, $0x38;
	[tilespmem:$0x4800] =	vst v63  }
0x73: {  	_ =	swait.ge [sflag:s6], $0x800  }
0x74: {  	s4 =	rddreg [dreg:$0xb]  }
0x75: {  	s31 =	rddreg [dreg:$0x9]  }
0x76: {  	[sflag:s6] =	ssyncset.done $0x0;
	s9 =	rddreg [dreg:$0x4]  }
0x77: {  	s10 =	rddreg [dreg:$0x3];
	[sflag:s6] =	ssyncadd.s32 $0xFFFFF800  }
0x78: {  	[tilespmem:s8], [sflag:$0x1] =	stream.indirect.gather [hbm4b:s3+s7], $0x8, s2, s7, $0xb8;
	[tilespmem:$0x4800] =	vst v63  }
0x79: {  	s11 =	rddreg [dreg:$0x5]  }
0x7a: {  	[tilespmem:s10], [sflag:$0x1] =	stream.indirect.gather [hbm4b:s3+s7], $0x8, s7, s7, $0xb8;
	[tilespmem:$0x4800] =	vst v63  }
0x7b: {  	s12 =	rddreg [dreg:$0x7]  }
0x7c: {  	[tilespmem:s11], [sflag:$0x1] =	stream.indirect.gather [hbm4b:s3+s7], $0x8, s9, s7, $0xb8;
	[tilespmem:$0x4800] =	vst v63  }
0x7d: {  	s10 =	rddreg [dreg:$0x6]  }
0x7e: {  	[tilespmem:s12], [sflag:$0x1] =	stream.indirect.gather [hbm4b:s3+s7], $0x8, s10, s7, $0xb8;
	[tilespmem:$0x4800] =	vst v63  }
0x7f: {  	s9 =	rddreg [dreg:$0x8]  }
0x80: {  	[tilespmem:s31], [sflag:$0x1] =	stream.indirect.gather [hbm4b:s3+s7], $0x8, s9, s7, $0xb8;
	[tilespmem:$0x4800] =	vst v63  }
0x81: {  	s10 =	rddreg [dreg:$0xa]  }
0x82: {  	[tilespmem:s4], [sflag:$0x1] =	stream.indirect.gather [hbm4b:s3+s7], $0x8, s10, s7, $0xb8;
	[tilespmem:$0x4800] =	vst v63  }
0x83: {  	s9 =	simm.s32 $0x300;
	s10 =	simm.s32 $0x2000  }
0x84: {  	[tilespmem:s10], [sflag:$0x1] =	stream.indirect.gather [hbm4b:s3+s7], $0x8, s9, s7, $0xb8;
	[tilespmem:$0x4800] =	vst v63  }
0x85: {  	s11 =	simm.s32 $0x380;
	s12 =	simm.s32 $0x2400  }
0x86: {  	[tilespmem:s12], [sflag:$0x1] =	stream.indirect.gather [hbm4b:s3+s7], $0x8, s11, s7, $0xb8;
	[tilespmem:$0x4800] =	vst v63  }
0x87: {  	_ = 	snop  }
0x88: {  	[tilespmem:s14], [sflag:$0x1] =	stream.indirect.gather [hbm4b:s3+s7], $0x8, s13, s7, $0xb8;
	[tilespmem:$0x4800] =	vst v63  }
0x89: {  	_ = 	snop  }
0x8a: {  	[tilespmem:s16], [sflag:$0x1] =	stream.indirect.gather [hbm4b:s3+s7], $0x8, s15, s7, $0xb8;
	[tilespmem:$0x4800] =	vst v63  }
0x8b: {  	_ = 	snop  }
0x8c: {  	[tilespmem:s18], [sflag:$0x1] =	stream.indirect.gather [hbm4b:s3+s7], $0x8, s17, s7, $0xb8;
	[tilespmem:$0x4800] =	vst v63  }
0x8d: {  	_ = 	snop  }
0x8e: {  	[tilespmem:s20], [sflag:$0x1] =	stream.indirect.gather [hbm4b:s3+s7], $0x8, s19, s7, $0xb8;
	[tilespmem:$0x4800] =	vst v63  }
0x8f: {  	_ = 	snop  }
0x90: {  	[tilespmem:s22], [sflag:$0x1] =	stream.indirect.gather [hbm4b:s3+s7], $0x8, s21, s7, $0xb8;
	[tilespmem:$0x4800] =	vst v63  }
0x91: {  	_ = 	snop  }
0x92: {  	[tilespmem:s24], [sflag:$0x1] =	stream.indirect.gather [hbm4b:s3+s7], $0x8, s23, s7, $0xb8;
	[tilespmem:$0x4800] =	vst v63  }
0x93: {  	_ = 	snop  }
0x94: {  	[tilespmem:s26], [sflag:$0x1] =	stream.indirect.gather [hbm4b:s3+s7], $0x8, s25, s7, $0xb8;
	[tilespmem:$0x4800] =	vst v63  }
0x95: {  	_ = 	snop  }
0x96: {  	[tilespmem:s29], [sflag:$0x1] =	stream.indirect.gather [hbm4b:s3+s7], $0x8, s28, s7, $0xb8;
	[tilespmem:$0x4800] =	vst v63  }
0x97: {  	_ =	swait.ge [sflag:s30], $0x400  }
0x98: {  	[sflag:s30] =	ssyncset.done $0x0  }
0x99: {  	[sflag:s30] =	ssyncadd.s32 $0xFFFFFC00  }
0x9a: {  	_ =	swait.ge [sflag:s30], $0x400  }
0x9b: {  	[sflag:s30] =	ssyncset.done $0x0  }
0x9c: {  	[sflag:s30] =	ssyncadd.s32 $0xFFFFFC00  }
0x9d: {  	_ =	swait.ge [sflag:s30], $0x400  }
0x9e: {  	[sflag:s30] =	ssyncset.done $0x0  }
0x9f: {  	[sflag:s30] =	ssyncadd.s32 $0xFFFFFC00  }
0xa0: {  	_ =	swait.ge [sflag:s30], $0x400  }
0xa1: {  	[sflag:s30] =	ssyncset.done $0x0  }
0xa2: {  	[sflag:s30] =	ssyncadd.s32 $0xFFFFFC00  }
0xa3: {  	_ =	swait.ge [sflag:s30], $0x400  }
0xa4: {  	[sflag:s30] =	ssyncset.done $0x0  }
0xa5: {  	[sflag:s30] =	ssyncadd.s32 $0xFFFFFC00  }
0xa6: {  	_ =	swait.ge [sflag:s30], $0x400  }
0xa7: {  	[sflag:s30] =	ssyncset.done $0x0  }
0xa8: {  	[sflag:s30] =	ssyncadd.s32 $0xFFFFFC00  }
0xa9: {  	_ =	swait.ge [sflag:s30], $0x400  }
0xaa: {  	[sflag:s30] =	ssyncset.done $0x0  }
0xab: {  	[sflag:s30] =	ssyncadd.s32 $0xFFFFFC00  }
0xac: {  	_ =	swait.ge [sflag:s30], $0x400  }
0xad: {  	[sflag:s30] =	ssyncset.done $0x0  }
0xae: {  	[sflag:s30] =	ssyncadd.s32 $0xFFFFFC00  }
0xaf: {  	_ =	swait.ge [sflag:s30], $0x400  }
0xb0: {  	[sflag:s30] =	ssyncset.done $0x0  }
0xb1: {  	[sflag:s30] =	ssyncadd.s32 $0xFFFFFC00  }
0xb2: {  	_ =	swait.ge [sflag:s30], $0x400  }
0xb3: {  	[sflag:s30] =	ssyncset.done $0x0  }
0xb4: {  	[sflag:s30] =	ssyncadd.s32 $0xFFFFFC00  }
0xb5: {  	_ =	swait.ge [sflag:s30], $0x400  }
0xb6: {  	[sflag:s30] =	ssyncset.done $0x0  }
0xb7: {  	[sflag:s30] =	ssyncadd.s32 $0xFFFFFC00  }
0xb8: {  	_ =	swait.ge [sflag:s30], $0x400  }
0xb9: {  	[sflag:s30] =	ssyncset.done $0x0  }
0xba: {  	[sflag:s30] =	ssyncadd.s32 $0xFFFFFC00  }
0xbb: {  	_ =	swait.ge [sflag:s30], $0x400  }
0xbc: {  	[sflag:s30] =	ssyncset.done $0x0  }
0xbd: {  	[sflag:s30] =	ssyncadd.s32 $0xFFFFFC00  }
0xbe: {  	_ =	swait.ge [sflag:s30], $0x400  }
0xbf: {  	[sflag:s30] =	ssyncset.done $0x0  }
0xc0: {  	[sflag:s30] =	ssyncadd.s32 $0xFFFFFC00  }
0xc1: {  	p0 =	sne.s32 s1, $0xF00;
	_ =	swait.ge [sflag:s30], $0x400  }
.Ltmp0:
0xc2: {  	[sflag:s30] =	ssyncset.done $0x0;
	(pc) =	sbr.rel @p0 .LBB2_2-.Ltmp0, $4  }
0xc3: {  	[sflag:s30] =	ssyncadd.s32 $0xFFFFFC00  }
0xc4: {  	_ =	swait.ge [sflag:s30], $0x400  }
0xc5: {  	s5 =	smov.u32 s0;
	[sflag:s30] =	ssyncset.done $0x0  }
0xc6: {  	s1 =	sadd.s32 $0x100, s1;
	s0 =	sadd.s32 $0x800, s0;
	[sflag:s30] =	ssyncadd.s32 $0xFFFFFC00  }
0xc7: {  	[hbm4b:s5+s2] =	stream.linear.scatter [tilespmem:s8], [sflag:$0x2], $0x4000, $0x38;
	[tilespmem:$0x4800] =	vst v63  }
0xc8: {  	_ =	swait.ge [sflag:s6], $0x4000  }
0xc9: {  	s1 =	rddreg [dreg:$0xe]  }
0xca: {  	s0 =	rddreg [dreg:$0xc];
	s1 =	sadd.s32 $0x1, s1  }
0xcb: {  	p0 =	sne.s32 s1, s0  }
.Ltmp1:
0xcc: {  	_ = 	snop;
	(pc) =	sbr.rel @p0 .LBB2_1-.Ltmp1, $3  }
0xcd: {  	_ =	sdelay $0x1  }
0xce: {  	[sflag:s6] =	ssyncset.done $0x0  }
0xcf: {  	[sflag:s6] =	ssyncadd.s32 $0xFFFFC000  }
0xd0: {  	_ =	sfence.sel $0x180000  }
0xd1: {  	[bflag:$0x0] =	sbarrier.arrive $0xFFFF  }
0xd2: {  	_ =	strace $0x9000004A  }
0xd3: {  	s0 =	stileid.u32;
	[bflag:$0x2] =	sbarrier.arrive $0xFFFF  }
0xd4: {  	p0 =	sne.s32 s0, $0x0;
	s0 =	rddreg [dreg:$0x1]  }
0xd5: {  	s0 =	sadd.s32 @!p0 $0x100000, s0  }
0xd6: {  	[sflag:s0] =	ssyncadd.tile.s32 @!p0 $0x1;
	_ =	shalt  }
.Lfunc_end2:
_tile_overlayer_lowered:
.L_overlay_start_2:
0xd7: {  	(tag) =	ssettag $0x2  }
0xd8: {  	s0 =	rddreg [dreg:$0x0];
	s2 =	stileid.u32  }
0xd9: {  	s1 =	rddreg [dreg:$0x1];
	p0 =	sne.s32 s2, $0x0  }
0xda: {  	s3 =	rddreg [dreg:$0x2];
	[bflag:$0x3] =	sbarrier.arrive $0xFFFF;
	s2 =	simm.s32 @!p0 $0x1C02  }
0xdb: {  	[timem:s3], [sflag:s2] =	dma.local @!p0 [hbm:s0], s1  }
0xdc: {  	s0 =	simm.s32 @!p0 $0x2  }
0xdd: {  	_ =	swait.ge @!p0 [sflag:s0], s1  }
0xde: {  	s1 =	ssub.s32 @!p0 $0x0, s1;
	[sflag:s0] =	ssyncset.done @!p0 $0x0  }
0xdf: {  	[sflag:s0] =	ssyncadd.s32 @!p0 s1  }
0xe0: {  	[bflag:$0x3] =	sbarrier.arrive $0xFFFF  }
0xe1: {  	_ =	shalt  }

// kernel: scatter_offload_async_start
scs
__scs_entry_jumppad:
0x0: {  	(pc) =	sbr.rel $0x88, $3  }
0x1: {  	(tag) =	ssettag $0x0;
	lr =	simm.s32 $0x1  }
0x2: {  	[smem:$0x3F99] =	sst lr;
	_ =	strace $0xD0000000  }
0x3: {  	_ = 	snop  }
0x4: {  	_ = 	snop  }
0x5: {  	_ = 	snop  }
0x6: {  	_ = 	snop  }
0x7: {  	_ = 	snop  }
__scs_overlays_trampoline_lowered:
0x8: {  	[smem:$0x3FA8] =	sst s0  }
0x9: {  	[smem:$0x3FA9] =	sst s1  }
0xa: {  	[smem:$0x3FAA] =	sst s2  }
0xb: {  	[smem:$0x3FAB] =	sst s3  }
0xc: {  	[smem:$0x3FAC] =	sst s4  }
0xd: {  	[smem:$0x3FAD] =	sst s5  }
0xe: {  	[smem:$0x3FAE] =	sst s6  }
0xf: {  	[smem:$0x3FAF] =	sst s7  }
0x10: {  	[smem:$0x3FB0] =	sst s8  }
0x11: {  	[smem:$0x3FB1] =	sst s9;
	s0 =	simm.s32 @!p0 $0x0  }
0x12: {  	s1 =	sld [smem:$0x3F97];
	s0 =	simm.s32 @p0 $0x1  }
0x13: {  	[smem:$0x3FB2] =	sst s0;
	s0 =	simm.s32 @!p1 $0x0  }
0x14: {  	s2 =	sld [smem:$0x3F96];
	s0 =	simm.s32 @p1 $0x1  }
0x15: {  	[smem:$0x3FB3] =	sst s0;
	s0 =	simm.s32 @!p2 $0x0  }
0x16: {  	s3 =	sld [smem:$0x3FDB];
	s0 =	simm.s32 @p2 $0x1  }
0x17: {  	s4 =	simm.s32 $0x1BF5;
	[smem:$0x3FB5] =	sst s0  }
0x18: {  	s0 =	sld [smem:$0x3F98];
	_ =	swait.ge [sflag:s4], $0x0  }
0x19: {  	s7 =	sld [smem:$0x3F99]  }
0x1a: {  	s8 =	sadd.s32 $0xFFFFE003, lr  }
0x1b: {  	s9 =	sadd.s32 $0xFFFFFEF7, lr;
	s5 =	simm.s32 $0xFFFFFFFF;
	p2 =	slt.u32 s8, $0xFFFFF086  }
0x1c: {  	p1 =	slt.u32 s9, $0xF7A;
	s5 =	simm.s32 @!p2 $0x0  }
0x1d: {  	s5 =	simm.s32 @p1 $0x1;
	p0 =	seq.s32 s7, s2  }
0x1e: {  	s7 =	smul.u32 @!p0 $0xF7A, s2;
	p2 =	seq.s32 @!p0 s5, $0x0  }
0x1f: {  	s9 =	smul.u32 $0xF7A, s1;
	s8 =	simm.s32 @!p0 $0x1BF5;
	p2 =	por !p2, p0  }
0x20: {  	[sflag:s8] =	ssyncset.s32 @!p0 $0xFFFFF086;
	s6 =	sadd.s32 @!p0 s3, s7;
	s7 =	simm.s32 @!p0 $0x108  }
0x21: {  	s3 =	sadd.s32 s3, s9;
	s6 =	sadd.s32 @!p0 $0x88, s6;
	s7 =	simm.s32 @p2 $0x1082  }
0x22: {  	[simem:s7], [sflag:s8] =	dma.local @!p0 [hbm:s6], $0xF7A  }
0x23: {  	s9 =	sor.u32 $0xD0000000, s2;
	s6 =	simm.s32 $0x108;
	_ =	swait.ge @!p0 [sflag:s8], $0x0  }
0x24: {  	s3 =	sadd.s32 $0x88, s3;
	s6 =	simm.s32 @!p1 $0x1082;
	[sflag:s4] =	ssyncset.s32 $0xFFFFF086  }
0x25: {  	[simem:s6], [sflag:s4] =	dma.local [hbm:s3], $0xF7A  }
0x26: {  	[smem:$0x3F99] =	sst s1;
	(tag) =	ssettag s2;
	_ =	strace s9  }
0x27: {  	s1 =	sld [smem:$0x3FA9]  }
0x28: {  	s2 =	sld [smem:$0x3FAA]  }
0x29: {  	s4 =	sld [smem:$0x3FAC]  }
0x2a: {  	p0 =	seq.s32 s5, $0x0;
	s5 =	sld [smem:$0x3FAD]  }
0x2b: {  	s6 =	sld [smem:$0x3FAE]  }
0x2c: {  	s7 =	sld [smem:$0x3FAF]  }
0x2d: {  	s3 =	simm.s32 $0x108;
	s8 =	sld [smem:$0x3FB0]  }
0x2e: {  	s3 =	simm.s32 @!p0 $0x1082;
	s9 =	sld [smem:$0x3FB1]  }
0x2f: {  	lr =	sadd.s32 s0, s3;
	s0 =	sld [smem:$0x3FA8]  }
0x30: {  	s3 =	sld [smem:$0x3FAB]  }
0x31: {  	[smem:$0x3FB4] =	sst s10  }
0x32: {  	s10 =	sld [smem:$0x3FB2];
	_ =	sdelay $0x3  }
0x33: {  	p0 =	seq.s32 s10, $0x1;
	s10 =	sld [smem:$0x3FB4];
	_ =	sdelay $0x3  }
0x34: {  	[smem:$0x3FB4] =	sst s10  }
0x35: {  	s10 =	sld [smem:$0x3FB3];
	_ =	sdelay $0x3  }
0x36: {  	p1 =	seq.s32 s10, $0x1;
	s10 =	sld [smem:$0x3FB4];
	_ =	sdelay $0x3  }
0x37: {  	[smem:$0x3FB4] =	sst s10  }
0x38: {  	s10 =	sld [smem:$0x3FB5]  }
0x39: {  	_ = 	snop;
	(pc) =	sbr.ind lr, $3  }
0x3a: {  	_ = 	snop  }
0x3b: {  	_ = 	snop  }
0x3c: {  	p2 =	seq.s32 s10, $0x1;
	s10 =	sld [smem:$0x3FB4]  }
0x3d: {  	_ =	shalt  }
0x3e: {  	_ =	shalt  }
0x3f: {  	_ =	shalt  }
0x40: {  	_ =	shalt  }
0x41: {  	_ =	shalt  }
0x42: {  	_ =	shalt  }
0x43: {  	_ =	shalt  }
0x44: {  	_ =	shalt  }
0x45: {  	_ =	shalt  }
0x46: {  	_ =	shalt  }
0x47: {  	_ =	shalt  }
0x48: {  	_ =	shalt  }
0x49: {  	_ =	shalt  }
0x4a: {  	_ =	shalt  }
0x4b: {  	_ =	shalt  }
0x4c: {  	_ =	shalt  }
0x4d: {  	_ =	shalt  }
0x4e: {  	_ =	shalt  }
0x4f: {  	_ =	shalt  }
0x50: {  	_ =	shalt  }
0x51: {  	_ =	shalt  }
0x52: {  	_ =	shalt  }
0x53: {  	_ =	shalt  }
0x54: {  	_ =	shalt  }
0x55: {  	_ =	shalt  }
0x56: {  	_ =	shalt  }
0x57: {  	_ =	shalt  }
0x58: {  	_ =	shalt  }
0x59: {  	_ =	shalt  }
0x5a: {  	_ =	shalt  }
0x5b: {  	_ =	shalt  }
0x5c: {  	_ =	shalt  }
0x5d: {  	_ =	shalt  }
0x5e: {  	_ =	shalt  }
0x5f: {  	_ =	shalt  }
0x60: {  	_ =	shalt  }
0x61: {  	_ =	shalt  }
0x62: {  	_ =	shalt  }
0x63: {  	_ =	shalt  }
0x64: {  	_ =	shalt  }
0x65: {  	_ =	shalt  }
0x66: {  	_ =	shalt  }
0x67: {  	_ =	shalt  }
0x68: {  	_ =	shalt  }
0x69: {  	_ =	shalt  }
0x6a: {  	_ =	shalt  }
0x6b: {  	_ =	shalt  }
0x6c: {  	_ =	shalt  }
0x6d: {  	_ =	shalt  }
0x6e: {  	_ =	shalt  }
0x6f: {  	_ =	shalt  }
0x70: {  	_ =	shalt  }
0x71: {  	_ =	shalt  }
0x72: {  	_ =	shalt  }
0x73: {  	_ =	shalt  }
0x74: {  	_ =	shalt  }
0x75: {  	_ =	shalt  }
0x76: {  	_ =	shalt  }
0x77: {  	_ =	shalt  }
0x78: {  	_ =	shalt  }
0x79: {  	_ =	shalt  }
0x7a: {  	_ =	shalt  }
0x7b: {  	_ =	shalt  }
0x7c: {  	_ =	shalt  }
0x7d: {  	_ =	shalt  }
0x7e: {  	_ =	shalt  }
0x7f: {  	_ =	shalt  }
0x80: {  	_ =	shalt  }
0x81: {  	_ =	shalt  }
0x82: {  	_ =	shalt  }
0x83: {  	_ =	shalt  }
0x84: {  	_ =	shalt  }
0x85: {  	_ =	shalt  }
0x86: {  	_ =	shalt  }
0x87: {  	_ =	shalt  }
.Lfunc_end0:
.L_simem_size_0:
called_computation_lowered:
.L_overlay_start_0:
0x88: {  	s2 =	sld [smem:$0x3FD9]  }
0x89: {  	s3 =	sld [smem:$0x3FFE];
	_ =	sdelay $0x1  }
0x8a: {  	s1 =	srdreg.scid  }
0x8b: {  	s0 =	sand.u32 $0x1, s1  }
0x8c: {  	s16 =	sshll.u32 s0, $0xA;
	s2 =	sadd.s32 s3, s2  }
0x8d: {  	s2 =	sadd.s32 s2, s16  }
0x8e: {  	[smem:$0x3FC0] =	sst s2  }
0x8f: {  	_ = 	snop  }
0x90: {  	s2 =	sld [smem:$0x3FC6];
	(tm) =	ssettm $0x1  }
0x91: {  	s17 =	sld [smem:$0x3FFB];
	_ =	sdelay $0x3  }
0x92: {  	_ =	strace s17  }
0x93: {  	s3 =	sld [smem:$0x3FFC];
	_ =	sdelay $0x3  }
0x94: {  	_ =	strace s3  }
0x95: {  	s3 =	sld [smem:$0x3FFD];
	_ =	sdelay $0x3  }
0x96: {  	_ =	strace s3  }
0x97: {  	_ =	strace $0x8FFFFFFF  }
0x98: {  	s18 =	sld [smem:$0x3FDB];
	_ =	sdelay $0x1  }
0x99: {  	s4 =	simm.s32 $_scs_section_size  }
0x9a: {  	s5 =	simm.s32 $_size__tile_overlayer_lowered;
	s6 =	simm.s32 $_tile_overlayer_lowered  }
0x9b: {  	s21 =	simm.s32 $0x1BFF;
	s20 =	sshll.u32 s6, $0x1;
	s3 =	sadd.s32 s4, s18  }
0x9c: {  	s7 =	simm.s32 $0x0;
	s19 =	sshll.u32 s5, $0x1;
	s5 =	sadd.s32 s20, s3  }
0x9d: {  	[timem:s7], [sflag:s21] =	dma.local [hbm:s5], s19  }
0x9e: {  	_ =	swait.ge [sflag:s21], s19  }
0x9f: {  	s4 =	ssub.s32 $0x0, s19;
	[sflag:s21] =	ssyncset.done $0x0  }
0xa0: {  	[sflag:s21] =	ssyncadd.s32 s4;
	_ =	sdelay $0x1  }
0xa1: {  	s22 =	simm.s32 $0x1B8B  }
0xa2: {  	_ =	swait.ge [sflag:s22], $0x1  }
0xa3: {  	[sflag:s22] =	ssyncset.done $0x0  }
0xa4: {  	s23 =	sld [smem:$0x3FFE];
	[sflag:s22] =	ssyncadd.s32 $0xFFFFFFFF  }
0xa5: {  	s25 =	simm.s32 $0x1B8E;
	s24 =	sld [smem:$0x0]  }
0xa6: {  	s26 =	simm.s32 $execute0_lowered;
	[smem:$0x3FD2] =	sst s25  }
0xa7: {  	s6 =	sshll.u32 s26, $0x1;
	_ =	strace $0x8000004C;
	[dreg:$0x1] =	wrdreg $0xFFFFFFFF  }
0xa8: {  	s28 =	simm.s32 $_size_execute0_lowered;
	s3 =	sadd.s32 s3, s6;
	[dreg:$0x0] =	wrdreg $0x0  }
0xa9: {  	s6 =	sshll.u32 s28, $0x1;
	[dreg:$0x2] =	wrdreg s3  }
0xaa: {  	[dreg:$0x3] =	wrdreg s6  }
0xab: {  	[dreg:$0x4] =	wrdreg $0xC0  }
0xac: {  	_ =	task [dreg:s7], $0x5FFFF  }
0xad: {  	[dreg:$0x1] =	wrdreg $0xFFFFFFFF  }
0xae: {  	[dreg:$0x0] =	wrdreg $0x60  }
0xaf: {  	[dreg:$0x2] =	wrdreg s23  }
0xb0: {  	[dreg:$0x3] =	wrdreg s2  }
0xb1: {  	[dreg:$0x4] =	wrdreg s1  }
0xb2: {  	[dreg:$0x5] =	wrdreg s24  }
0xb3: {  	[dreg:$0x6] =	wrdreg $0x9  }
0xb4: {  	_ =	task.clear_ibuf [dreg:s7], $0x7FFFF;
	_ =	strace $0x9000004C  }
0xb5: {  	s29 =	simm.s32 $0x9;
	_ =	strace $0x8000004E  }
0xb6: {  	_ =	swait.ge [sflag:s29], $0x1  }
0xb7: {  	[sflag:s29] =	ssyncadd.s32 $0xFFFFFFFF  }
0xb8: {  	_ =	strace $0x9000004E  }
0xb9: {  	_ =	sfence  }
0xba: {  	s30 =	sld [smem:$0x0];
	_ =	sdelay $0x2  }
0xbb: {  	s31 =	sshll.u32 s1, $0xD;
	s1 =	sshrl.u32 s1, $0x2  }
0xbc: {  	s3 =	sand.u32 $0x4000, s31;
	s1 =	sadd.s32 s1, s30  }
0xbd: {  	s0 =	sor.u32 s3, s0;
	s1 =	sshll.u32 s1, $0x11  }
0xbe: {  	s0 =	sor.u32 s1, s0  }
0xbf: {  	s0 =	sadd.s32 $0x8F2B, s0  }
0xc0: {  	[sflag:s0] =	ssyncadd.remote.s32 $0x1  }
0xc1: {  	_ =	sfence.sel $0xFFFF  }
0xc2: {  	[dreg:$0x0] =	wrdreg $0xFFFFFFFF;
	(pc) =	sbr.abs _section_cstart, $3  }
0xc3: {  	[dreg:$0x1] =	wrdreg $0xFFFFFFFF  }
0xc4: {  	_ =	task.clear_ibuf [dreg:s7], $0x2FFFF;
	_ =	strace $0x9FFFFFFF  }
0xc5: {  	(tm) =	ssettm $0x7FFFFFFF  }
tec
execute0_lowered:
.L_overlay_start_1:
0x0: {  	(tag) =	ssettag $0x1  }
0x1: {  	s4 =	rddreg [dreg:$0x0]  }
0x2: {  	s5 =	rddreg [dreg:$0x1];
	_ =	strace $0x8000004D;
	s7 =	simm.s32 $0x1  }
0x3: {  	v0 =	vimm.s32 $0x0;
	[sflag:s7] =	ssyncpa.u1 $0x0  }
0x4: {  	[tilespmem:$0x28] =	vst v0  }
0x5: {  	[tilespmem:$0x38] =	vst v0  }
0x6: {  	[tilespmem:$0x48] =	vst v0  }
0x7: {  	[tilespmem:$0x58] =	vst v0  }
0x8: {  	[tilespmem:$0x68] =	vst v0  }
0x9: {  	[tilespmem:$0x78] =	vst v0  }
0xa: {  	[tilespmem:$0x88] =	vst v0  }
0xb: {  	[tilespmem:$0x98] =	vst v0  }
0xc: {  	[tilespmem:$0xA8] =	vst v0  }
0xd: {  	[tilespmem:$0xB8] =	vst v0  }
0xe: {  	[tilespmem:$0xC8] =	vst v0  }
0xf: {  	[tilespmem:$0xD8] =	vst v0  }
0x10: {  	[tilespmem:$0xE8] =	vst v0  }
0x11: {  	[tilespmem:$0xF8] =	vst v0  }
0x12: {  	[tilespmem:$0x108] =	vst v0  }
0x13: {  	[tilespmem:$0x118] =	vst v0  }
0x14: {  	[tilespmem:$0x128] =	vst v0  }
0x15: {  	[tilespmem:$0x138] =	vst v0  }
0x16: {  	[tilespmem:$0x148] =	vst v0  }
0x17: {  	[tilespmem:$0x158] =	vst v0  }
0x18: {  	[tilespmem:$0x168] =	vst v0  }
0x19: {  	[tilespmem:$0x178] =	vst v0  }
0x1a: {  	[tilespmem:$0x188] =	vst v0  }
0x1b: {  	[tilespmem:$0x198] =	vst v0  }
0x1c: {  	[tilespmem:$0x1A8] =	vst v0  }
0x1d: {  	[tilespmem:$0x1B8] =	vst v0  }
0x1e: {  	[tilespmem:$0x1C8] =	vst v0  }
0x1f: {  	[tilespmem:$0x1D8] =	vst v0  }
0x20: {  	[tilespmem:$0x1E8] =	vst v0  }
0x21: {  	[tilespmem:$0x1F8] =	vst v0  }
0x22: {  	[tilespmem:$0x208] =	vst v0  }
0x23: {  	[tilespmem:$0x218] =	vst v0  }
0x24: {  	[tilespmem:$0x228] =	vst v0  }
0x25: {  	[tilespmem:$0x238] =	vst v0  }
0x26: {  	[tilespmem:$0x248] =	vst v0  }
0x27: {  	[tilespmem:$0x258] =	vst v0  }
0x28: {  	[tilespmem:$0x268] =	vst v0  }
0x29: {  	[tilespmem:$0x278] =	vst v0  }
0x2a: {  	[tilespmem:$0x288] =	vst v0  }
0x2b: {  	[tilespmem:$0x298] =	vst v0  }
0x2c: {  	[tilespmem:$0x2A8] =	vst v0  }
0x2d: {  	[tilespmem:$0x2B8] =	vst v0  }
0x2e: {  	[tilespmem:$0x2C8] =	vst v0  }
0x2f: {  	[tilespmem:$0x2D8] =	vst v0  }
0x30: {  	[tilespmem:$0x2E8] =	vst v0  }
0x31: {  	[tilespmem:$0x2F8] =	vst v0  }
0x32: {  	[tilespmem:$0x308] =	vst v0  }
0x33: {  	[tilespmem:$0x318] =	vst v0  }
0x34: {  	[tilespmem:$0x328] =	vst v0  }
0x35: {  	[tilespmem:$0x338] =	vst v0  }
0x36: {  	[tilespmem:$0x348] =	vst v0  }
0x37: {  	[tilespmem:$0x358] =	vst v0  }
0x38: {  	[tilespmem:$0x368] =	vst v0  }
0x39: {  	[tilespmem:$0x378] =	vst v0  }
0x3a: {  	[tilespmem:$0x388] =	vst v0  }
0x3b: {  	[tilespmem:$0x398] =	vst v0  }
0x3c: {  	[tilespmem:$0x3A8] =	vst v0  }
0x3d: {  	[tilespmem:$0x3B8] =	vst v0  }
0x3e: {  	[tilespmem:$0x3C8] =	vst v0  }
0x3f: {  	[tilespmem:$0x3D8] =	vst v0  }
0x40: {  	[tilespmem:$0x3E8] =	vst v0  }
0x41: {  	[tilespmem:$0x3F8] =	vst v0  }
0x42: {  	[tilespmem:$0x408] =	vst v0  }
0x43: {  	[tilespmem:$0x418] =	vst v0  }
0x44: {  	[tilespmem:$0x428] =	vst v0  }
0x45: {  	[tilespmem:$0x438] =	vst v0  }
0x46: {  	[tilespmem:$0x448] =	vst v0  }
0x47: {  	[tilespmem:$0x458] =	vst v0  }
0x48: {  	[tilespmem:$0x468] =	vst v0  }
0x49: {  	[tilespmem:$0x478] =	vst v0  }
0x4a: {  	[tilespmem:$0x488] =	vst v0  }
0x4b: {  	[tilespmem:$0x498] =	vst v0  }
0x4c: {  	[tilespmem:$0x4A8] =	vst v0  }
0x4d: {  	[tilespmem:$0x4B8] =	vst v0  }
0x4e: {  	[tilespmem:$0x4C8] =	vst v0  }
0x4f: {  	[tilespmem:$0x4D8] =	vst v0  }
0x50: {  	[tilespmem:$0x4E8] =	vst v0  }
0x51: {  	[tilespmem:$0x4F8] =	vst v0  }
0x52: {  	[tilespmem:$0x508] =	vst v0  }
0x53: {  	[tilespmem:$0x518] =	vst v0  }
0x54: {  	[tilespmem:$0x528] =	vst v0  }
0x55: {  	[tilespmem:$0x538] =	vst v0  }
0x56: {  	[tilespmem:$0x548] =	vst v0  }
0x57: {  	[tilespmem:$0x558] =	vst v0  }
0x58: {  	[tilespmem:$0x568] =	vst v0  }
0x59: {  	[tilespmem:$0x578] =	vst v0  }
0x5a: {  	[tilespmem:$0x588] =	vst v0  }
0x5b: {  	[tilespmem:$0x598] =	vst v0  }
0x5c: {  	[tilespmem:$0x5A8] =	vst v0  }
0x5d: {  	[tilespmem:$0x5B8] =	vst v0  }
0x5e: {  	[tilespmem:$0x5C8] =	vst v0  }
0x5f: {  	[tilespmem:$0x5D8] =	vst v0  }
0x60: {  	[tilespmem:$0x5E8] =	vst v0  }
0x61: {  	[tilespmem:$0x5F8] =	vst v0  }
0x62: {  	[tilespmem:$0x608] =	vst v0  }
0x63: {  	[tilespmem:$0x618] =	vst v0  }
0x64: {  	[tilespmem:$0x628] =	vst v0  }
0x65: {  	[tilespmem:$0x638] =	vst v0  }
0x66: {  	[tilespmem:$0x648] =	vst v0  }
0x67: {  	[tilespmem:$0x658] =	vst v0  }
0x68: {  	[tilespmem:$0x668] =	vst v0  }
0x69: {  	[tilespmem:$0x678] =	vst v0  }
0x6a: {  	[tilespmem:$0x688] =	vst v0  }
0x6b: {  	[tilespmem:$0x698] =	vst v0  }
0x6c: {  	[tilespmem:$0x6A8] =	vst v0  }
0x6d: {  	[tilespmem:$0x6B8] =	vst v0  }
0x6e: {  	[tilespmem:$0x6C8] =	vst v0  }
0x6f: {  	[tilespmem:$0x6D8] =	vst v0  }
0x70: {  	[tilespmem:$0x6E8] =	vst v0  }
0x71: {  	[tilespmem:$0x6F8] =	vst v0  }
0x72: {  	[tilespmem:$0x708] =	vst v0  }
0x73: {  	[tilespmem:$0x718] =	vst v0  }
0x74: {  	[tilespmem:$0x728] =	vst v0  }
0x75: {  	[tilespmem:$0x738] =	vst v0  }
0x76: {  	[tilespmem:$0x748] =	vst v0  }
0x77: {  	[tilespmem:$0x758] =	vst v0  }
0x78: {  	[tilespmem:$0x768] =	vst v0  }
0x79: {  	[tilespmem:$0x778] =	vst v0  }
0x7a: {  	[tilespmem:$0x788] =	vst v0  }
0x7b: {  	[tilespmem:$0x798] =	vst v0  }
0x7c: {  	[tilespmem:$0x7A8] =	vst v0  }
0x7d: {  	[tilespmem:$0x7B8] =	vst v0  }
0x7e: {  	[tilespmem:$0x7C8] =	vst v0  }
0x7f: {  	[tilespmem:$0x7D8] =	vst v0  }
0x80: {  	[tilespmem:$0x7E8] =	vst v0  }
0x81: {  	[tilespmem:$0x7F8] =	vst v0  }
0x82: {  	[tilespmem:$0x808] =	vst v0  }
0x83: {  	[tilespmem:$0x818] =	vst v0  }
0x84: {  	[tilespmem:$0x828] =	vst v0  }
0x85: {  	[tilespmem:$0x838] =	vst v0  }
0x86: {  	[tilespmem:$0x848] =	vst v0  }
0x87: {  	[tilespmem:$0x858] =	vst v0  }
0x88: {  	[tilespmem:$0x868] =	vst v0  }
0x89: {  	[tilespmem:$0x878] =	vst v0  }
0x8a: {  	[tilespmem:$0x888] =	vst v0  }
0x8b: {  	[tilespmem:$0x898] =	vst v0  }
0x8c: {  	[tilespmem:$0x8A8] =	vst v0  }
0x8d: {  	[tilespmem:$0x8B8] =	vst v0  }
0x8e: {  	[tilespmem:$0x8C8] =	vst v0  }
0x8f: {  	[tilespmem:$0x8D8] =	vst v0  }
0x90: {  	[tilespmem:$0x8E8] =	vst v0  }
0x91: {  	[tilespmem:$0x8F8] =	vst v0  }
0x92: {  	[tilespmem:$0x908] =	vst v0  }
0x93: {  	[tilespmem:$0x918] =	vst v0  }
0x94: {  	[tilespmem:$0x928] =	vst v0  }
0x95: {  	[tilespmem:$0x938] =	vst v0  }
0x96: {  	[tilespmem:$0x948] =	vst v0  }
0x97: {  	[tilespmem:$0x958] =	vst v0  }
0x98: {  	[tilespmem:$0x968] =	vst v0  }
0x99: {  	[tilespmem:$0x978] =	vst v0  }
0x9a: {  	[tilespmem:$0x988] =	vst v0  }
0x9b: {  	[tilespmem:$0x998] =	vst v0  }
0x9c: {  	[tilespmem:$0x9A8] =	vst v0  }
0x9d: {  	[tilespmem:$0x9B8] =	vst v0  }
0x9e: {  	[tilespmem:$0x9C8] =	vst v0  }
0x9f: {  	[tilespmem:$0x9D8] =	vst v0  }
0xa0: {  	[tilespmem:$0x9E8] =	vst v0  }
0xa1: {  	[tilespmem:$0x9F8] =	vst v0  }
0xa2: {  	[tilespmem:$0xA08] =	vst v0  }
0xa3: {  	[tilespmem:$0xA18] =	vst v0  }
0xa4: {  	[tilespmem:$0xA28] =	vst v0  }
0xa5: {  	[tilespmem:$0xA38] =	vst v0  }
0xa6: {  	[tilespmem:$0xA48] =	vst v0  }
0xa7: {  	[tilespmem:$0xA58] =	vst v0  }
0xa8: {  	[tilespmem:$0xA68] =	vst v0  }
0xa9: {  	[tilespmem:$0xA78] =	vst v0  }
0xaa: {  	[tilespmem:$0xA88] =	vst v0  }
0xab: {  	[tilespmem:$0xA98] =	vst v0  }
0xac: {  	[tilespmem:$0xAA8] =	vst v0  }
0xad: {  	[tilespmem:$0xAB8] =	vst v0  }
0xae: {  	[tilespmem:$0xAC8] =	vst v0  }
0xaf: {  	[tilespmem:$0xAD8] =	vst v0  }
0xb0: {  	[tilespmem:$0xAE8] =	vst v0  }
0xb1: {  	[tilespmem:$0xAF8] =	vst v0  }
0xb2: {  	[tilespmem:$0xB08] =	vst v0  }
0xb3: {  	[tilespmem:$0xB18] =	vst v0  }
0xb4: {  	[tilespmem:$0xB28] =	vst v0  }
0xb5: {  	[tilespmem:$0xB38] =	vst v0  }
0xb6: {  	[tilespmem:$0xB48] =	vst v0  }
0xb7: {  	[tilespmem:$0xB58] =	vst v0  }
0xb8: {  	[tilespmem:$0xB68] =	vst v0  }
0xb9: {  	[tilespmem:$0xB78] =	vst v0  }
0xba: {  	[tilespmem:$0xB88] =	vst v0  }
0xbb: {  	[tilespmem:$0xB98] =	vst v0  }
0xbc: {  	[tilespmem:$0xBA8] =	vst v0  }
0xbd: {  	[tilespmem:$0xBB8] =	vst v0  }
0xbe: {  	[tilespmem:$0xBC8] =	vst v0  }
0xbf: {  	[tilespmem:$0xBD8] =	vst v0  }
0xc0: {  	[tilespmem:$0xBE8] =	vst v0  }
0xc1: {  	[tilespmem:$0xBF8] =	vst v0  }
0xc2: {  	[tilespmem:$0xC08] =	vst v0  }
0xc3: {  	[tilespmem:$0xC18] =	vst v0  }
0xc4: {  	[tilespmem:$0xC28] =	vst v0  }
0xc5: {  	[tilespmem:$0xC38] =	vst v0  }
0xc6: {  	[tilespmem:$0xC48] =	vst v0  }
0xc7: {  	[tilespmem:$0xC58] =	vst v0  }
0xc8: {  	[tilespmem:$0xC68] =	vst v0  }
0xc9: {  	[tilespmem:$0xC78] =	vst v0  }
0xca: {  	[tilespmem:$0xC88] =	vst v0  }
0xcb: {  	[tilespmem:$0xC98] =	vst v0  }
0xcc: {  	[tilespmem:$0xCA8] =	vst v0  }
0xcd: {  	[tilespmem:$0xCB8] =	vst v0  }
0xce: {  	[tilespmem:$0xCC8] =	vst v0  }
0xcf: {  	[tilespmem:$0xCD8] =	vst v0  }
0xd0: {  	[tilespmem:$0xCE8] =	vst v0  }
0xd1: {  	[tilespmem:$0xCF8] =	vst v0  }
0xd2: {  	[tilespmem:$0xD08] =	vst v0  }
0xd3: {  	[tilespmem:$0xD18] =	vst v0  }
0xd4: {  	[tilespmem:$0xD28] =	vst v0  }
0xd5: {  	[tilespmem:$0xD38] =	vst v0  }
0xd6: {  	[tilespmem:$0xD48] =	vst v0  }
0xd7: {  	[tilespmem:$0xD58] =	vst v0  }
0xd8: {  	[tilespmem:$0xD68] =	vst v0  }
0xd9: {  	[tilespmem:$0xD78] =	vst v0  }
0xda: {  	[tilespmem:$0xD88] =	vst v0  }
0xdb: {  	[tilespmem:$0xD98] =	vst v0  }
0xdc: {  	[tilespmem:$0xDA8] =	vst v0  }
0xdd: {  	[tilespmem:$0xDB8] =	vst v0  }
0xde: {  	[tilespmem:$0xDC8] =	vst v0  }
0xdf: {  	[tilespmem:$0xDD8] =	vst v0  }
0xe0: {  	[tilespmem:$0xDE8] =	vst v0  }
0xe1: {  	[tilespmem:$0xDF8] =	vst v0  }
0xe2: {  	[tilespmem:$0xE08] =	vst v0  }
0xe3: {  	[tilespmem:$0xE18] =	vst v0  }
0xe4: {  	[tilespmem:$0xE28] =	vst v0  }
0xe5: {  	[tilespmem:$0xE38] =	vst v0  }
0xe6: {  	[tilespmem:$0xE48] =	vst v0  }
0xe7: {  	[tilespmem:$0xE58] =	vst v0  }
0xe8: {  	[tilespmem:$0xE68] =	vst v0  }
0xe9: {  	[tilespmem:$0xE78] =	vst v0  }
0xea: {  	[tilespmem:$0xE88] =	vst v0  }
0xeb: {  	[tilespmem:$0xE98] =	vst v0  }
0xec: {  	[tilespmem:$0xEA8] =	vst v0  }
0xed: {  	[tilespmem:$0xEB8] =	vst v0  }
0xee: {  	[tilespmem:$0xEC8] =	vst v0  }
0xef: {  	[tilespmem:$0xED8] =	vst v0  }
0xf0: {  	[tilespmem:$0xEE8] =	vst v0  }
0xf1: {  	[tilespmem:$0xEF8] =	vst v0  }
0xf2: {  	[tilespmem:$0xF08] =	vst v0  }
0xf3: {  	[tilespmem:$0xF18] =	vst v0  }
0xf4: {  	[tilespmem:$0xF28] =	vst v0  }
0xf5: {  	[tilespmem:$0xF38] =	vst v0  }
0xf6: {  	[tilespmem:$0xF48] =	vst v0  }
0xf7: {  	[tilespmem:$0xF58] =	vst v0  }
0xf8: {  	[tilespmem:$0xF68] =	vst v0  }
0xf9: {  	[tilespmem:$0xF78] =	vst v0  }
0xfa: {  	[tilespmem:$0xF88] =	vst v0  }
0xfb: {  	[tilespmem:$0xF98] =	vst v0  }
0xfc: {  	[tilespmem:$0xFA8] =	vst v0  }
0xfd: {  	[tilespmem:$0xFB8] =	vst v0  }
0xfe: {  	[tilespmem:$0xFC8] =	vst v0  }
0xff: {  	[tilespmem:$0xFD8] =	vst v0  }
0x100: {  	[tilespmem:$0xFE8] =	vst v0  }
0x101: {  	[tilespmem:$0xFF8] =	vst v0  }
0x102: {  	[tilespmem:$0x1008] =	vst v0  }
0x103: {  	[tilespmem:$0x10E8] =	vst v0  }
0x104: {  	[tilespmem:$0x1C28] =	vst v0  }
0x105: {  	[tilespmem:$0x1C18] =	vst v0  }
0x106: {  	[tilespmem:$0x1C08] =	vst v0  }
0x107: {  	[tilespmem:$0x1BF8] =	vst v0  }
0x108: {  	[tilespmem:$0x1BE8] =	vst v0  }
0x109: {  	[tilespmem:$0x1BD8] =	vst v0  }
0x10a: {  	[tilespmem:$0x1BC8] =	vst v0  }
0x10b: {  	[tilespmem:$0x1BB8] =	vst v0  }
0x10c: {  	[tilespmem:$0x1BA8] =	vst v0  }
0x10d: {  	[tilespmem:$0x1B98] =	vst v0  }
0x10e: {  	[tilespmem:$0x1B88] =	vst v0  }
0x10f: {  	[tilespmem:$0x1B78] =	vst v0  }
0x110: {  	[tilespmem:$0x1B68] =	vst v0  }
0x111: {  	[tilespmem:$0x1B58] =	vst v0  }
0x112: {  	[tilespmem:$0x1B48] =	vst v0  }
0x113: {  	[tilespmem:$0x1B38] =	vst v0  }
0x114: {  	[tilespmem:$0x1B28] =	vst v0  }
0x115: {  	[tilespmem:$0x1B18] =	vst v0  }
0x116: {  	[tilespmem:$0x1B08] =	vst v0  }
0x117: {  	[tilespmem:$0x1AF8] =	vst v0  }
0x118: {  	[tilespmem:$0x1AE8] =	vst v0  }
0x119: {  	[tilespmem:$0x1AD8] =	vst v0  }
0x11a: {  	[tilespmem:$0x1AC8] =	vst v0  }
0x11b: {  	[tilespmem:$0x1AB8] =	vst v0  }
0x11c: {  	[tilespmem:$0x1AA8] =	vst v0  }
0x11d: {  	[tilespmem:$0x1A98] =	vst v0  }
0x11e: {  	[tilespmem:$0x1A88] =	vst v0  }
0x11f: {  	[tilespmem:$0x1A78] =	vst v0  }
0x120: {  	[tilespmem:$0x1A68] =	vst v0  }
0x121: {  	[tilespmem:$0x1A58] =	vst v0  }
0x122: {  	[tilespmem:$0x1A48] =	vst v0  }
0x123: {  	[tilespmem:$0x1A38] =	vst v0  }
0x124: {  	[tilespmem:$0x1A28] =	vst v0  }
0x125: {  	[tilespmem:$0x1A18] =	vst v0  }
0x126: {  	[tilespmem:$0x1A08] =	vst v0  }
0x127: {  	[tilespmem:$0x19F8] =	vst v0  }
0x128: {  	[tilespmem:$0x19E8] =	vst v0  }
0x129: {  	[tilespmem:$0x19D8] =	vst v0  }
0x12a: {  	[tilespmem:$0x19C8] =	vst v0  }
0x12b: {  	[tilespmem:$0x19B8] =	vst v0  }
0x12c: {  	[tilespmem:$0x19A8] =	vst v0  }
0x12d: {  	[tilespmem:$0x1998] =	vst v0  }
0x12e: {  	[tilespmem:$0x1988] =	vst v0  }
0x12f: {  	[tilespmem:$0x1978] =	vst v0  }
0x130: {  	[tilespmem:$0x1968] =	vst v0  }
0x131: {  	[tilespmem:$0x1958] =	vst v0  }
0x132: {  	[tilespmem:$0x1948] =	vst v0  }
0x133: {  	[tilespmem:$0x1938] =	vst v0  }
0x134: {  	[tilespmem:$0x1928] =	vst v0  }
0x135: {  	[tilespmem:$0x1918] =	vst v0  }
0x136: {  	[tilespmem:$0x1908] =	vst v0  }
0x137: {  	[tilespmem:$0x18F8] =	vst v0  }
0x138: {  	[tilespmem:$0x18E8] =	vst v0  }
0x139: {  	[tilespmem:$0x18D8] =	vst v0  }
0x13a: {  	[tilespmem:$0x18C8] =	vst v0  }
0x13b: {  	[tilespmem:$0x18B8] =	vst v0  }
0x13c: {  	[tilespmem:$0x18A8] =	vst v0  }
0x13d: {  	[tilespmem:$0x1898] =	vst v0  }
0x13e: {  	[tilespmem:$0x1888] =	vst v0  }
0x13f: {  	[tilespmem:$0x1878] =	vst v0  }
0x140: {  	[tilespmem:$0x1868] =	vst v0  }
0x141: {  	[tilespmem:$0x1858] =	vst v0  }
0x142: {  	[tilespmem:$0x1848] =	vst v0  }
0x143: {  	[tilespmem:$0x1838] =	vst v0  }
0x144: {  	[tilespmem:$0x1828] =	vst v0  }
0x145: {  	[tilespmem:$0x1818] =	vst v0  }
0x146: {  	[tilespmem:$0x1808] =	vst v0  }
0x147: {  	[tilespmem:$0x17F8] =	vst v0  }
0x148: {  	[tilespmem:$0x17E8] =	vst v0  }
0x149: {  	[tilespmem:$0x17D8] =	vst v0  }
0x14a: {  	[tilespmem:$0x17C8] =	vst v0  }
0x14b: {  	[tilespmem:$0x17B8] =	vst v0  }
0x14c: {  	[tilespmem:$0x17A8] =	vst v0  }
0x14d: {  	[tilespmem:$0x1798] =	vst v0  }
0x14e: {  	[tilespmem:$0x1788] =	vst v0  }
0x14f: {  	[tilespmem:$0x1778] =	vst v0  }
0x150: {  	[tilespmem:$0x1768] =	vst v0  }
0x151: {  	[tilespmem:$0x1758] =	vst v0  }
0x152: {  	[tilespmem:$0x1748] =	vst v0  }
0x153: {  	[tilespmem:$0x1738] =	vst v0  }
0x154: {  	[tilespmem:$0x1728] =	vst v0  }
0x155: {  	[tilespmem:$0x1718] =	vst v0  }
0x156: {  	[tilespmem:$0x1708] =	vst v0  }
0x157: {  	[tilespmem:$0x16F8] =	vst v0  }
0x158: {  	[tilespmem:$0x16E8] =	vst v0  }
0x159: {  	[tilespmem:$0x16D8] =	vst v0  }
0x15a: {  	[tilespmem:$0x16C8] =	vst v0  }
0x15b: {  	[tilespmem:$0x16B8] =	vst v0  }
0x15c: {  	[tilespmem:$0x16A8] =	vst v0  }
0x15d: {  	[tilespmem:$0x1698] =	vst v0  }
0x15e: {  	[tilespmem:$0x1688] =	vst v0  }
0x15f: {  	[tilespmem:$0x1678] =	vst v0  }
0x160: {  	[tilespmem:$0x1668] =	vst v0  }
0x161: {  	[tilespmem:$0x1658] =	vst v0  }
0x162: {  	[tilespmem:$0x1648] =	vst v0  }
0x163: {  	[tilespmem:$0x1638] =	vst v0  }
0x164: {  	[tilespmem:$0x1628] =	vst v0  }
0x165: {  	[tilespmem:$0x1618] =	vst v0  }
0x166: {  	[tilespmem:$0x1608] =	vst v0  }
0x167: {  	[tilespmem:$0x15F8] =	vst v0  }
0x168: {  	[tilespmem:$0x15E8] =	vst v0  }
0x169: {  	[tilespmem:$0x15D8] =	vst v0  }
0x16a: {  	[tilespmem:$0x15C8] =	vst v0  }
0x16b: {  	[tilespmem:$0x15B8] =	vst v0  }
0x16c: {  	[tilespmem:$0x15A8] =	vst v0  }
0x16d: {  	[tilespmem:$0x1598] =	vst v0  }
0x16e: {  	[tilespmem:$0x1588] =	vst v0  }
0x16f: {  	[tilespmem:$0x1578] =	vst v0  }
0x170: {  	[tilespmem:$0x1568] =	vst v0  }
0x171: {  	[tilespmem:$0x1558] =	vst v0  }
0x172: {  	[tilespmem:$0x1548] =	vst v0  }
0x173: {  	[tilespmem:$0x1538] =	vst v0  }
0x174: {  	[tilespmem:$0x1528] =	vst v0  }
0x175: {  	[tilespmem:$0x1518] =	vst v0  }
0x176: {  	[tilespmem:$0x1508] =	vst v0  }
0x177: {  	[tilespmem:$0x14F8] =	vst v0  }
0x178: {  	[tilespmem:$0x14E8] =	vst v0  }
0x179: {  	[tilespmem:$0x14D8] =	vst v0  }
0x17a: {  	[tilespmem:$0x14C8] =	vst v0  }
0x17b: {  	[tilespmem:$0x14B8] =	vst v0  }
0x17c: {  	[tilespmem:$0x14A8] =	vst v0  }
0x17d: {  	[tilespmem:$0x1498] =	vst v0  }
0x17e: {  	[tilespmem:$0x1488] =	vst v0  }
0x17f: {  	[tilespmem:$0x1478] =	vst v0  }
0x180: {  	[tilespmem:$0x1468] =	vst v0  }
0x181: {  	[tilespmem:$0x1458] =	vst v0  }
0x182: {  	[tilespmem:$0x1448] =	vst v0  }
0x183: {  	[tilespmem:$0x1438] =	vst v0  }
0x184: {  	[tilespmem:$0x1428] =	vst v0  }
0x185: {  	[tilespmem:$0x1418] =	vst v0  }
0x186: {  	[tilespmem:$0x1408] =	vst v0  }
0x187: {  	[tilespmem:$0x13F8] =	vst v0  }
0x188: {  	[tilespmem:$0x13E8] =	vst v0  }
0x189: {  	[tilespmem:$0x13D8] =	vst v0  }
0x18a: {  	[tilespmem:$0x13C8] =	vst v0  }
0x18b: {  	[tilespmem:$0x13B8] =	vst v0  }
0x18c: {  	[tilespmem:$0x13A8] =	vst v0  }
0x18d: {  	[tilespmem:$0x1398] =	vst v0  }
0x18e: {  	[tilespmem:$0x1388] =	vst v0  }
0x18f: {  	[tilespmem:$0x1378] =	vst v0  }
0x190: {  	[tilespmem:$0x1368] =	vst v0  }
0x191: {  	[tilespmem:$0x1358] =	vst v0  }
0x192: {  	[tilespmem:$0x1348] =	vst v0  }
0x193: {  	[tilespmem:$0x1338] =	vst v0  }
0x194: {  	[tilespmem:$0x1328] =	vst v0  }
0x195: {  	[tilespmem:$0x1318] =	vst v0  }
0x196: {  	[tilespmem:$0x1308] =	vst v0  }
0x197: {  	[tilespmem:$0x12F8] =	vst v0  }
0x198: {  	[tilespmem:$0x12E8] =	vst v0  }
0x199: {  	[tilespmem:$0x12D8] =	vst v0  }
0x19a: {  	[tilespmem:$0x12C8] =	vst v0  }
0x19b: {  	[tilespmem:$0x12B8] =	vst v0  }
0x19c: {  	[tilespmem:$0x12A8] =	vst v0  }
0x19d: {  	[tilespmem:$0x1298] =	vst v0  }
0x19e: {  	[tilespmem:$0x1288] =	vst v0  }
0x19f: {  	[tilespmem:$0x1278] =	vst v0  }
0x1a0: {  	[tilespmem:$0x1268] =	vst v0  }
0x1a1: {  	[tilespmem:$0x1258] =	vst v0  }
0x1a2: {  	[tilespmem:$0x1248] =	vst v0  }
0x1a3: {  	[tilespmem:$0x1238] =	vst v0  }
0x1a4: {  	[tilespmem:$0x1228] =	vst v0  }
0x1a5: {  	[tilespmem:$0x1218] =	vst v0  }
0x1a6: {  	[tilespmem:$0x1208] =	vst v0  }
0x1a7: {  	[tilespmem:$0x11F8] =	vst v0  }
0x1a8: {  	[tilespmem:$0x11E8] =	vst v0  }
0x1a9: {  	[tilespmem:$0x11D8] =	vst v0  }
0x1aa: {  	[tilespmem:$0x11C8] =	vst v0  }
0x1ab: {  	[tilespmem:$0x11B8] =	vst v0  }
0x1ac: {  	[tilespmem:$0x11A8] =	vst v0  }
0x1ad: {  	[tilespmem:$0x1198] =	vst v0  }
0x1ae: {  	[tilespmem:$0x1188] =	vst v0  }
0x1af: {  	[tilespmem:$0x1178] =	vst v0  }
0x1b0: {  	[tilespmem:$0x1168] =	vst v0  }
0x1b1: {  	s3 =	srdreg.scid;
	[tilespmem:$0x1158] =	vst v0  }
0x1b2: {  	s3 =	sshll.u32 s3, $0x4;
	[tilespmem:$0x1148] =	vst v0  }
0x1b3: {  	s6 =	stileid.u32;
	s3 =	sand.u32 $0x10, s3;
	[tilespmem:$0x1138] =	vst v0  }
0x1b4: {  	[tilespmem:$0x1128] =	vst v0;
	s3 =	sor.u32 s6, s3  }
0x1b5: {  	[tilespmem:$0x1118] =	vst v0;
	s8 =	smul.u32 $0x9, s3  }
0x1b6: {  	s9 =	smin.u32 s3, $0x5;
	[tilespmem:$0x1108] =	vst v0  }
0x1b7: {  	[tilespmem:$0x10F8] =	vst v0;
	s8 =	sadd.s32 s9, s8  }
0x1b8: {  	[tilespmem:$0x10C8] =	vst v0;
	p0 =	slt.u32 s3, $0x5;
	s9 =	simm.s32 $0x1180;
	s8 =	smul.u32 $0x1C0, s8  }
0x1b9: {  	s9 =	simm.s32 @!p0 $0xFC0;
	[tilespmem:$0x10D8] =	vst v0  }
0x1ba: {  	[tilespmem:$0x10B8] =	vst v0;
	s29 =	sadd.s32 s9, s8  }
0x1bb: {  	[tilespmem:$0x1048] =	vst v0;
	s9 =	smin.u32 s29, $0x200C0  }
0x1bc: {  	[tilespmem:$0x10A8] =	vst v0;
	s12 =	ssub.s32 s9, s8  }
0x1bd: {  	[tilespmem:$0x1098] =	vst v0;
	p0 =	sgt.s32 s12, $0x0  }
0x1be: {  	[tilespmem:$0x1088] =	vst v0;
	s12 =	simm.s32 @!p0 $0x0  }
0x1bf: {  	[tilespmem:$0x1078] =	vst v0;
	s30 =	smulhi.u32 $0x92492493, s12  }
0x1c0: {  	[tilespmem:$0x1068] =	vst v0  }
0x1c1: {  	[tilespmem:$0x1058] =	vst v0;
	s13 =	sshrl.u32 s30, $0x8  }
0x1c2: {  	s10 =	simm.s32 $0x2;
	[tilespmem:$0x1028] =	vst v0;
	s14 =	smul.u32 $0x1C0, s13  }
.Ltmp0:
0x1c3: {  	s11 =	simm.s32 $0x9;
	s31 =	sshll.u32 s6, $0x5;
	[tilespmem:$0x1038] =	vst v0;
	(pc) =	sbr.rel .LBB2_1-.Ltmp0, $4  }
0x1c4: {  	s15 =	simm.s32 $0x0;
	[tilespmem:$0x1018] =	vst v0;
	[sflag:s10] =	ssyncpa.u1 $0x0;
	v0 =	vimm.s32 $0xFFFFFFFF;
	[dreg:$0x5] =	wrdreg s31  }
0x1c5: {  	[tilespmem:$0x3848] =	vst v0;
	[sflag:s11] =	ssyncpa.u1 $0x0;
	s3 =	sadd.s32 $0x200000, s4;
	p0 =	sne.s32 s12, s14  }
0x1c6: {  	s12 =	simm.s32 $0xA;
	s14 =	simm.s32 $0x0;
	s7 =	simm.s32 @!p0 $0x0  }
0x1c7: {  	v0 =	vlaneseq.u32;
	p0 =	por $0x0, $0x0;
	s7 =	sadd.s32 s7, s13;
	s13 =	smov.u32 s8  }
.LBB2_12:
0x1c8: {  	_ =	swait.ge [sflag:s10], $0x0  }
0x1c9: {  	s16 =	simm.s32 $0x0;
	[sflag:s10] =	ssyncset.done $0x0  }
.LBB2_13:
0x1ca: {  	_ =	swait.ge [sflag:s12], s16  }
0x1cb: {  	s0 =	ssub.s32 $0x0, s16;
	v1 =	vmov s17;
	vm0 =	veq.s32 v0, $0x0;
	[sflag:s12] =	ssyncset.done $0x0  }
0x1cc: {  	vm15 =	veq.s32 v0, $0x2;
	v1 =	vsel vm0, s22, v1;
	[sflag:s12] =	ssyncadd.s32 s0  }
0x1cd: {  	v1 =	vsel vm15, s15, v1;
	[sflag:s12] =	ssyncpa.u1 $0x1  }
0x1ce: {  	[tilespmem:$0x3848] =	vst v1  }
.LBB2_14:
0x1cf: {  	s0 =	sadd.s32 $0x1C0, s13  }
0x1d0: {  	s1 =	smov.u32 s8;
	p1 =	slt.s32 s0, s9  }
0x1d1: {  	s1 =	smov.u32 @p1 s0;
	p1 =	sne.s32 s14, s7  }
.Ltmp1:
0x1d2: {  	_ = 	snop;
	(pc) =	sbr.rel @!p1 .LBB2_15-.Ltmp1, $3  }
0x1d3: {  	_ =	sdelay $0x1  }
0x1d4: {  	s31 =	sadd.s32 $0x1, s14;
	s15 =	smov.u32 s13  }
0x1d5: {  	p0 =	por !p0, !p0;
	s14 =	smov.u32 s31;
	s13 =	smov.u32 s1  }
.LBB2_1:
0x1d6: {  	p1 =	sge.u32 s14, s7  }
0x1d7: {  	p2 =	sgt.s32 @!p1 s13, $0x1FF00  }
0x1d8: {  	s16 =	smov.u32 s13;
	s17 =	sshra.s32 @!p1 s13, $0x1F;
	p2 =	por !p2, p1  }
0x1d9: {  	s17 =	sand.u32 @!p1 s17, s13;
	s16 =	simm.s32 @p2 $0x1FF00  }
0x1da: {  	s16 =	ssub.s32 @!p1 s16, s17  }
0x1db: {  	s17 =	sxor.u32 @!p1 $0xFFFFFFFF, s14;
	s16 =	sadd.s32 @!p1 $0xFFFE0100, s16  }
0x1dc: {  	s17 =	sand.u32 @!p1 $0x1, s17;
	s18 =	sshll.u32 @!p1 s16, $0x2  }
0x1dd: {  	p2 =	sgt.s32 @!p1 s16, $0x1BF;
	s16 =	ssub.s32 @!p1 $0x700, s18;
	s18 =	smul.u32 @!p1 $0x700, s17  }
0x1de: {  	s19 =	sshrl.u32 @!p1 s13, $0x3;
	s20 =	sand.u32 @!p1 $0x7, s13  }
0x1df: {  	p2 =	por !p2, p1;
	s16 =	sshrl.u32 @!p1 s16, $0x2;
	s18 =	sshrl.u32 @!p1 s18, $0x2  }
0x1e0: {  	s19 =	sadd.s32 @!p1 s5, s19;
	s16 =	simm.s32 @!p2 $0x0;
	s18 =	sadd.s32 @!p1 $0x3A88, s18  }
0x1e1: {  	[tilespmem:s18], [sflag:$0x9] =	stream.linear.gather @!p1 [hbm4b:s19+s20], s16, $0x38;
	[tilespmem:$0x1FE08] =	vst v63  }
0x1e2: {  	s16 =	ssub.s32 @!p1 $0x20000, s13  }
0x1e3: {  	p2 =	sgt.s32 @!p1 s16, $0x0  }
0x1e4: {  	s17 =	smul.u32 @!p1 $0x38000, s17;
	p2 =	por !p2, p1  }
0x1e5: {  	s16 =	simm.s32 @p2 $0x0  }
0x1e6: {  	s17 =	sshrl.u32 @!p1 s17, $0x2;
	s18 =	sshll.u32 @!p1 s13, $0x4;
	s16 =	smin.u32 @!p1 s16, $0x1C0  }
0x1e7: {  	s17 =	sadd.s32 @!p1 $0x3E08, s17;
	s18 =	sadd.s32 @!p1 s4, s18;
	s16 =	sshll.u32 @!p1 s16, $0x7  }
0x1e8: {  	[tilespmem:s17], [sflag:$0x9] =	stream.linear.gather @!p1 [hbm:s18], s16, $0x38;
	[tilespmem:$0x1FE08] =	vst v63  }
0x1e9: {  	p1 =	seq.s32 s14, $0x0  }
.Ltmp2:
0x1ea: {  	_ = 	snop;
	(pc) =	sbr.rel @p1 .LBB2_14-.Ltmp2, $1  }
0x1eb: {  	_ =	sdelay $0x3  }
0x1ec: {  	p1 =	sgt.s32 s15, $0x1FF00  }
0x1ed: {  	s16 =	smov.u32 s15;
	s17 =	sshra.s32 s15, $0x1F;
	s21 =	ssub.s32 $0x20000, s15  }
0x1ee: {  	s16 =	simm.s32 @!p1 $0x1FF00;
	s17 =	sand.u32 s17, s15;
	p1 =	sgt.s32 s21, $0x0  }
0x1ef: {  	s16 =	ssub.s32 s16, s17;
	s21 =	simm.s32 @!p1 $0x0  }
0x1f0: {  	s16 =	sadd.s32 $0xFFFE0100, s16;
	s29 =	smin.u32 s21, $0x1C0  }
0x1f1: {  	s18 =	sshll.u32 s16, $0x2;
	s17 =	sshll.u32 s29, $0x7  }
0x1f2: {  	p1 =	sgt.s32 s16, $0x1BF;
	s30 =	ssub.s32 $0x700, s18;
	_ =	swait.ge [sflag:s11], s17  }
0x1f3: {  	s17 =	ssub.s32 $0x0, s17;
	[sflag:s11] =	ssyncset.done $0x0;
	s16 =	sshrl.u32 s30, $0x2  }
0x1f4: {  	[sflag:s11] =	ssyncadd.s32 s17;
	s16 =	simm.s32 @p1 $0x0  }
0x1f5: {  	_ =	swait.ge [sflag:s11], s16  }
0x1f6: {  	s16 =	ssub.s32 $0x0, s16;
	[sflag:s11] =	ssyncset.done $0x0  }
0x1f7: {  	[sflag:s11] =	ssyncadd.s32 s16  }
0x1f8: {  	v1 =	vld [tilespmem:$0x3848];
	_ =	sdelay $0x4  }
0x1f9: {  	(v2sf) =	vpush v1, $0x0  }
0x1fa: {  	(v2sf) =	vpush v1, $0x1  }
0x1fb: {  	(v2sf) =	vpush v1, $0x2;
	_ =	sdelay $0x3  }
0x1fc: {  	s16 =	sadd.s32 $0x1C0, s15  }
0x1fd: {  	p1 =	slt.s32 s9, s16  }
0x1fe: {  	s16 =	smov.u32 @p1 s9  }
0x1ff: {  	s20 =	ssub.s32 s16, s15  }
0x200: {  	p1 =	slt.s32 s21, s20  }
0x201: {  	s20 =	smov.u32 @p1 s21  }
0x202: {  	s18 =	simm.s32 $0x1;
	p1 =	slt.s32 s20, $0x1  }
.Ltmp3:
0x203: {  	s18 =	simm.s32 @!p0 $0x0;
	(pc) =	sbr.rel @p1 .LBB2_6-.Ltmp3, $4  }
0x204: {  	s31 =	smul.u32 $0x700, s18  }
0x205: {  	s19 =	spop (v2sf)  }
0x206: {  	s15 =	sshrl.u32 s31, $0x2;
	s21 =	spop (v2sf)  }
0x207: {  	s16 =	sadd.s32 $0x3A88, s15;
	s15 =	spop (v2sf)  }
0x208: {  	s17 =	smin.u32 s20, $0x10  }
0x209: {  	v1 =	vmov s17  }
0x20a: {  	p2 =	sgt.s32 s20, $0x10;
	vm1 =	vgt.u32 v1, v0  }
.Ltmp4:
0x20b: {  	_ = 	snop;
	(pc) =	sbr.rel @!p2 .LBB2_5-.Ltmp4, $2  }
0x20c: {  	_ =	sdelay $0x2  }
0x20d: {  	s22 =	simm.s32 $0x10;
	s23 =	sadd.s32 $0xFFFFFFF0, s20;
	s17 =	smov.u32 s16;
	vm0 =	vmmov vm1  }
.LBB2_4:
0x20e: {  	s24 =	smin.u32 s23, $0x10;
	s22 =	sadd.s32 $0x10, s22;
	v1 =	vld.msk [tilespmem:s17+$0x0 ss:$0x1], vm1  }
0x20f: {  	v2 =	vmov s24;
	p2 =	slt.s32 s22, s20  }
0x210: {  	vm1 =	vgt.u32 v2, v0  }
.Ltmp5:
0x211: {  	(pc) =	sbr.rel @p2 .LBB2_4-.Ltmp5, $3  }
0x212: {  	_ =	sdelay $0x1  }
0x213: {  	v1 =	vshll.u32 v1, $0x4  }
0x214: {  	s23 =	sadd.s32 $0xFFFFFFF0, s23;
	[tilespmem:s17+$0x0] =	vst.msk vm0, v1;
	s17 =	sadd.s32 $0x10, s17;
	vm0 =	vmmov vm1  }
.LBB2_5:
0x215: {  	_ =	sdelay $0x4  }
0x216: {  	v1 =	vld.msk [tilespmem:s17+$0x0 ss:$0x1], vm1;
	_ =	sdelay $0x4  }
0x217: {  	v1 =	vshll.u32 v1, $0x4  }
0x218: {  	[tilespmem:s17+$0x0] =	vst.msk vm0, v1  }
.LBB2_6:
0x219: {  	s17 =	sand.u32 $0x1, s14  }
0x21a: {  	s17 =	smul.u32 $0x1C0, s17  }
0x21b: {  	p2 =	sne.s32 s21, $0xFFFFFFFF  }
0x21c: {  	v1 =	vld.msk @!p2 [tilespmem:s17+$0x3A88], $0x1;
	_ =	sdelay $0x4  }
0x21d: {  	(v2sf) =	vpush @!p2 v1, $0x0;
	_ =	sdelay $0xc  }
.Ltmp6:
0x21e: {  	_ = 	snop;
	(pc) =	sbr.rel @p1 .LBB2_12-.Ltmp6, $4  }
0x21f: {  	_ = 	snop  }
0x220: {  	s22 =	spop @!p2 (v2sf)  }
0x221: {  	s15 =	simm.s32 @!p2 $0x0;
	s17 =	smov.u32 s22  }
0x222: {  	[sflag:s12] =	ssyncpa.u1 $0x0;
	s22 =	smov.u32 @p2 s19;
	s17 =	smov.u32 @p2 s21  }
0x223: {  	v1 =	vld.msk [tilespmem:s16+$0x0], $0x1;
	_ =	sdelay $0x4  }
0x224: {  	(v2sf) =	vpush v1, $0x0;
	_ =	sdelay $0xe  }
0x225: {  	s24 =	spop (v2sf)  }
0x226: {  	p1 =	seq.s32 s22, s24  }
0x227: {  	p2 =	sgt.s32 @!p1 s22, $0x0  }
0x228: {  	s23 =	smov.u32 s22;
	s21 =	sadd.s32 $0xFFFFFFFF, s20;
	p2 =	por !p2, p1  }
0x229: {  	s18 =	smul.u32 $0x38000, s18;
	s23 =	simm.s32 @p2 $0x0;
	p2 =	sne.s32 s21, $0x0  }
.Ltmp7:
0x22a: {  	_ = 	snop;
	(pc) =	sbr.rel @!p2 .LBB2_9-.Ltmp7, $4  }
0x22b: {  	s19 =	simm.s32 $0x0;
	s18 =	sshrl.u32 s18, $0x2  }
0x22c: {  	s18 =	sadd.s32 $0x3E08, s18;
	s25 =	simm.s32 @!p1 $0x1;
	s23 =	smin.u32 @!p1 s23, $0xFFFF  }
0x22d: {  	s26 =	simm.s32 @!p1 $0x1C38;
	s25 =	smov.u32 @p1 s19;
	s29 =	sand.u32 @!p1 $0xFFF8, s23  }
0x22e: {  	s28 =	sand.u32 @!p1 $0x7, s23;
	s23 =	sadd.s32 $0x1, s16;
	s29 =	sadd.s32 @!p1 s3, s29  }
.LBB2_8:
0x22f: {  	s30 =	smov.u32 s25  }
0x230: {  	[tilespmem:s26], [sflag:$0x2] =	stream.linear.gather @!p1 [hbm4b:s29+s28], $0x8, $0x38;
	[tilespmem:$0x1FE08] =	vst v63  }
0x231: {  	s21 =	sadd.s32 $0xFFFFFFFF, s21;
	s28 =	smov.u32 s24;
	v1 =	vld.msk [tilespmem:s23+$0x0], $0x1  }
0x232: {  	p2 =	sne.s32 s21, $0x0;
	_ =	sdelay $0x3  }
0x233: {  	(v2sf) =	vpush v1, $0x0;
	_ =	sdelay $0xe  }
0x234: {  	s24 =	spop (v2sf)  }
0x235: {  	p1 =	seq.s32 s28, s24  }
0x236: {  	p3 =	sgt.s32 @!p1 s28, $0x0;
	s26 =	sshll.u32 @!p1 s25, $0x6;
	s25 =	sadd.s32 @!p1 $0x1, s25  }
.Ltmp8:
0x237: {  	p3 =	por !p3, p1;
	s26 =	sshra.s32 @!p1 s26, $0x2;
	(pc) =	sbr.rel @p2 .LBB2_8-.Ltmp8, $4  }
0x238: {  	s25 =	smov.u32 @p1 s30;
	s28 =	simm.s32 @p3 $0x0;
	s26 =	sadd.s32 @!p1 $0x1C38, s26  }
0x239: {  	s28 =	smin.u32 @!p1 s28, $0xFFFF  }
0x23a: {  	s29 =	sand.u32 @!p1 $0xFFF8, s28;
	s28 =	sand.u32 @!p1 $0x7, s28  }
0x23b: {  	s23 =	sadd.s32 $0x1, s23;
	s29 =	sadd.s32 @!p1 s3, s29  }
.LBB2_9:
0x23c: {  	[tilespmem:s26], [sflag:$0x2] =	stream.linear.gather @!p1 [hbm4b:s29+s28], $0x8, $0x38;
	[tilespmem:$0x1FE08] =	vst v63  }
0x23d: {  	s21 =	sshll.u32 s25, $0x3  }
0x23e: {  	s21 =	sand.u32 $0x3FFFFFF8, s21  }
0x23f: {  	_ =	swait.ge [sflag:s10], s21  }
0x240: {  	s21 =	ssub.s32 $0x0, s21;
	[sflag:s10] =	ssyncset.done $0x0  }
0x241: {  	[sflag:s10] =	ssyncadd.s32 s21  }
0x242: {  	v1 =	vld.msk [tilespmem:s16+$0x0], $0x1;
	_ =	sdelay $0x4  }
0x243: {  	(v2sf) =	vpush v1, $0x0;
	_ =	sdelay $0xe  }
0x244: {  	s21 =	spop (v2sf)  }
0x245: {  	p1 =	sne.s32 s22, s21  }
0x246: {  	p3 =	sne.s32 @p1 s22, s17  }
0x247: {  	p2 =	por !p3, !p1  }
0x248: {  	s23 =	simm.s32 @!p2 $0x0  }
0x249: {  	v1 =	vld.msk @!p2 [tilespmem:s23+$0x1C38], $0xff  }
0x24a: {  	p4 =	sgt.u32 @!p2 s22, $0xFFFF  }
0x24b: {  	s24 =	sshll.u32 @!p2 s15, $0x6;
	p5 =	por @p1 p4, !p3  }
0x24c: {  	s24 =	sshra.s32 @!p2 s24, $0x2;
	p6 =	por p5, !p1;
	p5 =	por p3, !p1  }
0x24d: {  	s25 =	sadd.s32 @!p2 $0x28, s24;
	s26 =	sand.u32 @!p6 $0xFFF8, s22;
	s28 =	sshll.u32 @!p5 s15, $0x6  }
0x24e: {  	s22 =	sand.u32 @!p6 $0x7, s22;
	[tilespmem:s24+$0x28] =	vst.add.f32.msk @!p2 $0xff, v1;
	s24 =	sadd.s32 @!p6 s3, s26;
	s26 =	sshra.s32 @!p5 s28, $0x2  }
0x24f: {  	[hbm4b:s24+s22] =	stream.linear.scatter @!p6 [tilespmem:s25], [sflag:$0xA], $0x8, $0x38;
	[tilespmem:$0x1FE08] =	vst v63  }
0x250: {  	s23 =	rddreg [dreg:$0x5];
	s22 =	sadd.s32 @!p5 $0x28, s26;
	s24 =	simm.s32 @!p5 $0x1  }
0x251: {  	[spmem:s23] =	stream.linear.scatter @!p5 [tilespmem:s22], [sflag:$0x1], $0x8, $0x38;
	[tilespmem:$0x1FE08] =	vst v63  }
0x252: {  	s22 =	sadd.s32 @p1 $0x1, s15;
	_ =	swait.ge @!p5 [sflag:s24], $0x8  }
0x253: {  	s23 =	sshrl.u32 @p1 s22, $0x6;
	[sflag:s24] =	ssyncset.done @!p5 $0x0  }
0x254: {  	s23 =	smulhi.u32 @p1 $0x24924925, s23;
	[sflag:s24] =	ssyncadd.s32 @!p5 $0xFFFFFFF8  }
0x255: {  	s20 =	sadd.s32 $0xFFFFFFFF, s20;
	v1 =	vld.msk @p1 [tilespmem:s18+$0x0], $0xff  }
0x256: {  	p4 =	por @p1 !p4, !p3;
	p3 =	sne.s32 s20, $0x0;
	s23 =	smul.u32 @p1 $0x1C0, s23  }
.Ltmp9:
0x257: {  	p4 =	por !p4, !p1;
	s24 =	simm.s32 @!p2 $0x0;
	(pc) =	sbr.rel @!p3 .LBB2_11-.Ltmp9, $4  }
0x258: {  	s25 =	sshll.u32 @!p1 s15, $0x6;
	s24 =	simm.s32 @!p4 $0x20;
	s22 =	ssub.s32 @p1 s22, s23  }
0x259: {  	s26 =	simm.s32 @p1 $0x1;
	s24 =	sadd.s32 @!p2 $0x0, s24;
	s23 =	sshll.u32 @p1 s22, $0x4  }
0x25a: {  	s24 =	smov.u32 @p2 s19;
	s15 =	smov.u32 @p1 s22;
	s22 =	simm.s32 $0x0;
	[tilespmem:s23+$0x28] =	vst.msk @p1 $0xff, v1  }
0x25b: {  	s19 =	smov.u32 @p1 s26;
	s22 =	smov.u32 @p1 s24;
	s23 =	sshra.s32 @!p1 s25, $0x2;
	v1 =	vld.msk @!p1 [tilespmem:s18+$0x0], $0xff  }
.LBB2_10:
0x25c: {  	_ =	sdelay $0x3  }
0x25d: {  	s16 =	sadd.s32 $0x1, s16;
	[tilespmem:s23+$0x28] =	vst.add.f32.msk @!p1 $0xff, v1  }
0x25e: {  	v1 =	vld.msk [tilespmem:s16+$0x0], $0x1;
	_ =	sdelay $0x4  }
0x25f: {  	(v2sf) =	vpush v1, $0x0;
	_ =	sdelay $0xe  }
0x260: {  	s24 =	smov.u32 s21;
	s21 =	spop (v2sf)  }
0x261: {  	p1 =	sne.s32 s24, s21  }
0x262: {  	p4 =	sne.s32 @p1 s24, s17  }
0x263: {  	p3 =	por !p4, !p1  }
0x264: {  	s29 =	sshll.u32 @!p3 s19, $0x6  }
0x265: {  	s29 =	sshra.s32 @!p3 s29, $0x2  }
0x266: {  	p5 =	sgt.u32 @!p3 s24, $0xFFFF;
	v1 =	vld.msk @!p3 [tilespmem:s29+$0x1C38], $0xff  }
0x267: {  	s30 =	sshll.u32 @!p3 s15, $0x6;
	p6 =	por @p1 p5, !p4;
	p5 =	por @p1 !p5, !p4  }
0x268: {  	s31 =	simm.s32 @!p3 $0x0;
	s30 =	sshra.s32 @!p3 s30, $0x2;
	p5 =	por !p5, !p1  }
0x269: {  	p4 =	por p4, !p1;
	s31 =	simm.s32 @!p5 $0x20;
	p5 =	por p6, !p1  }
0x26a: {  	s29 =	sadd.s32 @!p3 $0x28, s30;
	s2 =	sshll.u32 @!p4 s15, $0x6;
	s1 =	sand.u32 @!p5 $0xFFF8, s24  }
0x26b: {  	s2 =	sshra.s32 @!p4 s2, $0x2;
	s24 =	sand.u32 @!p5 $0x7, s24;
	s1 =	sadd.s32 @!p5 s3, s1;
	[tilespmem:s30+$0x28] =	vst.add.f32.msk @!p3 $0xff, v1  }
0x26c: {  	[hbm4b:s1+s24] =	stream.linear.scatter @!p5 [tilespmem:s29], [sflag:$0xA], $0x8, $0x38;
	[tilespmem:$0x1FE08] =	vst v63  }
0x26d: {  	s25 =	rddreg [dreg:$0x5];
	s1 =	sadd.s32 @!p4 $0x28, s2;
	s2 =	simm.s32 @!p4 $0x1  }
0x26e: {  	[spmem:s25] =	stream.linear.scatter @!p4 [tilespmem:s1], [sflag:$0x1], $0x8, $0x38;
	[tilespmem:$0x1FE08] =	vst v63  }
0x26f: {  	s26 =	sadd.s32 @p1 $0x1, s15;
	_ =	swait.ge @!p4 [sflag:s2], $0x8  }
0x270: {  	s28 =	sshrl.u32 @p1 s26, $0x6;
	[sflag:s2] =	ssyncset.done @!p4 $0x0  }
0x271: {  	s18 =	sadd.s32 $0x80, s18;
	s28 =	smulhi.u32 @p1 $0x24924925, s28;
	[sflag:s2] =	ssyncadd.s32 @!p4 $0xFFFFFFF8  }
0x272: {  	s20 =	sadd.s32 $0xFFFFFFFF, s20;
	v1 =	vld.msk @p1 [tilespmem:s18+$0x0], $0xff  }
0x273: {  	p2 =	sne.s32 s20, $0x0;
	s28 =	smul.u32 @p1 $0x1C0, s28  }
.Ltmp10:
0x274: {  	_ = 	snop;
	(pc) =	sbr.rel @p2 .LBB2_10-.Ltmp10, $4  }
0x275: {  	s26 =	ssub.s32 @p1 s26, s28  }
0x276: {  	s23 =	sshll.u32 @!p1 s15, $0x6;
	s31 =	sadd.s32 @!p3 s31, s22;
	s24 =	sshll.u32 @p1 s26, $0x4  }
0x277: {  	s0 =	sadd.s32 @p1 $0x1, s19;
	s23 =	sshra.s32 @!p1 s23, $0x2;
	s31 =	smov.u32 @p3 s22;
	[tilespmem:s24+$0x28] =	vst.msk @p1 $0xff, v1  }
0x278: {  	s19 =	smov.u32 @p1 s0;
	s15 =	smov.u32 @p1 s26;
	s22 =	smov.u32 @p1 s31;
	v1 =	vld.msk @!p1 [tilespmem:s18+$0x0], $0xff  }
.LBB2_11:
.Ltmp11:
0x279: {  	_ = 	snop;
	(pc) =	sbr.rel .LBB2_13-.Ltmp11, $2  }
0x27a: {  	_ =	sdelay $0x2  }
0x27b: {  	s16 =	sshrl.u32 s22, $0x2;
	s22 =	smov.u32 s21;
	[tilespmem:s23+$0x28] =	vst.add.f32.msk @!p1 $0xff, v1  }
.LBB2_15:
0x27c: {  	_ =	sfence.sel $0x180000  }
0x27d: {  	s0 =	simm.s32 $0x9;
	[bflag:$0x0] =	sbarrier.arrive $0xFFFF  }
0x27e: {  	s26 =	simm.s32 $0x2;
	[sflag:s0] =	ssyncpa.u1 $0x1  }
0x27f: {  	[sflag:s26] =	ssyncpa.u1 $0x1  }
0x280: {  	v0 =	vld [tilespmem:$0x3848];
	_ =	sdelay $0x4  }
0x281: {  	(v2sf) =	vpush v0, $0x0  }
0x282: {  	(v2sf) =	vpush v0, $0x1;
	_ =	sdelay $0x1  }
0x283: {  	(v2sf) =	vpush v0, $0x2;
	_ =	sdelay $0xb  }
0x284: {  	s0 =	spop (v2sf)  }
0x285: {  	s1 =	spop (v2sf)  }
0x286: {  	s2 =	smov.u32 s0;
	p0 =	sne.s32 s0, s1  }
0x287: {  	s4 =	spop (v2sf);
	s2 =	simm.s32 @!p0 $0xFFFFFFFF  }
0x288: {  	v2 =	vimm.s32 $0x1;
	v3 =	vlaneseq.u32;
	p0 =	seq.s32 s4, $0xFFFFFFFF;
	v1 =	vmov s2  }
0x289: {  	v0 =	vperm.xlane v0, v2;
	p1 =	sne.s32 @!p0 s0, s1;
	v1 =	vperm.xlane v1, v3  }
0x28a: {  	vm0 =	vcmask $0x3F04;
	s7 =	simm.s32 $0x3848;
	s0 =	simm.s32 @!p0 $0x1;
	p1 =	por !p1, p0  }
0x28b: {  	s2 =	sshll.u32 s6, $0x1;
	s1 =	sshll.u32 @!p0 s4, $0x6;
	s0 =	simm.s32 @p1 $0x0;
	v0 =	vsel vm0, v1, v0  }
0x28c: {  	s5 =	sor.u32 $0x200, s2;
	s1 =	sshra.s32 @!p0 s1, $0x2;
	s0 =	sor.u32 @!p0 s0, s2;
	[tilespmem:$0x3848] =	vst v0  }
0x28d: {  	[spmem:s5] =	stream.linear.scatter [tilespmem:s7], [sflag:$0x1], $0x2, $0x38;
	[tilespmem:$0x1FE08] =	vst v63  }
0x28e: {  	s1 =	sadd.s32 @!p0 $0x28, s1;
	s0 =	sshll.u32 @!p0 s0, $0x4  }
0x28f: {  	[spmem:s0] =	stream.linear.scatter @!p0 [tilespmem:s1], [sflag:$0x1], $0x10, $0x38;
	[tilespmem:$0x1FE08] =	vst v63  }
0x290: {  	s0 =	simm.s32 @!p0 $0x12  }
0x291: {  	s28 =	simm.s32 $0x1;
	s0 =	simm.s32 @p0 $0x2  }
0x292: {  	_ =	swait.ge [sflag:s28], s0  }
0x293: {  	s0 =	ssub.s32 $0x0, s0;
	[sflag:s28] =	ssyncset.done $0x0  }
0x294: {  	[sflag:s28] =	ssyncadd.s32 s0  }
0x295: {  	p0 =	sne.s32 s6, $0x0;
	_ =	sfence.stream.spmem  }
.Ltmp12:
0x296: {  	s29 =	simm.s32 $0x3;
	[bflag:$0x0] =	sbarrier.arrive $0xFFFF;
	(pc) =	sbr.rel @p0 .LBB2_32-.Ltmp12, $4  }
0x297: {  	s30 =	simm.s32 $0x4;
	[sflag:s29] =	ssyncpa.u1 $0x1  }
0x298: {  	[sflag:s30] =	ssyncpa.u1 $0x1  }
0x299: {  	s31 =	simm.s32 $0x3C;
	s16 =	rddreg [dreg:$0x2]  }
0x29a: {  	[sflag:s31] =	ssyncpa.u1 $0x1;
	s4 =	sand.u32 $0x1, s16  }
0x29b: {  	_ =	sfence.stream.spmem;
	s0 =	simm.s32 $0x5  }
0x29c: {  	s1 =	simm.s32 $0x200;
	s2 =	simm.s32 $0x3858;
	[sflag:s0] =	ssyncpa.u1 $0x0  }
0x29d: {  	[tilespmem:s2], [sflag:$0x5] =	stream.linear.gather [spmem:s1], $0x20, $0x38;
	[tilespmem:$0x1FE08] =	vst v63  }
0x29e: {  	s26 =	simm.s32 $0x0;
	s28 =	simm.s32 $0x3878  }
0x29f: {  	[tilespmem:s28], [sflag:$0x5] =	stream.linear.gather [spmem:s26], $0x200, $0x38;
	[tilespmem:$0x1FE08] =	vst v63  }
0x2a0: {  	_ =	swait.ge [sflag:s0], $0x220  }
0x2a1: {  	[sflag:s0] =	ssyncset.done $0x0  }
0x2a2: {  	s29 =	simm.s32 $0x0;
	[sflag:s0] =	ssyncadd.s32 $0xFFFFFDE0  }
0x2a3: {  	v0 =	vld.msk [tilespmem:s29+$0x3858], $0x1;
	_ =	sdelay $0x1  }
0x2a4: {  	s30 =	simm.s32 $0x1  }
0x2a5: {  	v1 =	vld.msk [tilespmem:s30+$0x3858], $0x1;
	_ =	sdelay $0x1  }
0x2a6: {  	(v2sf) =	vpush v0, $0x0;
	_ =	sdelay $0x2  }
0x2a7: {  	(v2sf) =	vpush v1, $0x0;
	_ =	sdelay $0x2  }
0x2a8: {  	s31 =	simm.s32 $0x2  }
0x2a9: {  	v0 =	vld.msk [tilespmem:s31+$0x3858], $0x1;
	_ =	sdelay $0x2  }
0x2aa: {  	s7 =	simm.s32 $0xFFFFFFFF;
	s5 =	simm.s32 $0xC;
	s8 =	simm.s32 $0xFFFFFFFF  }
.LBB2_17:
0x2ab: {  	s0 =	smov.u32 s8;
	s1 =	smov.u32 s7  }
0x2ac: {  	s2 =	sshra.s32 s5, $0x2;
	p1 =	sne.s32 s5, $0x7C;
	s5 =	sadd.s32 $0x4, s5;
	(v2sf) =	vpush v0, $0x0  }
0x2ad: {  	v0 =	vld.msk [tilespmem:s2+$0x3858], $0x1  }
.Ltmp13:
0x2ae: {  	(pc) =	sbr.rel @p1 .LBB2_17-.Ltmp13, $4  }
0x2af: {  	s8 =	spop (v2sf)  }
0x2b0: {  	p2 =	sne.s32 s7, $0xFFFFFFFF;
	s7 =	smov.u32 s8  }
0x2b1: {  	p3 =	seq.s32 s8, $0xFFFFFFFF;
	s7 =	smov.u32 @p2 s1  }
0x2b2: {  	s8 =	smov.u32 @p3 s0;
	s7 =	smov.u32 @p3 s1  }
0x2b3: {  	(v2sf) =	vpush v0, $0x0;
	_ =	sdelay $0x8  }
0x2b4: {  	s0 =	spop (v2sf)  }
0x2b5: {  	p1 =	sne.s32 s7, $0xFFFFFFFF;
	s1 =	smov.u32 s0  }
0x2b6: {  	s9 =	simm.s32 $0x6;
	p2 =	seq.s32 s0, $0xFFFFFFFF;
	s1 =	smov.u32 @p1 s7  }
0x2b7: {  	s10 =	simm.s32 $0x3838;
	s1 =	smov.u32 @p2 s7;
	s2 =	spop (v2sf)  }
0x2b8: {  	s0 =	smov.u32 @p2 s8;
	p1 =	sne.s32 s1, $0xFFFFFFFF;
	s5 =	smov.u32 s2  }
.Ltmp14:
0x2b9: {  	p2 =	seq.s32 s2, $0xFFFFFFFF;
	s5 =	smov.u32 @p1 s1;
	(pc) =	sbr.rel .LBB2_19-.Ltmp14, $4  }
0x2ba: {  	s11 =	simm.s32 $0x0;
	s5 =	smov.u32 @p2 s1;
	s7 =	spop (v2sf)  }
0x2bb: {  	[sflag:s9] =	ssyncpa.u1 $0x0;
	p1 =	sne.s32 s5, $0xFFFFFFFF;
	s8 =	smov.u32 s7  }
0x2bc: {  	s2 =	smov.u32 @p2 s0;
	p2 =	seq.s32 s7, $0xFFFFFFFF;
	s8 =	smov.u32 @p1 s5  }
0x2bd: {  	s7 =	smov.u32 @p2 s2;
	s8 =	smov.u32 @p2 s5;
	s5 =	simm.s32 $0x0  }
.LBB2_24:
0x2be: {  	p1 =	sgt.u32 s12, $0xFFFF  }
0x2bf: {  	p2 =	seq.s32 @!p1 s12, s8  }
0x2c0: {  	p1 =	por p1, p2  }
0x2c1: {  	p2 =	sne.s32 @!p1 s12, s7  }
0x2c2: {  	p1 =	por p1, !p2  }
0x2c3: {  	s12 =	sshll.u32 @p1 s11, $0x6  }
0x2c4: {  	s0 =	sand.u32 @!p1 $0xFFF8, s12  }
0x2c5: {  	s1 =	sand.u32 @!p1 $0x7, s12;
	s0 =	sadd.s32 @!p1 s3, s0  }
0x2c6: {  	[tilespmem:s10], [sflag:$0x6] =	stream.linear.gather @!p1 [hbm4b:s0+s1], $0x8, $0x38;
	[tilespmem:$0x1FE08] =	vst v63  }
0x2c7: {  	_ =	swait.ge @!p1 [sflag:s9], $0x8  }
0x2c8: {  	[sflag:s9] =	ssyncset.done @!p1 $0x0  }
0x2c9: {  	[sflag:s9] =	ssyncadd.s32 @!p1 $0xFFFFFFF8  }
0x2ca: {  	v1 =	vld @!p1 [tilespmem:$0x3838];
	_ =	sdelay $0x2  }
0x2cb: {  	s12 =	sshll.u32 @!p1 s11, $0x6  }
0x2cc: {  	s0 =	sshrl.u32 @!p1 s12, $0x2  }
0x2cd: {  	[tilespmem:s0+$0x3878] =	vst.add.f32.msk @!p1 $0xffff, v1  }
0x2ce: {  	s30 =	sshrl.u32 s12, $0x2;
	[tilespmem:s5+$0x3858] =	vst.msk $0x1, v0  }
0x2cf: {  	v0 =	vld [tilespmem:s30+$0x3878];
	_ =	sdelay $0x2  }
0x2d0: {  	s31 =	sshll.u32 s5, $0x6  }
0x2d1: {  	s0 =	sshra.s32 s31, $0x2  }
0x2d2: {  	s5 =	sadd.s32 $0x1, s5;
	[tilespmem:s0+$0x3878] =	vst v0  }
.LBB2_26:
0x2d3: {  	s11 =	sadd.s32 $0x1, s11  }
0x2d4: {  	p1 =	sne.s32 s11, $0x20  }
.Ltmp15:
0x2d5: {  	_ = 	snop;
	(pc) =	sbr.rel @!p1 .LBB2_27-.Ltmp15, $1  }
0x2d6: {  	_ =	sdelay $0x3  }
.LBB2_19:
0x2d7: {  	v0 =	vld.msk [tilespmem:s11+$0x3858], $0x1;
	_ =	sdelay $0x4  }
0x2d8: {  	(v2sf) =	vpush v0, $0x0;
	_ =	sdelay $0xe  }
0x2d9: {  	s12 =	spop (v2sf)  }
0x2da: {  	p1 =	seq.s32 s12, $0xFFFFFFFF  }
.Ltmp16:
0x2db: {  	_ = 	snop;
	(pc) =	sbr.rel @p1 .LBB2_26-.Ltmp16, $1  }
0x2dc: {  	_ =	sdelay $0x3  }
0x2dd: {  	p1 =	slt.s32 s5, $0x1  }
.Ltmp17:
0x2de: {  	_ = 	snop;
	(pc) =	sbr.rel @p1 .LBB2_24-.Ltmp17, $1  }
0x2df: {  	_ =	sdelay $0x3  }
0x2e0: {  	s13 =	simm.s32 $0x3858;
	p1 =	por $0x0, $0x0  }
0x2e1: {  	v1 =	vld.msk @!p1 [tilespmem:s13+$0x0], $0x1;
	_ =	sdelay $0x4  }
0x2e2: {  	(v2sf) =	vpush @!p1 v1, $0x0;
	_ =	sdelay $0xd  }
0x2e3: {  	p3 =	sne.s32 s5, $0x1  }
.Ltmp18:
0x2e4: {  	s0 =	spop @!p1 (v2sf);
	(pc) =	sbr.rel @!p3 .LBB2_23-.Ltmp18, $4  }
0x2e5: {  	p2 =	seq.s32 @!p1 s12, s0  }
0x2e6: {  	s14 =	simm.s32 $0x0;
	p2 =	por !p2, p1  }
0x2e7: {  	s0 =	simm.s32 $0xFFFFFFFF;
	s14 =	simm.s32 @p2 $0xFFFFFFFF  }
0x2e8: {  	s15 =	simm.s32 $0x1;
	s14 =	smov.u32 @p1 s0  }
.LBB2_22:
0x2e9: {  	s0 =	smov.u32 s14;
	p1 =	sne.s32 s14, $0xFFFFFFFF  }
0x2ea: {  	s13 =	sadd.s32 $0x1, s13;
	s14 =	smov.u32 s15;
	s15 =	sadd.s32 $0x1, s15  }
0x2eb: {  	p2 =	sne.s32 s5, s15;
	v1 =	vld.msk @!p1 [tilespmem:s13+$0x0], $0x1;
	_ =	sdelay $0x4  }
0x2ec: {  	(v2sf) =	vpush @!p1 v1, $0x0;
	_ =	sdelay $0xe  }
.Ltmp19:
0x2ed: {  	s1 =	spop @!p1 (v2sf);
	(pc) =	sbr.rel @p2 .LBB2_22-.Ltmp19, $4  }
0x2ee: {  	p3 =	seq.s32 @!p1 s12, s1  }
0x2ef: {  	p3 =	por !p3, p1  }
0x2f0: {  	s14 =	simm.s32 @p3 $0xFFFFFFFF  }
0x2f1: {  	s14 =	smov.u32 @p1 s0  }
.LBB2_23:
0x2f2: {  	p1 =	sne.s32 s14, $0xFFFFFFFF  }
.Ltmp20:
0x2f3: {  	_ = 	snop;
	(pc) =	sbr.rel @!p1 .LBB2_24-.Ltmp20, $1  }
0x2f4: {  	_ =	sdelay $0x3  }
0x2f5: {  	s0 =	sshll.u32 s11, $0x4  }
0x2f6: {  	s0 =	sand.u32 $0x3FFFFFF0, s0  }
0x2f7: {  	v0 =	vld [tilespmem:s0+$0x3878]  }
.Ltmp21:
0x2f8: {  	_ = 	snop;
	(pc) =	sbr.rel .LBB2_26-.Ltmp21, $4  }
0x2f9: {  	_ = 	snop  }
0x2fa: {  	s31 =	sshll.u32 s14, $0x6  }
0x2fb: {  	s0 =	sshra.s32 s31, $0x2  }
0x2fc: {  	[tilespmem:s0+$0x3878] =	vst.add.f32.msk $0xffff, v0  }
.LBB2_27:
0x2fd: {  	s0 =	simm.s32 $0x6;
	p1 =	seq.s32 s5, $0x0  }
0x2fe: {  	[sflag:s0] =	ssyncpa.u1 $0x1;
	v0 =	vimm.s32 @p1 $0xFFFFFFFF  }
0x2ff: {  	s9 =	sadd.s32 $0xFFFFFFFF, s5;
	[tilespmem:$0x3A78] =	vst @p1 v0  }
0x300: {  	v0 =	vld.msk @!p1 [tilespmem:s9+$0x3858], $0x1;
	_ =	sdelay $0x1  }
0x301: {  	v1 =	vld.msk @!p1 [tilespmem:$0x3858], $0x1;
	_ =	sdelay $0x2  }
0x302: {  	p2 =	seq.s32 @!p1 s9, $0x0;
	v0 =	vbroadcast @!p1 v0, $0x0  }
0x303: {  	vm0 =	vmmov @!p1 $0x1;
	p2 =	por !p2, p1  }
0x304: {  	v1 =	vnsel @!p1 vm0, $0xFFFFFFFF, v1;
	vm0 =	vcmask @!p1 $0x308;
	v0 =	vpsel !p2, $0xFFFFFFFF, v0  }
0x305: {  	p2 =	sne.s32 @!p1 s8, s7;
	v0 =	vsel @!p1 vm0, v1, v0  }
0x306: {  	s0 =	simm.s32 @!p1 $0x3878;
	s1 =	simm.s32 @!p1 $0x0;
	p3 =	por !p2, p1;
	[tilespmem:$0x3A78] =	vst @!p1 v0  }
0x307: {  	[spmem:s1] =	stream.linear.scatter @!p1 [tilespmem:s0], [sflag:$0x1], $0x10, $0x38;
	[tilespmem:$0x1FE08] =	vst v63  }
0x308: {  	s0 =	sshll.u32 @!p3 s9, $0x6  }
0x309: {  	s0 =	sshra.s32 @!p3 s0, $0x2  }
0x30a: {  	s1 =	simm.s32 @!p3 $0x10;
	s0 =	sadd.s32 @!p3 $0x3878, s0  }
0x30b: {  	[spmem:s1] =	stream.linear.scatter @!p3 [tilespmem:s0], [sflag:$0x1], $0x10, $0x38;
	[tilespmem:$0x1FE08] =	vst v63  }
0x30c: {  	s0 =	simm.s32 @!p3 $0x1  }
0x30d: {  	_ =	swait.ge @!p3 [sflag:s0], $0x20  }
0x30e: {  	p1 =	por p2, p1;
	[sflag:s0] =	ssyncset.done @!p3 $0x0  }
0x30f: {  	[sflag:s0] =	ssyncadd.s32 @!p3 $0xFFFFFFE0;
	s0 =	simm.s32 @!p1 $0x1  }
0x310: {  	_ =	swait.ge @!p1 [sflag:s0], $0x10  }
0x311: {  	s29 =	simm.s32 $0x3A78;
	[sflag:s0] =	ssyncset.done @!p1 $0x0  }
0x312: {  	s30 =	simm.s32 $0x200;
	s31 =	simm.s32 $0x1;
	[sflag:s0] =	ssyncadd.s32 @!p1 $0xFFFFFFF0  }
0x313: {  	[spmem:s30] =	stream.linear.scatter [tilespmem:s29], [sflag:$0x1], $0x10, $0x38;
	[tilespmem:$0x1FE08] =	vst v63  }
0x314: {  	_ =	swait.ge [sflag:s31], $0x10  }
0x315: {  	[sflag:s31] =	ssyncset.done $0x0  }
0x316: {  	p1 =	seq.s32 s4, $0x0;
	[sflag:s31] =	ssyncadd.s32 $0xFFFFFFF0  }
0x317: {  	s1 =	sshll.u32 @p1 s16, $0xE;
	s10 =	rddreg [dreg:$0x3]  }
0x318: {  	s0 =	sadd.s32 @p1 $0x15C3C, s1;
	s1 =	sshll.u32 @p1 s10, $0x11  }
0x319: {  	_ =	sfence.stream.spmem;
	s0 =	sor.u32 @p1 s1, s0  }
0x31a: {  	[sflag:s0] =	ssyncadd.remote.s32 @p1 $0x1;
	s0 =	simm.s32 @p1 $0x4  }
0x31b: {  	s2 =	simm.s32 @!p1 $0x3C;
	s1 =	sand.u32 $0xFFFFFFFE, s16;
	_ =	swait.ge @p1 [sflag:s0], $0x6  }
0x31c: {  	s7 =	simm.s32 @!p1 $0x0;
	s1 =	sadd.s32 @!p1 $0x4, s1;
	[sflag:s0] =	ssyncset.done @p1 $0x0  }
0x31d: {  	s8 =	simm.s32 @!p1 $0x20;
	[sflag:s0] =	ssyncadd.s32 @p1 $0xFFFFFFFA;
	s0 =	sshll.u32 @!p1 s1, $0x1A  }
0x31e: {  	s1 =	sshll.u32 @!p1 s1, $0xD;
	s0 =	sor.u32 @!p1 s0, s10;
	_ =	swait.eq @!p1 [sflag:s2], $0x1  }
0x31f: {  	s1 =	sor.u32 @!p1 $0x1C04, s1;
	s2 =	simm.s32 @!p1 $0x1C03;
	s0 =	sor.u32 @!p1 $0x80004000, s0  }
0x320: {  	[spmem:s8], [sflag:s1] =	dma.general @!p1 [spmem:s7], [sflag:s2], length:$0x4, [dreg:$0x0], stride_count:$0x0, ici_dest:s0, dma_misc:DstOpCode:WRITE  }
0x321: {  	p2 =	slt.s32 s9, $0x2;
	s7 =	simm.s32 @!p1 $0x40;
	s8 =	simm.s32 @!p1 $0x42  }
0x322: {  	[spmem:s8], [sflag:s1] =	dma.general @!p1 [spmem:s7], [sflag:s2], length:$0x2, [dreg:$0x0], stride_count:$0x0, ici_dest:s0, dma_misc:DstOpCode:WRITE  }
.Ltmp22:
0x323: {  	s0 =	simm.s32 @!p1 $0x3;
	(pc) =	sbr.rel @p2 .LBB2_31-.Ltmp22, $4  }
0x324: {  	s1 =	sshll.u32 @!p1 s16, $0xE;
	_ =	swait.ge @!p1 [sflag:s0], $0x6  }
0x325: {  	s2 =	sshll.u32 @!p1 s10, $0x11;
	s1 =	sadd.s32 @!p1 $0x11C3C, s1;
	[sflag:s0] =	ssyncset.done @!p1 $0x0  }
0x326: {  	[sflag:s0] =	ssyncadd.s32 @!p1 $0xFFFFFFFA;
	s0 =	sor.u32 @!p1 s2, s1  }
0x327: {  	s1 =	simm.s32 $0x0;
	[sflag:s0] =	ssyncadd.remote.s32 @!p1 $0xFFFFFFFF  }
0x328: {  	s0 =	simm.s32 $0x3859  }
0x329: {  	v0 =	vld.msk [tilespmem:s0+$0x0], $0x1;
	_ =	sdelay $0x4  }
0x32a: {  	(v2sf) =	vpush v0, $0x0;
	_ =	sdelay $0xc  }
0x32b: {  	s2 =	sadd.s32 $0xFFFFFFFE, s5  }
0x32c: {  	s2 =	sadd.s32 $0xFFFFFFFF, s2  }
0x32d: {  	p2 =	sne.s32 s2, $0x0;
	s0 =	spop (v2sf)  }
.Ltmp23:
0x32e: {  	p1 =	sgt.u32 s0, $0xFFFF;
	(pc) =	sbr.rel @!p2 .LBB2_30-.Ltmp23, $4  }
0x32f: {  	s1 =	simm.s32 $0x3888;
	s5 =	sand.u32 @!p1 $0xFFF8, s0  }
0x330: {  	s8 =	simm.s32 $0x0;
	s0 =	sand.u32 @!p1 $0x7, s0;
	s5 =	sadd.s32 @!p1 s3, s5  }
0x331: {  	[hbm4b:s5+s0] =	stream.linear.scatter @!p1 [tilespmem:s1], [sflag:$0x5], $0x8, $0x38;
	[tilespmem:$0x1FE08] =	vst v63  }
0x332: {  	s7 =	simm.s32 $0x385A;
	s8 =	simm.s32 @!p1 $0x20;
	s5 =	simm.s32 $0x0  }
.LBB2_29:
0x333: {  	v0 =	vld.msk [tilespmem:s7+$0x0], $0x1;
	s2 =	sadd.s32 $0xFFFFFFFF, s2;
	s5 =	sadd.s32 s5, s8  }
0x334: {  	p1 =	sne.s32 s2, $0x0;
	_ =	sdelay $0x3  }
0x335: {  	(v2sf) =	vpush v0, $0x0;
	_ =	sdelay $0xe  }
.Ltmp24:
0x336: {  	s0 =	spop (v2sf);
	(pc) =	sbr.rel @p1 .LBB2_29-.Ltmp24, $4  }
0x337: {  	s8 =	simm.s32 $0x0;
	p2 =	sgt.u32 s0, $0xFFFF  }
0x338: {  	s1 =	sadd.s32 $0x10, s1;
	s8 =	simm.s32 @!p2 $0x20;
	s9 =	sand.u32 @!p2 $0xFFF8, s0  }
0x339: {  	s7 =	sadd.s32 $0x1, s7;
	s0 =	sand.u32 @!p2 $0x7, s0;
	s9 =	sadd.s32 @!p2 s3, s9  }
0x33a: {  	[hbm4b:s9+s0] =	stream.linear.scatter @!p2 [tilespmem:s1], [sflag:$0x5], $0x8, $0x38;
	[tilespmem:$0x1FE08] =	vst v63  }
.LBB2_30:
0x33b: {  	s0 =	sadd.s32 s5, s8  }
0x33c: {  	s1 =	sshrl.u32 s0, $0x2  }
.LBB2_31:
0x33d: {  	s0 =	simm.s32 $0x5  }
0x33e: {  	_ =	swait.ge [sflag:s0], s1  }
0x33f: {  	s31 =	ssub.s32 $0x0, s1;
	[sflag:s0] =	ssyncset.done $0x0  }
0x340: {  	[sflag:s0] =	ssyncadd.s32 s31  }
0x341: {  	[sflag:s0] =	ssyncpa.u1 $0x1  }
.LBB2_32:
0x342: {  	s0 =	sor.u32 s4, s6  }
0x343: {  	p1 =	sne.s32 s0, $0x0  }
.Ltmp25:
0x344: {  	_ = 	snop;
	(pc) =	sbr.rel @p1 .LBB2_47-.Ltmp25, $3  }
0x345: {  	_ =	sdelay $0x1  }
0x346: {  	[bflag:$0x0] =	sbarrier.arrive $0xFFFF  }
0x347: {  	_ =	sfence  }
0x348: {  	s0 =	simm.s32 $0x7  }
0x349: {  	s1 =	simm.s32 $0x200;
	s2 =	simm.s32 $0x3858;
	[sflag:s0] =	ssyncpa.u1 $0x0  }
0x34a: {  	[tilespmem:s2], [sflag:$0x7] =	stream.linear.gather [spmem:s1], $0x20, $0x38;
	[tilespmem:$0x1FE08] =	vst v63  }
0x34b: {  	s30 =	simm.s32 $0x3878;
	s1 =	simm.s32 $0x0  }
0x34c: {  	[tilespmem:s30], [sflag:$0x7] =	stream.linear.gather [spmem:s1], $0x200, $0x38;
	[tilespmem:$0x1FE08] =	vst v63  }
.Ltmp26:
0x34d: {  	_ = 	snop;
	(pc) =	sbr.rel .LBB2_34-.Ltmp26, $4  }
0x34e: {  	_ =	swait.ge [sflag:s0], $0x220  }
0x34f: {  	[sflag:s0] =	ssyncset.done $0x0  }
0x350: {  	s31 =	simm.s32 $0x8;
	[sflag:s0] =	ssyncadd.s32 $0xFFFFFDE0  }
0x351: {  	s2 =	simm.s32 $0x0;
	[sflag:s31] =	ssyncpa.u1 $0x0  }
.LBB2_39:
0x352: {  	p1 =	slt.u32 s4, $0x10000  }
0x353: {  	s0 =	sand.u32 @p1 $0xFFF8, s4  }
0x354: {  	s4 =	sand.u32 @p1 $0x7, s4;
	s5 =	simm.s32 @p1 $0x3838;
	s0 =	sadd.s32 @p1 s3, s0  }
0x355: {  	[tilespmem:s5], [sflag:$0x8] =	stream.linear.gather @p1 [hbm4b:s0+s4], $0x8, $0x38;
	[tilespmem:$0x1FE08] =	vst v63  }
0x356: {  	s0 =	simm.s32 @p1 $0x8  }
0x357: {  	_ =	swait.ge @p1 [sflag:s0], $0x8  }
0x358: {  	[sflag:s0] =	ssyncset.done @p1 $0x0  }
0x359: {  	[sflag:s0] =	ssyncadd.s32 @p1 $0xFFFFFFF8  }
0x35a: {  	v1 =	vld @p1 [tilespmem:$0x3838];
	_ =	sdelay $0x2  }
0x35b: {  	s0 =	sshll.u32 @p1 s2, $0x6  }
0x35c: {  	s5 =	sshll.u32 @!p1 s2, $0x6;
	s4 =	sshrl.u32 @p1 s0, $0x2  }
0x35d: {  	s5 =	smov.u32 @p1 s0;
	[tilespmem:s4+$0x3878] =	vst.add.f32.msk @p1 $0xffff, v1  }
0x35e: {  	s0 =	sshrl.u32 s5, $0x2;
	[tilespmem:s1+$0x3858] =	vst.msk $0x1, v0  }
0x35f: {  	v0 =	vld [tilespmem:s0+$0x3878];
	_ =	sdelay $0x2  }
0x360: {  	s31 =	sshll.u32 s1, $0x6  }
0x361: {  	s0 =	sshra.s32 s31, $0x2  }
0x362: {  	s1 =	sadd.s32 $0x1, s1;
	[tilespmem:s0+$0x3878] =	vst v0  }
.LBB2_41:
0x363: {  	s2 =	sadd.s32 $0x1, s2  }
0x364: {  	p1 =	sne.s32 s2, $0x20  }
.Ltmp27:
0x365: {  	_ = 	snop;
	(pc) =	sbr.rel @!p1 .LBB2_42-.Ltmp27, $1  }
0x366: {  	_ =	sdelay $0x3  }
.LBB2_34:
0x367: {  	v0 =	vld.msk [tilespmem:s2+$0x3858], $0x1;
	_ =	sdelay $0x4  }
0x368: {  	(v2sf) =	vpush v0, $0x0;
	_ =	sdelay $0xe  }
0x369: {  	s4 =	spop (v2sf)  }
0x36a: {  	p1 =	seq.s32 s4, $0xFFFFFFFF  }
.Ltmp28:
0x36b: {  	_ = 	snop;
	(pc) =	sbr.rel @p1 .LBB2_41-.Ltmp28, $1  }
0x36c: {  	_ =	sdelay $0x3  }
0x36d: {  	p1 =	slt.s32 s1, $0x1  }
.Ltmp29:
0x36e: {  	_ = 	snop;
	(pc) =	sbr.rel @p1 .LBB2_39-.Ltmp29, $1  }
0x36f: {  	_ =	sdelay $0x3  }
0x370: {  	s5 =	simm.s32 $0x3858;
	p1 =	por $0x0, $0x0  }
0x371: {  	v1 =	vld.msk @!p1 [tilespmem:s5+$0x0], $0x1;
	_ =	sdelay $0x4  }
0x372: {  	(v2sf) =	vpush @!p1 v1, $0x0;
	_ =	sdelay $0xd  }
0x373: {  	p3 =	sne.s32 s1, $0x1  }
.Ltmp30:
0x374: {  	s0 =	spop @!p1 (v2sf);
	(pc) =	sbr.rel @!p3 .LBB2_38-.Ltmp30, $4  }
0x375: {  	p2 =	seq.s32 @!p1 s4, s0  }
0x376: {  	s6 =	simm.s32 $0x0;
	p2 =	por !p2, p1  }
0x377: {  	s0 =	simm.s32 $0xFFFFFFFF;
	s6 =	simm.s32 @p2 $0xFFFFFFFF  }
0x378: {  	s7 =	simm.s32 $0x1;
	s6 =	smov.u32 @p1 s0  }
.LBB2_37:
0x379: {  	s0 =	smov.u32 s6;
	p1 =	sne.s32 s6, $0xFFFFFFFF  }
0x37a: {  	s5 =	sadd.s32 $0x1, s5;
	s6 =	smov.u32 s7;
	s7 =	sadd.s32 $0x1, s7  }
0x37b: {  	p2 =	sne.s32 s1, s7;
	v1 =	vld.msk @!p1 [tilespmem:s5+$0x0], $0x1;
	_ =	sdelay $0x4  }
0x37c: {  	(v2sf) =	vpush @!p1 v1, $0x0;
	_ =	sdelay $0xe  }
.Ltmp31:
0x37d: {  	s8 =	spop @!p1 (v2sf);
	(pc) =	sbr.rel @p2 .LBB2_37-.Ltmp31, $4  }
0x37e: {  	p3 =	seq.s32 @!p1 s4, s8  }
0x37f: {  	p3 =	por !p3, p1  }
0x380: {  	s6 =	simm.s32 @p3 $0xFFFFFFFF  }
0x381: {  	s6 =	smov.u32 @p1 s0  }
.LBB2_38:
0x382: {  	p1 =	sne.s32 s6, $0xFFFFFFFF  }
.Ltmp32:
0x383: {  	_ = 	snop;
	(pc) =	sbr.rel @!p1 .LBB2_39-.Ltmp32, $1  }
0x384: {  	_ =	sdelay $0x3  }
0x385: {  	s0 =	sshll.u32 s2, $0x4  }
0x386: {  	s0 =	sand.u32 $0x3FFFFFF0, s0  }
0x387: {  	v0 =	vld [tilespmem:s0+$0x3878]  }
.Ltmp33:
0x388: {  	_ = 	snop;
	(pc) =	sbr.rel .LBB2_41-.Ltmp33, $4  }
0x389: {  	_ = 	snop  }
0x38a: {  	s31 =	sshll.u32 s6, $0x6  }
0x38b: {  	s0 =	sshra.s32 s31, $0x2  }
0x38c: {  	[tilespmem:s0+$0x3878] =	vst.add.f32.msk $0xffff, v0  }
.LBB2_42:
0x38d: {  	p1 =	slt.s32 s1, $0x1  }
.Ltmp34:
0x38e: {  	_ = 	snop;
	(pc) =	sbr.rel @p1 .LBB2_46-.Ltmp34, $3  }
0x38f: {  	_ =	sdelay $0x1  }
0x390: {  	s0 =	simm.s32 $0x8  }
0x391: {  	s2 =	simm.s32 $0x0;
	[sflag:s0] =	ssyncpa.u1 $0x1  }
0x392: {  	s0 =	simm.s32 $0x3858  }
0x393: {  	v0 =	vld.msk [tilespmem:s0+$0x0], $0x1;
	_ =	sdelay $0x4  }
0x394: {  	(v2sf) =	vpush v0, $0x0;
	_ =	sdelay $0xd  }
0x395: {  	s1 =	sadd.s32 $0xFFFFFFFF, s1  }
0x396: {  	p2 =	sne.s32 s1, $0x0;
	s0 =	spop (v2sf)  }
.Ltmp35:
0x397: {  	p1 =	sgt.u32 s0, $0xFFFF;
	(pc) =	sbr.rel @!p2 .LBB2_45-.Ltmp35, $4  }
0x398: {  	s4 =	simm.s32 $0x3878;
	s5 =	sand.u32 @!p1 $0xFFF8, s0  }
0x399: {  	s6 =	simm.s32 $0x0;
	s0 =	sand.u32 @!p1 $0x7, s0;
	s5 =	sadd.s32 @!p1 s3, s5  }
0x39a: {  	[hbm4b:s5+s0] =	stream.linear.scatter @!p1 [tilespmem:s4], [sflag:$0x7], $0x8, $0x38;
	[tilespmem:$0x1FE08] =	vst v63  }
0x39b: {  	s6 =	simm.s32 @!p1 $0x20;
	s5 =	simm.s32 $0x3859  }
.LBB2_44:
0x39c: {  	v0 =	vld.msk [tilespmem:s5+$0x0], $0x1;
	s1 =	sadd.s32 $0xFFFFFFFF, s1;
	s2 =	sadd.s32 s2, s6  }
0x39d: {  	p1 =	sne.s32 s1, $0x0;
	_ =	sdelay $0x3  }
0x39e: {  	(v2sf) =	vpush v0, $0x0;
	_ =	sdelay $0xe  }
.Ltmp36:
0x39f: {  	s0 =	spop (v2sf);
	(pc) =	sbr.rel @p1 .LBB2_44-.Ltmp36, $4  }
0x3a0: {  	s6 =	simm.s32 $0x0;
	p2 =	sgt.u32 s0, $0xFFFF  }
0x3a1: {  	s4 =	sadd.s32 $0x10, s4;
	s6 =	simm.s32 @!p2 $0x20;
	s7 =	sand.u32 @!p2 $0xFFF8, s0  }
0x3a2: {  	s5 =	sadd.s32 $0x1, s5;
	s0 =	sand.u32 @!p2 $0x7, s0;
	s7 =	sadd.s32 @!p2 s3, s7  }
0x3a3: {  	[hbm4b:s7+s0] =	stream.linear.scatter @!p2 [tilespmem:s4], [sflag:$0x7], $0x8, $0x38;
	[tilespmem:$0x1FE08] =	vst v63  }
.LBB2_45:
0x3a4: {  	s0 =	sadd.s32 s2, s6  }
0x3a5: {  	s2 =	sshrl.u32 s0, $0x2  }
.LBB2_46:
0x3a6: {  	s0 =	simm.s32 $0x7  }
0x3a7: {  	_ =	swait.ge [sflag:s0], s2  }
0x3a8: {  	s1 =	ssub.s32 $0x0, s2;
	[sflag:s0] =	ssyncset.done $0x0  }
0x3a9: {  	[sflag:s0] =	ssyncadd.s32 s1  }
0x3aa: {  	[sflag:s0] =	ssyncpa.u1 $0x1  }
.LBB2_47:
0x3ab: {  	_ =	sfence;
	s0 =	simm.s32 $0x1  }
0x3ac: {  	[sflag:s0] =	ssyncpa.u1 $0x1  }
0x3ad: {  	_ =	strace $0x9000004D  }
0x3ae: {  	[bflag:$0x2] =	sbarrier.arrive $0xFFFF  }
0x3af: {  	s0 =	rddreg [dreg:$0x4]  }
0x3b0: {  	s0 =	sadd.s32 @!p0 $0x100000, s0  }
0x3b1: {  	[sflag:s0] =	ssyncadd.tile.s32 @!p0 $0x1;
	_ =	shalt  }
.Lfunc_end2:
_tile_overlayer_lowered:
.L_overlay_start_2:
0x3b2: {  	(tag) =	ssettag $0x2  }
0x3b3: {  	s0 =	rddreg [dreg:$0x0];
	s2 =	stileid.u32  }
0x3b4: {  	s1 =	rddreg [dreg:$0x1];
	p0 =	sne.s32 s2, $0x0  }
0x3b5: {  	s3 =	rddreg [dreg:$0x2];
	[bflag:$0x3] =	sbarrier.arrive $0xFFFF;
	s2 =	simm.s32 @!p0 $0x1C01  }
0x3b6: {  	[timem:s3], [sflag:s2] =	dma.local @!p0 [hbm:s0], s1  }
0x3b7: {  	s0 =	simm.s32 @!p0 $0x1  }
0x3b8: {  	_ =	swait.ge @!p0 [sflag:s0], s1  }
0x3b9: {  	s1 =	ssub.s32 @!p0 $0x0, s1;
	[sflag:s0] =	ssyncset.done @!p0 $0x0  }
0x3ba: {  	[sflag:s0] =	ssyncadd.s32 @!p0 s1  }
0x3bb: {  	[bflag:$0x3] =	sbarrier.arrive $0xFFFF  }
0x3bc: {  	_ =	shalt  }

</sc_bundles>
